<compile_context>
chip_gen: v7x
topology: tpu7x:2x2x1
jax: 0.10.2.dev20260603
libtpu: 0.0.44.dev20260713+nightly
codegen_flags: <defaults>
</compile_context>

<pallas_src>
import functools
import jax
import jax.numpy as jnp
from jax import lax
from jax.experimental import pallas as pl
from jax.experimental.pallas import tpu as pltpu
from jax.experimental.pallas import tpu_sc as plsc

N = 10000
E = 320000
F = 128

NC = 2
NS = 16
NW = NC * NS
CH = 80
NBUF = 3
NCHUNK = 126
EPW = NCHUNK * CH
EPAD = NW * EPW
TRASH = N
NROWS = 10240
RPT = NROWS // NS
DEGW = 128


def _sc_agg_body(hp_hbm, src_hbm, dst_hbm, zero_hbm, out_hbm,
                 sidx, didx, rows, acc,
                 gsem0, gsem1, gsem2, isem0, isem1, isem2,
                 ssem0, ssem1, ssem2):
    c = lax.axis_index("c")
    s = lax.axis_index("s")
    w = c * NS + s
    pltpu.sync_copy(zero_hbm, acc.at[pl.ds(s * RPT, RPT)])
    plsc.subcore_barrier()

    gsems = (gsem0, gsem1, gsem2)
    isems = (isem0, isem1, isem2)
    ssems = (ssem0, ssem1, ssem2)
    HC = CH // 2

    def gather_issue(b):
        pltpu.async_copy(hp_hbm.at[sidx.at[b]], rows.at[b], gsems[b])

    def gather_wait(b):
        pltpu.make_async_copy(
            hp_hbm.at[sidx.at[b]], rows.at[b], gsems[b]).wait()

    pltpu.sync_copy(dst_hbm.at[w], didx)

    for b in range(NBUF):
        pltpu.async_copy(src_hbm.at[w, b], sidx.at[b], isems[b])
    for b in range(NBUF - 1):
        pltpu.make_async_copy(src_hbm.at[w, b], sidx.at[b], isems[b]).wait()
        gather_issue(b)

    def round_fn(i, carry):
        for b in range(NBUF):
            j = i * NBUF + b
            bg = (b + NBUF - 1) % NBUF

            gather_wait(b)
            pltpu.async_copy(rows.at[b], acc.at[didx.at[j]], ssems[b],
                             add=True)

            @pl.when(j + NBUF - 1 < NCHUNK)
            def _():
                pltpu.make_async_copy(
                    src_hbm.at[w, j + NBUF - 1],
                    sidx.at[bg], isems[bg]).wait()

                @pl.when(j >= 1)
                def _():
                    pltpu.make_async_copy(
                        rows.at[bg], acc.at[didx.at[bg]], ssems[bg]).wait()

                gather_issue(bg)

            @pl.when(j + NBUF < NCHUNK)
            def _():
                pltpu.async_copy(
                    src_hbm.at[w, j + NBUF], sidx.at[b], isems[b])
        return carry

    lax.fori_loop(0, NCHUNK // NBUF, round_fn, 0)
    for b in range(NBUF):
        pltpu.make_async_copy(
            rows.at[b], acc.at[didx.at[b]], ssems[b]).wait()
    plsc.subcore_barrier()
    pltpu.sync_copy(acc.at[pl.ds(s * RPT, RPT)],
                    out_hbm.at[c, pl.ds(s * RPT, RPT)])


@functools.lru_cache(maxsize=None)
def _sc_agg_kernel():
    mesh = plsc.VectorSubcoreMesh(
        core_axis_name="c", subcore_axis_name="s",
        num_cores=NC, num_subcores=NS)
    return pl.kernel(
        _sc_agg_body,
        out_type=jax.ShapeDtypeStruct((NC, NROWS, F), jnp.float32),
        mesh=mesh,
        scratch_types=[
            pltpu.VMEM((NBUF, CH), jnp.int32),
            pltpu.VMEM((NCHUNK, CH), jnp.int32),
            pltpu.VMEM((NBUF, CH, F), jnp.float32),
            pltpu.VMEM_SHARED((NROWS, F), jnp.float32),
            pltpu.SemaphoreType.DMA,
            pltpu.SemaphoreType.DMA,
            pltpu.SemaphoreType.DMA,
            pltpu.SemaphoreType.DMA,
            pltpu.SemaphoreType.DMA,
            pltpu.SemaphoreType.DMA,
            pltpu.SemaphoreType.DMA,
            pltpu.SemaphoreType.DMA,
            pltpu.SemaphoreType.DMA,
        ],
    )


def _sc_deg_body(dst_hbm, zero_hbm, ones_hbm, out_hbm,
                 didx, ones_v, acc, dsem0, dsem1, dsem2):
    c = lax.axis_index("c")
    s = lax.axis_index("s")
    w = c * NS + s
    pltpu.sync_copy(ones_hbm, ones_v)
    pltpu.sync_copy(zero_hbm, acc.at[pl.ds(s * RPT, RPT)])
    pltpu.sync_copy(dst_hbm.at[w], didx)
    plsc.subcore_barrier()

    dsems = (dsem0, dsem1, dsem2)

    def chunk(j, carry):
        for p in range(NBUF):
            @pl.when(j + p >= NBUF)
            def _():
                pltpu.make_async_copy(
                    ones_v, acc.at[didx.at[p]], dsems[p]).wait()
            pltpu.async_copy(
                ones_v, acc.at[didx.at[j + p]], dsems[p], add=True)
        return carry

    lax.fori_loop(0, NCHUNK // NBUF, lambda i, car: chunk(i * NBUF, car), 0)
    for p in range(NBUF):
        pltpu.make_async_copy(ones_v, acc.at[didx.at[p]], dsems[p]).wait()
    plsc.subcore_barrier()
    pltpu.sync_copy(acc.at[pl.ds(s * RPT, RPT)],
                    out_hbm.at[c, pl.ds(s * RPT, RPT)])


@functools.lru_cache(maxsize=None)
def _sc_deg_kernel():
    mesh = plsc.VectorSubcoreMesh(
        core_axis_name="c", subcore_axis_name="s",
        num_cores=NC, num_subcores=NS)
    return pl.kernel(
        _sc_deg_body,
        out_type=jax.ShapeDtypeStruct((NC, NROWS, DEGW), jnp.float32),
        mesh=mesh,
        scratch_types=[
            pltpu.VMEM((NCHUNK, CH), jnp.int32),
            pltpu.VMEM((CH, DEGW), jnp.float32),
            pltpu.VMEM_SHARED((NROWS, DEGW), jnp.float32),
            pltpu.SemaphoreType.DMA,
            pltpu.SemaphoreType.DMA,
            pltpu.SemaphoreType.DMA,
        ],
    )


BR = 512
GRID = NROWS // BR


def _dis_block(degp):
    deg = degp[0, :, 0:1] + degp[1, :, 0:1] + 1.0
    return lax.rsqrt(deg)


def _tc_first_body(x_ref, w_ref, degp_ref, out_ref):
    dis = _dis_block(degp_ref[...])
    h = jnp.dot(x_ref[...], w_ref[...], preferred_element_type=jnp.float32)
    out_ref[...] = h * dis


def _tc_mid_body(accp_ref, hp_ref, degp_ref, b_ref, w_ref, out_ref):
    dis = _dis_block(degp_ref[...])
    accp = accp_ref[...]
    a = jnp.tanh((accp[0] + accp[1] + hp_ref[...]) * dis + b_ref[...])
    out_ref[...] = jnp.dot(a, w_ref[...],
                           preferred_element_type=jnp.float32) * dis


def _tc_last_body(accp_ref, hp_ref, degp_ref, b_ref, out_ref):
    dis = _dis_block(degp_ref[...])
    accp = accp_ref[...]
    out_ref[...] = (accp[0] + accp[1] + hp_ref[...]) * dis + b_ref[...]


_row_spec = pl.BlockSpec((BR, F), lambda i: (i, 0))
_acc_spec = pl.BlockSpec((NC, BR, F), lambda i: (0, i, 0))
_deg_spec = pl.BlockSpec((NC, BR, DEGW), lambda i: (0, i, 0))
_w_spec = pl.BlockSpec((F, F), lambda i: (0, 0))
_b_spec = pl.BlockSpec((1, F), lambda i: (0, 0))
_out_sd = jax.ShapeDtypeStruct((NROWS, F), jnp.float32)

_tc_first = pl.pallas_call(
    _tc_first_body, grid=(GRID,),
    in_specs=[_row_spec, _w_spec, _deg_spec],
    out_specs=_row_spec, out_shape=_out_sd)

_tc_mid = pl.pallas_call(
    _tc_mid_body, grid=(GRID,),
    in_specs=[_acc_spec, _row_spec, _deg_spec, _b_spec, _w_spec],
    out_specs=_row_spec, out_shape=_out_sd)

_tc_last = pl.pallas_call(
    _tc_last_body, grid=(GRID,),
    in_specs=[_acc_spec, _row_spec, _deg_spec, _b_spec],
    out_specs=_row_spec, out_shape=_out_sd)



@jax.jit
def kernel(t, x, edge_index, W1, b1, W2, b2, W3, b3):
    del t
    src = edge_index[0]
    dst = edge_index[1]
    pad = EPAD - E
    srcp = jnp.concatenate(
        [src, jnp.zeros((pad,), jnp.int32)]).reshape(NW, NCHUNK, CH)
    dstp = jnp.concatenate(
        [dst, jnp.full((pad,), TRASH, jnp.int32)]).reshape(NW, NCHUNK, CH)

    xp = jnp.pad(x, ((0, NROWS - N), (0, 0)))
    zero_f = jnp.zeros((RPT, F), jnp.float32)
    zero_g = jnp.zeros((RPT, DEGW), jnp.float32)
    ones_d = jnp.ones((CH, DEGW), jnp.float32)
    b1r = b1.reshape(1, F)
    b2r = b2.reshape(1, F)
    b3r = b3.reshape(1, F)

    sc_deg = _sc_deg_kernel()
    sc_agg = _sc_agg_kernel()
    degp = sc_deg(dstp, zero_g, ones_d)

    hp1 = _tc_first(xp, W1, degp)
    acc1 = sc_agg(hp1, srcp, dstp, zero_f)
    hp2 = _tc_mid(acc1, hp1, degp, b1r, W2)
    acc2 = sc_agg(hp2, srcp, dstp, zero_f)
    hp3 = _tc_mid(acc2, hp2, degp, b2r, W3)
    acc3 = sc_agg(hp3, srcp, dstp, zero_f)
    out = _tc_last(acc3, hp3, degp, b3r)
    return out[:N]

# --- scband reference (transcript-rebuilt; emitter-appended) ---
"""Pipeline reference for scband-graph-odefunc-gnode-7035156431295 (READ-ONLY COPY).

The authoritative reference and input builder live on the scoring server;
editing this copy changes nothing except your own understanding.
"""

import jax, jax.numpy as jnp
import numpy as np

N = 10000
E = 320000
F_IN = 128
H = 128


def gcn_conv(x, edge_index, W, b):
    # PyG-style GCNConv: add self-loops, symmetric normalization, linear, aggregate, bias
    src = edge_index[0]
    dst = edge_index[1]
    loop = jnp.arange(N, dtype=src.dtype)
    src = jnp.concatenate([src, loop])
    dst = jnp.concatenate([dst, loop])
    deg = jnp.zeros((N,), dtype=x.dtype).at[dst].add(1.0)
    deg_inv_sqrt = jnp.where(deg > 0, deg ** -0.5, 0.0)
    norm = deg_inv_sqrt[src] * deg_inv_sqrt[dst]
    h = x @ W
    msg = h[src] * norm[:, None]
    out = jax.ops.segment_sum(msg, dst, num_segments=N)
    return out + b


def setup_inputs(seed: int = 0):
    key = jax.random.key(seed)
    ks = jax.random.split(key, 8)
    t = jnp.zeros((1,), dtype=jnp.float32)
    x = jax.random.normal(ks[0], (N, F_IN), dtype=jnp.float32)
    edge_index = jax.random.randint(ks[1], (2, E), 0, N, dtype=jnp.int32)
    def glorot(k, fan_in, fan_out):
        a = np.sqrt(6.0 / (fan_in + fan_out))
        return jax.random.uniform(k, (fan_in, fan_out), dtype=jnp.float32, minval=-a, maxval=a)
    W1 = glorot(ks[2], F_IN, H)
    b1 = jnp.zeros((H,), dtype=jnp.float32)
    W2 = glorot(ks[3], H, H)
    b2 = jnp.zeros((H,), dtype=jnp.float32)
    W3 = glorot(ks[4], H, F_IN)
    b3 = jnp.zeros((F_IN,), dtype=jnp.float32)
    return {"t": t, "x": x, "edge_index": edge_index, "W1": W1, "b1": b1, "W2": W2, "b2": b2, "W3": W3, "b3": b3}


def reference(t, x, edge_index, W1, b1, W2, b2, W3, b3):
    # t is part of the ODE-func signature but unused by the module math
    h = gcn_conv(x, edge_index, W1, b1)
    h = jnp.tanh(h)
    h = gcn_conv(h, edge_index, W2, b2)
    h = jnp.tanh(h)
    h = gcn_conv(h, edge_index, W3, b3)
    return h

if __name__ == "__main__":
    import jax
    _d = setup_inputs()
    print(jax.jit(kernel)(*tuple(_d.values())))

</pallas_src>

<mosaic_0001>
#map = affine_map<(d0, d1) -> (0, 0)>
#map1 = affine_map<(d0, d1) -> (0, 0, 0)>
module attributes {stable_mosaic.version = 14 : i64} {
  func.func @_sc_agg_body(%arg0: i32, %arg1: i32, %arg2: memref<10240x128xf32, #tpu.memory_space<hbm>>, %arg3: memref<32x126x80xi32, #tpu.memory_space<hbm>>, %arg4: memref<32x126x80xi32, #tpu.memory_space<hbm>>, %arg5: memref<640x128xf32, #tpu.memory_space<hbm>>, %arg6: memref<2x10240x128xf32, #tpu.memory_space<hbm>>, %arg7: memref<3x80xi32, #tpu.memory_space<vmem>>, %arg8: memref<126x80xi32, #tpu.memory_space<vmem>>, %arg9: memref<3x80x128xf32, #tpu.memory_space<vmem>>, %arg10: memref<10240x128xf32, #tpu.memory_space<vmem_shared>>, %arg11: memref<!tpu.dma_semaphore, #tpu.memory_space<semaphore_mem>>, %arg12: memref<!tpu.dma_semaphore, #tpu.memory_space<semaphore_mem>>, %arg13: memref<!tpu.dma_semaphore, #tpu.memory_space<semaphore_mem>>, %arg14: memref<!tpu.dma_semaphore, #tpu.memory_space<semaphore_mem>>, %arg15: memref<!tpu.dma_semaphore, #tpu.memory_space<semaphore_mem>>, %arg16: memref<!tpu.dma_semaphore, #tpu.memory_space<semaphore_mem>>, %arg17: memref<!tpu.dma_semaphore, #tpu.memory_space<semaphore_mem>>, %arg18: memref<!tpu.dma_semaphore, #tpu.memory_space<semaphore_mem>>, %arg19: memref<!tpu.dma_semaphore, #tpu.memory_space<semaphore_mem>>) attributes {dimension_semantics = [#tpu.dimension_semantics<core_parallel>, #tpu.dimension_semantics<subcore_parallel>], iteration_bounds = array<i64: 2, 16>, scalar_prefetch = 0 : i64, scratch_operands = 13 : i64, tpu.core_type = #tpu.core_type<sc_vector_subcore>, window_params = [{transform_indices = #map}, {transform_indices = #map1}, {transform_indices = #map1}, {transform_indices = #map}, {transform_indices = #map1}]} {
    %mul3A = arith.constant 16 : i32
    %mul3A_0 = arith.muli %arg0, %mul3A : i32
    %add3A = arith.addi %mul3A_0, %arg1 : i32
    %mul3A_1 = arith.constant 640 : i32
    %mul3A_2 = arith.muli %arg1, %mul3A_1 : i32
    "tpu.region"() ({
      %run_scoped3A = tpu.sem_alloc : memref<!tpu.dma_semaphore, #tpu.memory_space<semaphore_mem>>
      %dma_start3A_141 = arith.constant 0 : i32
      %dma_start3A_142 = tpu.memref_slice %arg10[%mul3A_2, %dma_start3A_141] : memref<10240x128xf32, #tpu.memory_space<vmem_shared>> -> memref<640x128xf32, #tpu.memory_space<vmem_shared>>
      tpu.enqueue_dma source(%arg5 : memref<640x128xf32, #tpu.memory_space<hbm>>) target(%dma_start3A_142 : memref<640x128xf32, #tpu.memory_space<vmem_shared>>) target_semaphore(%run_scoped3A : memref<!tpu.dma_semaphore, #tpu.memory_space<semaphore_mem>>)
      %dma_wait3A_143 = arith.constant 0 : i32
      %dma_wait3A_144 = tpu.memref_slice %arg10[%mul3A_2, %dma_wait3A_143] : memref<10240x128xf32, #tpu.memory_space<vmem_shared>> -> memref<640x128xf32, #tpu.memory_space<vmem_shared>>
      tpu.wait_dma2 semaphore(%run_scoped3A : memref<!tpu.dma_semaphore, #tpu.memory_space<semaphore_mem>>) src(%arg5 : memref<640x128xf32, #tpu.memory_space<hbm>>) dst(%dma_wait3A_144 : memref<640x128xf32, #tpu.memory_space<vmem_shared>>)
      tpu.yield
    }) : () -> ()
    %barrier3A = arith.constant 0 : index
    tpu.barrier barrier_id(%barrier3A)
    "tpu.region"() ({
      %run_scoped3A = tpu.sem_alloc : memref<!tpu.dma_semaphore, #tpu.memory_space<semaphore_mem>>
      %dma_start3A_141 = arith.constant 0 : i32
      %dma_start3A_142 = arith.constant 0 : i32
      %dma_start3A_143 = tpu.memref_slice %arg4[%add3A, %dma_start3A_141, %dma_start3A_142] : memref<32x126x80xi32, #tpu.memory_space<hbm>> -> memref<1x126x80xi32, #tpu.memory_space<hbm>>
      %dma_start3A_144 = tpu.memref_squeeze %dma_start3A_143 : memref<1x126x80xi32, #tpu.memory_space<hbm>> -> memref<126x80xi32, #tpu.memory_space<hbm>>
      %dma_start3A_145 = arith.constant 0 : i32
      %dma_start3A_146 = arith.constant 0 : i32
      %dma_start3A_147 = tpu.memref_slice %arg4[%add3A, %dma_start3A_145, %dma_start3A_146] : memref<32x126x80xi32, #tpu.memory_space<hbm>> -> memref<1x126x80xi32, #tpu.memory_space<hbm>>
      %dma_start3A_148 = tpu.memref_squeeze %dma_start3A_147 : memref<1x126x80xi32, #tpu.memory_space<hbm>> -> memref<126x80xi32, #tpu.memory_space<hbm>>
      tpu.enqueue_dma source(%dma_start3A_148 : memref<126x80xi32, #tpu.memory_space<hbm>>) target(%arg8 : memref<126x80xi32, #tpu.memory_space<vmem>>) target_semaphore(%run_scoped3A : memref<!tpu.dma_semaphore, #tpu.memory_space<semaphore_mem>>)
      %dma_wait3A_149 = arith.constant 0 : i32
      %dma_wait3A_150 = arith.constant 0 : i32
      %dma_wait3A_151 = tpu.memref_slice %arg4[%add3A, %dma_wait3A_149, %dma_wait3A_150] : memref<32x126x80xi32, #tpu.memory_space<hbm>> -> memref<1x126x80xi32, #tpu.memory_space<hbm>>
      %dma_wait3A_152 = tpu.memref_squeeze %dma_wait3A_151 : memref<1x126x80xi32, #tpu.memory_space<hbm>> -> memref<126x80xi32, #tpu.memory_space<hbm>>
      %dma_wait3A_153 = arith.constant 0 : i32
      %dma_wait3A_154 = arith.constant 0 : i32
      %dma_wait3A_155 = tpu.memref_slice %arg4[%add3A, %dma_wait3A_153, %dma_wait3A_154] : memref<32x126x80xi32, #tpu.memory_space<hbm>> -> memref<1x126x80xi32, #tpu.memory_space<hbm>>
      %dma_wait3A_156 = tpu.memref_squeeze %dma_wait3A_155 : memref<1x126x80xi32, #tpu.memory_space<hbm>> -> memref<126x80xi32, #tpu.memory_space<hbm>>
      tpu.wait_dma2 semaphore(%run_scoped3A : memref<!tpu.dma_semaphore, #tpu.memory_space<semaphore_mem>>) src(%dma_wait3A_156 : memref<126x80xi32, #tpu.memory_space<hbm>>) dst(%arg8 : memref<126x80xi32, #tpu.memory_space<vmem>>)
      tpu.yield
    }) : () -> ()
    %dma_start3A = arith.constant 0 : i32
    %dma_start3A_3 = arith.constant 0 : i32
    %dma_start3A_4 = arith.constant 0 : i32
    %dma_start3A_5 = tpu.memref_slice %arg7[%dma_start3A_3, %dma_start3A_4] : memref<3x80xi32, #tpu.memory_space<vmem>> -> memref<1x80xi32, #tpu.memory_space<vmem>>
    %dma_start3A_6 = tpu.memref_squeeze %dma_start3A_5 : memref<1x80xi32, #tpu.memory_space<vmem>> -> memref<80xi32, #tpu.memory_space<vmem>>
    %dma_start3A_7 = arith.constant 0 : i32
    %dma_start3A_8 = tpu.memref_slice %arg3[%add3A, %dma_start3A, %dma_start3A_7] : memref<32x126x80xi32, #tpu.memory_space<hbm>> -> memref<1x1x80xi32, #tpu.memory_space<hbm>>
    %dma_start3A_9 = tpu.memref_squeeze %dma_start3A_8 : memref<1x1x80xi32, #tpu.memory_space<hbm>> -> memref<80xi32, #tpu.memory_space<hbm>>
    %dma_start3A_10 = arith.constant 0 : i32
    %dma_start3A_11 = tpu.memref_slice %arg7[%dma_start3A_3, %dma_start3A_10] : memref<3x80xi32, #tpu.memory_space<vmem>> -> memref<1x80xi32, #tpu.memory_space<vmem>>
    %dma_start3A_12 = tpu.memref_squeeze %dma_start3A_11 : memref<1x80xi32, #tpu.memory_space<vmem>> -> memref<80xi32, #tpu.memory_space<vmem>>
    %dma_start3A_13 = arith.constant 0 : i32
    %dma_start3A_14 = tpu.memref_slice %arg3[%add3A, %dma_start3A, %dma_start3A_13] : memref<32x126x80xi32, #tpu.memory_space<hbm>> -> memref<1x1x80xi32, #tpu.memory_space<hbm>>
    %dma_start3A_15 = tpu.memref_squeeze %dma_start3A_14 : memref<1x1x80xi32, #tpu.memory_space<hbm>> -> memref<80xi32, #tpu.memory_space<hbm>>
    tpu.enqueue_dma source(%dma_start3A_15 : memref<80xi32, #tpu.memory_space<hbm>>) target(%dma_start3A_12 : memref<80xi32, #tpu.memory_space<vmem>>) target_semaphore(%arg14 : memref<!tpu.dma_semaphore, #tpu.memory_space<semaphore_mem>>)
    %dma_start3A_16 = arith.constant 1 : i32
    %dma_start3A_17 = arith.constant 1 : i32
    %dma_start3A_18 = arith.constant 0 : i32
    %dma_start3A_19 = tpu.memref_slice %arg7[%dma_start3A_17, %dma_start3A_18] : memref<3x80xi32, #tpu.memory_space<vmem>> -> memref<1x80xi32, #tpu.memory_space<vmem>>
    %dma_start3A_20 = tpu.memref_squeeze %dma_start3A_19 : memref<1x80xi32, #tpu.memory_space<vmem>> -> memref<80xi32, #tpu.memory_space<vmem>>
    %dma_start3A_21 = arith.constant 0 : i32
    %dma_start3A_22 = tpu.memref_slice %arg3[%add3A, %dma_start3A_16, %dma_start3A_21] : memref<32x126x80xi32, #tpu.memory_space<hbm>> -> memref<1x1x80xi32, #tpu.memory_space<hbm>>
    %dma_start3A_23 = tpu.memref_squeeze %dma_start3A_22 : memref<1x1x80xi32, #tpu.memory_space<hbm>> -> memref<80xi32, #tpu.memory_space<hbm>>
    %dma_start3A_24 = arith.constant 0 : i32
    %dma_start3A_25 = tpu.memref_slice %arg7[%dma_start3A_17, %dma_start3A_24] : memref<3x80xi32, #tpu.memory_space<vmem>> -> memref<1x80xi32, #tpu.memory_space<vmem>>
    %dma_start3A_26 = tpu.memref_squeeze %dma_start3A_25 : memref<1x80xi32, #tpu.memory_space<vmem>> -> memref<80xi32, #tpu.memory_space<vmem>>
    %dma_start3A_27 = arith.constant 0 : i32
    %dma_start3A_28 = tpu.memref_slice %arg3[%add3A, %dma_start3A_16, %dma_start3A_27] : memref<32x126x80xi32, #tpu.memory_space<hbm>> -> memref<1x1x80xi32, #tpu.memory_space<hbm>>
    %dma_start3A_29 = tpu.memref_squeeze %dma_start3A_28 : memref<1x1x80xi32, #tpu.memory_space<hbm>> -> memref<80xi32, #tpu.memory_space<hbm>>
    tpu.enqueue_dma source(%dma_start3A_29 : memref<80xi32, #tpu.memory_space<hbm>>) target(%dma_start3A_26 : memref<80xi32, #tpu.memory_space<vmem>>) target_semaphore(%arg15 : memref<!tpu.dma_semaphore, #tpu.memory_space<semaphore_mem>>)
    %dma_start3A_30 = arith.constant 2 : i32
    %dma_start3A_31 = arith.constant 2 : i32
    %dma_start3A_32 = arith.constant 0 : i32
    %dma_start3A_33 = tpu.memref_slice %arg7[%dma_start3A_31, %dma_start3A_32] : memref<3x80xi32, #tpu.memory_space<vmem>> -> memref<1x80xi32, #tpu.memory_space<vmem>>
    %dma_start3A_34 = tpu.memref_squeeze %dma_start3A_33 : memref<1x80xi32, #tpu.memory_space<vmem>> -> memref<80xi32, #tpu.memory_space<vmem>>
    %dma_start3A_35 = arith.constant 0 : i32
    %dma_start3A_36 = tpu.memref_slice %arg3[%add3A, %dma_start3A_30, %dma_start3A_35] : memref<32x126x80xi32, #tpu.memory_space<hbm>> -> memref<1x1x80xi32, #tpu.memory_space<hbm>>
    %dma_start3A_37 = tpu.memref_squeeze %dma_start3A_36 : memref<1x1x80xi32, #tpu.memory_space<hbm>> -> memref<80xi32, #tpu.memory_space<hbm>>
    %dma_start3A_38 = arith.constant 0 : i32
    %dma_start3A_39 = tpu.memref_slice %arg7[%dma_start3A_31, %dma_start3A_38] : memref<3x80xi32, #tpu.memory_space<vmem>> -> memref<1x80xi32, #tpu.memory_space<vmem>>
    %dma_start3A_40 = tpu.memref_squeeze %dma_start3A_39 : memref<1x80xi32, #tpu.memory_space<vmem>> -> memref<80xi32, #tpu.memory_space<vmem>>
    %dma_start3A_41 = arith.constant 0 : i32
    %dma_start3A_42 = tpu.memref_slice %arg3[%add3A, %dma_start3A_30, %dma_start3A_41] : memref<32x126x80xi32, #tpu.memory_space<hbm>> -> memref<1x1x80xi32, #tpu.memory_space<hbm>>
    %dma_start3A_43 = tpu.memref_squeeze %dma_start3A_42 : memref<1x1x80xi32, #tpu.memory_space<hbm>> -> memref<80xi32, #tpu.memory_space<hbm>>
    tpu.enqueue_dma source(%dma_start3A_43 : memref<80xi32, #tpu.memory_space<hbm>>) target(%dma_start3A_40 : memref<80xi32, #tpu.memory_space<vmem>>) target_semaphore(%arg16 : memref<!tpu.dma_semaphore, #tpu.memory_space<semaphore_mem>>)
    %dma_wait3A = arith.constant 0 : i32
    %dma_wait3A_44 = arith.constant 0 : i32
    %dma_wait3A_45 = arith.constant 0 : i32
    %dma_wait3A_46 = tpu.memref_slice %arg7[%dma_wait3A_44, %dma_wait3A_45] : memref<3x80xi32, #tpu.memory_space<vmem>> -> memref<1x80xi32, #tpu.memory_space<vmem>>
    %dma_wait3A_47 = tpu.memref_squeeze %dma_wait3A_46 : memref<1x80xi32, #tpu.memory_space<vmem>> -> memref<80xi32, #tpu.memory_space<vmem>>
    %dma_wait3A_48 = arith.constant 0 : i32
    %dma_wait3A_49 = tpu.memref_slice %arg3[%add3A, %dma_wait3A, %dma_wait3A_48] : memref<32x126x80xi32, #tpu.memory_space<hbm>> -> memref<1x1x80xi32, #tpu.memory_space<hbm>>
    %dma_wait3A_50 = tpu.memref_squeeze %dma_wait3A_49 : memref<1x1x80xi32, #tpu.memory_space<hbm>> -> memref<80xi32, #tpu.memory_space<hbm>>
    %dma_wait3A_51 = arith.constant 0 : i32
    %dma_wait3A_52 = tpu.memref_slice %arg7[%dma_wait3A_44, %dma_wait3A_51] : memref<3x80xi32, #tpu.memory_space<vmem>> -> memref<1x80xi32, #tpu.memory_space<vmem>>
    %dma_wait3A_53 = tpu.memref_squeeze %dma_wait3A_52 : memref<1x80xi32, #tpu.memory_space<vmem>> -> memref<80xi32, #tpu.memory_space<vmem>>
    %dma_wait3A_54 = arith.constant 0 : i32
    %dma_wait3A_55 = tpu.memref_slice %arg3[%add3A, %dma_wait3A, %dma_wait3A_54] : memref<32x126x80xi32, #tpu.memory_space<hbm>> -> memref<1x1x80xi32, #tpu.memory_space<hbm>>
    %dma_wait3A_56 = tpu.memref_squeeze %dma_wait3A_55 : memref<1x1x80xi32, #tpu.memory_space<hbm>> -> memref<80xi32, #tpu.memory_space<hbm>>
    tpu.wait_dma2 semaphore(%arg14 : memref<!tpu.dma_semaphore, #tpu.memory_space<semaphore_mem>>) src(%dma_wait3A_56 : memref<80xi32, #tpu.memory_space<hbm>>) dst(%dma_wait3A_53 : memref<80xi32, #tpu.memory_space<vmem>>)
    %dma_start3A_57 = arith.constant 0 : i32
    %dma_start3A_58 = arith.constant 0 : i32
    %dma_start3A_59 = arith.constant 0 : i32
    %dma_start3A_60 = arith.constant 0 : i32
    %dma_start3A_61 = tpu.memref_slice %arg9[%dma_start3A_58, %dma_start3A_59, %dma_start3A_60] : memref<3x80x128xf32, #tpu.memory_space<vmem>> -> memref<1x80x128xf32, #tpu.memory_space<vmem>>
    %dma_start3A_62 = tpu.memref_squeeze %dma_start3A_61 : memref<1x80x128xf32, #tpu.memory_space<vmem>> -> memref<80x128xf32, #tpu.memory_space<vmem>>
    %dma_start3A_63 = arith.constant 0 : i32
    %dma_start3A_64 = tpu.memref_slice %arg7[%dma_start3A_57, %dma_start3A_63] : memref<3x80xi32, #tpu.memory_space<vmem>> -> memref<1x80xi32, #tpu.memory_space<vmem>>
    %dma_start3A_65 = tpu.memref_squeeze %dma_start3A_64 : memref<1x80xi32, #tpu.memory_space<vmem>> -> memref<80xi32, #tpu.memory_space<vmem>>
    %dma_start3A_66 = arith.constant 0 : i32
    %dma_start3A_67 = arith.constant 0 : i32
    %dma_start3A_68 = tpu.memref_slice %arg2[%dma_start3A_66, %dma_start3A_67] : memref<10240x128xf32, #tpu.memory_space<hbm>> -> memref<10240x128xf32, #tpu.memory_space<hbm>>
    tpu.enqueue_indirect_dma source(%dma_start3A_68 : memref<10240x128xf32, #tpu.memory_space<hbm>>) target(%dma_start3A_62 : memref<80x128xf32, #tpu.memory_space<vmem>>) offsets(%dma_start3A_65 : memref<80xi32, #tpu.memory_space<vmem>>) semaphore(%arg11 : memref<!tpu.dma_semaphore, #tpu.memory_space<semaphore_mem>>)
    %dma_wait3A_69 = arith.constant 1 : i32
    %dma_wait3A_70 = arith.constant 1 : i32
    %dma_wait3A_71 = arith.constant 0 : i32
    %dma_wait3A_72 = tpu.memref_slice %arg7[%dma_wait3A_70, %dma_wait3A_71] : memref<3x80xi32, #tpu.memory_space<vmem>> -> memref<1x80xi32, #tpu.memory_space<vmem>>
    %dma_wait3A_73 = tpu.memref_squeeze %dma_wait3A_72 : memref<1x80xi32, #tpu.memory_space<vmem>> -> memref<80xi32, #tpu.memory_space<vmem>>
    %dma_wait3A_74 = arith.constant 0 : i32
    %dma_wait3A_75 = tpu.memref_slice %arg3[%add3A, %dma_wait3A_69, %dma_wait3A_74] : memref<32x126x80xi32, #tpu.memory_space<hbm>> -> memref<1x1x80xi32, #tpu.memory_space<hbm>>
    %dma_wait3A_76 = tpu.memref_squeeze %dma_wait3A_75 : memref<1x1x80xi32, #tpu.memory_space<hbm>> -> memref<80xi32, #tpu.memory_space<hbm>>
    %dma_wait3A_77 = arith.constant 0 : i32
    %dma_wait3A_78 = tpu.memref_slice %arg7[%dma_wait3A_70, %dma_wait3A_77] : memref<3x80xi32, #tpu.memory_space<vmem>> -> memref<1x80xi32, #tpu.memory_space<vmem>>
    %dma_wait3A_79 = tpu.memref_squeeze %dma_wait3A_78 : memref<1x80xi32, #tpu.memory_space<vmem>> -> memref<80xi32, #tpu.memory_space<vmem>>
    %dma_wait3A_80 = arith.constant 0 : i32
    %dma_wait3A_81 = tpu.memref_slice %arg3[%add3A, %dma_wait3A_69, %dma_wait3A_80] : memref<32x126x80xi32, #tpu.memory_space<hbm>> -> memref<1x1x80xi32, #tpu.memory_space<hbm>>
    %dma_wait3A_82 = tpu.memref_squeeze %dma_wait3A_81 : memref<1x1x80xi32, #tpu.memory_space<hbm>> -> memref<80xi32, #tpu.memory_space<hbm>>
    tpu.wait_dma2 semaphore(%arg15 : memref<!tpu.dma_semaphore, #tpu.memory_space<semaphore_mem>>) src(%dma_wait3A_82 : memref<80xi32, #tpu.memory_space<hbm>>) dst(%dma_wait3A_79 : memref<80xi32, #tpu.memory_space<vmem>>)
    %dma_start3A_83 = arith.constant 1 : i32
    %dma_start3A_84 = arith.constant 1 : i32
    %dma_start3A_85 = arith.constant 0 : i32
    %dma_start3A_86 = arith.constant 0 : i32
    %dma_start3A_87 = tpu.memref_slice %arg9[%dma_start3A_84, %dma_start3A_85, %dma_start3A_86] : memref<3x80x128xf32, #tpu.memory_space<vmem>> -> memref<1x80x128xf32, #tpu.memory_space<vmem>>
    %dma_start3A_88 = tpu.memref_squeeze %dma_start3A_87 : memref<1x80x128xf32, #tpu.memory_space<vmem>> -> memref<80x128xf32, #tpu.memory_space<vmem>>
    %dma_start3A_89 = arith.constant 0 : i32
    %dma_start3A_90 = tpu.memref_slice %arg7[%dma_start3A_83, %dma_start3A_89] : memref<3x80xi32, #tpu.memory_space<vmem>> -> memref<1x80xi32, #tpu.memory_space<vmem>>
    %dma_start3A_91 = tpu.memref_squeeze %dma_start3A_90 : memref<1x80xi32, #tpu.memory_space<vmem>> -> memref<80xi32, #tpu.memory_space<vmem>>
    %dma_start3A_92 = arith.constant 0 : i32
    %dma_start3A_93 = arith.constant 0 : i32
    %dma_start3A_94 = tpu.memref_slice %arg2[%dma_start3A_92, %dma_start3A_93] : memref<10240x128xf32, #tpu.memory_space<hbm>> -> memref<10240x128xf32, #tpu.memory_space<hbm>>
    tpu.enqueue_indirect_dma source(%dma_start3A_94 : memref<10240x128xf32, #tpu.memory_space<hbm>>) target(%dma_start3A_88 : memref<80x128xf32, #tpu.memory_space<vmem>>) offsets(%dma_start3A_91 : memref<80xi32, #tpu.memory_space<vmem>>) semaphore(%arg12 : memref<!tpu.dma_semaphore, #tpu.memory_space<semaphore_mem>>)
    %scan3A = arith.constant 0 : i32
    %scan3A_95 = arith.constant 0 : i32
    %scan3A_96 = arith.constant 42 : i32
    %scan3A_97 = arith.addi %scan3A_95, %scan3A_96 : i32
    %scan3A_98 = arith.constant 1 : i32
    scf.for %scan3A_141 = %scan3A_95 to %scan3A_97 step %scan3A_98  : i32 {
      %mul3A_142 = arith.constant 3 : i32
      %mul3A_143 = arith.muli %scan3A_141, %mul3A_142 : i32
      %add3A_144 = arith.constant 0 : i32
      %add3A_145 = arith.addi %mul3A_143, %add3A_144 : i32
      %dma_wait3A_146 = arith.constant 0 : i32
      %dma_wait3A_147 = arith.constant 0 : i32
      %dma_wait3A_148 = arith.constant 0 : i32
      %dma_wait3A_149 = arith.constant 0 : i32
      %dma_wait3A_150 = tpu.memref_slice %arg9[%dma_wait3A_147, %dma_wait3A_148, %dma_wait3A_149] : memref<3x80x128xf32, #tpu.memory_space<vmem>> -> memref<1x80x128xf32, #tpu.memory_space<vmem>>
      %dma_wait3A_151 = tpu.memref_squeeze %dma_wait3A_150 : memref<1x80x128xf32, #tpu.memory_space<vmem>> -> memref<80x128xf32, #tpu.memory_space<vmem>>
      %dma_wait3A_152 = arith.constant 0 : i32
      %dma_wait3A_153 = tpu.memref_slice %arg7[%dma_wait3A_146, %dma_wait3A_152] : memref<3x80xi32, #tpu.memory_space<vmem>> -> memref<1x80xi32, #tpu.memory_space<vmem>>
      %dma_wait3A_154 = tpu.memref_squeeze %dma_wait3A_153 : memref<1x80xi32, #tpu.memory_space<vmem>> -> memref<80xi32, #tpu.memory_space<vmem>>
      %dma_wait3A_155 = arith.constant 0 : i32
      %dma_wait3A_156 = arith.constant 0 : i32
      %dma_wait3A_157 = tpu.memref_slice %arg2[%dma_wait3A_155, %dma_wait3A_156] : memref<10240x128xf32, #tpu.memory_space<hbm>> -> memref<10240x128xf32, #tpu.memory_space<hbm>>
      tpu.wait_indirect_dma semaphore(%arg11 : memref<!tpu.dma_semaphore, #tpu.memory_space<semaphore_mem>>) src(%dma_wait3A_157 : memref<10240x128xf32, #tpu.memory_space<hbm>>) dst(%dma_wait3A_151 : memref<80x128xf32, #tpu.memory_space<vmem>>)
      %dma_start3A_158 = arith.constant 0 : i32
      %dma_start3A_159 = arith.constant 0 : i32
      %dma_start3A_160 = arith.constant 0 : i32
      %dma_start3A_161 = tpu.memref_slice %arg9[%dma_start3A_158, %dma_start3A_159, %dma_start3A_160] : memref<3x80x128xf32, #tpu.memory_space<vmem>> -> memref<1x80x128xf32, #tpu.memory_space<vmem>>
      %dma_start3A_162 = tpu.memref_squeeze %dma_start3A_161 : memref<1x80x128xf32, #tpu.memory_space<vmem>> -> memref<80x128xf32, #tpu.memory_space<vmem>>
      %dma_start3A_163 = arith.constant 0 : i32
      %dma_start3A_164 = tpu.memref_slice %arg8[%add3A_145, %dma_start3A_163] : memref<126x80xi32, #tpu.memory_space<vmem>> -> memref<1x80xi32, #tpu.memory_space<vmem>>
      %dma_start3A_165 = tpu.memref_squeeze %dma_start3A_164 : memref<1x80xi32, #tpu.memory_space<vmem>> -> memref<80xi32, #tpu.memory_space<vmem>>
      %dma_start3A_166 = arith.constant 0 : i32
      %dma_start3A_167 = arith.constant 0 : i32
      %dma_start3A_168 = tpu.memref_slice %arg10[%dma_start3A_166, %dma_start3A_167] : memref<10240x128xf32, #tpu.memory_space<vmem_shared>> -> memref<10240x128xf32, #tpu.memory_space<vmem_shared>>
      tpu.enqueue_indirect_dma source(%dma_start3A_162 : memref<80x128xf32, #tpu.memory_space<vmem>>) target(%dma_start3A_168 : memref<10240x128xf32, #tpu.memory_space<vmem_shared>>) offsets(%dma_start3A_165 : memref<80xi32, #tpu.memory_space<vmem>>) semaphore(%arg17 : memref<!tpu.dma_semaphore, #tpu.memory_space<semaphore_mem>>) {add = true}
      %add3A_169 = arith.constant 3 : i32
      %add3A_170 = arith.addi %add3A_145, %add3A_169 : i32
      %sub3A = arith.constant 1 : i32
      %sub3A_171 = arith.subi %add3A_170, %sub3A : i32
      %lt3A = arith.constant 126 : i32
      %lt3A_172 = arith.cmpi slt, %sub3A_171, %lt3A : i32
      %convert_element_type3A = arith.extui %lt3A_172 : i1 to i32
      %cond3A = arith.constant 0 : i32
      %cond3A_173 = arith.cmpi ne, %convert_element_type3A, %cond3A : i32
      scf.if %cond3A_173 {
        %add3A_267 = arith.constant 3 : i32
        %add3A_268 = arith.addi %add3A_145, %add3A_267 : i32
        %sub3A_269 = arith.constant 1 : i32
        %sub3A_270 = arith.subi %add3A_268, %sub3A_269 : i32
        %dma_wait3A_271 = arith.constant 2 : i32
        %dma_wait3A_272 = arith.constant 0 : i32
        %dma_wait3A_273 = tpu.memref_slice %arg7[%dma_wait3A_271, %dma_wait3A_272] : memref<3x80xi32, #tpu.memory_space<vmem>> -> memref<1x80xi32, #tpu.memory_space<vmem>>
        %dma_wait3A_274 = tpu.memref_squeeze %dma_wait3A_273 : memref<1x80xi32, #tpu.memory_space<vmem>> -> memref<80xi32, #tpu.memory_space<vmem>>
        %dma_wait3A_275 = arith.constant 0 : i32
        %dma_wait3A_276 = tpu.memref_slice %arg3[%add3A, %sub3A_270, %dma_wait3A_275] : memref<32x126x80xi32, #tpu.memory_space<hbm>> -> memref<1x1x80xi32, #tpu.memory_space<hbm>>
        %dma_wait3A_277 = tpu.memref_squeeze %dma_wait3A_276 : memref<1x1x80xi32, #tpu.memory_space<hbm>> -> memref<80xi32, #tpu.memory_space<hbm>>
        %dma_wait3A_278 = arith.constant 0 : i32
        %dma_wait3A_279 = tpu.memref_slice %arg7[%dma_wait3A_271, %dma_wait3A_278] : memref<3x80xi32, #tpu.memory_space<vmem>> -> memref<1x80xi32, #tpu.memory_space<vmem>>
        %dma_wait3A_280 = tpu.memref_squeeze %dma_wait3A_279 : memref<1x80xi32, #tpu.memory_space<vmem>> -> memref<80xi32, #tpu.memory_space<vmem>>
        %dma_wait3A_281 = arith.constant 0 : i32
        %dma_wait3A_282 = tpu.memref_slice %arg3[%add3A, %sub3A_270, %dma_wait3A_281] : memref<32x126x80xi32, #tpu.memory_space<hbm>> -> memref<1x1x80xi32, #tpu.memory_space<hbm>>
        %dma_wait3A_283 = tpu.memref_squeeze %dma_wait3A_282 : memref<1x1x80xi32, #tpu.memory_space<hbm>> -> memref<80xi32, #tpu.memory_space<hbm>>
        tpu.wait_dma2 semaphore(%arg16 : memref<!tpu.dma_semaphore, #tpu.memory_space<semaphore_mem>>) src(%dma_wait3A_283 : memref<80xi32, #tpu.memory_space<hbm>>) dst(%dma_wait3A_280 : memref<80xi32, #tpu.memory_space<vmem>>)
        %ge3A = arith.constant 1 : i32
        %ge3A_284 = arith.cmpi sge, %add3A_145, %ge3A : i32
        %convert_element_type3A_285 = arith.extui %ge3A_284 : i1 to i32
        %cond3A_286 = arith.constant 0 : i32
        %cond3A_287 = arith.cmpi ne, %convert_element_type3A_285, %cond3A_286 : i32
        scf.if %cond3A_287 {
          %dma_wait3A_300 = arith.constant 2 : i32
          %dma_wait3A_301 = arith.constant 2 : i32
          %dma_wait3A_302 = arith.constant 0 : i32
          %dma_wait3A_303 = arith.constant 0 : i32
          %dma_wait3A_304 = tpu.memref_slice %arg9[%dma_wait3A_300, %dma_wait3A_302, %dma_wait3A_303] : memref<3x80x128xf32, #tpu.memory_space<vmem>> -> memref<1x80x128xf32, #tpu.memory_space<vmem>>
          %dma_wait3A_305 = tpu.memref_squeeze %dma_wait3A_304 : memref<1x80x128xf32, #tpu.memory_space<vmem>> -> memref<80x128xf32, #tpu.memory_space<vmem>>
          %dma_wait3A_306 = arith.constant 0 : i32
          %dma_wait3A_307 = tpu.memref_slice %arg8[%dma_wait3A_301, %dma_wait3A_306] : memref<126x80xi32, #tpu.memory_space<vmem>> -> memref<1x80xi32, #tpu.memory_space<vmem>>
          %dma_wait3A_308 = tpu.memref_squeeze %dma_wait3A_307 : memref<1x80xi32, #tpu.memory_space<vmem>> -> memref<80xi32, #tpu.memory_space<vmem>>
          %dma_wait3A_309 = arith.constant 0 : i32
          %dma_wait3A_310 = arith.constant 0 : i32
          %dma_wait3A_311 = tpu.memref_slice %arg10[%dma_wait3A_309, %dma_wait3A_310] : memref<10240x128xf32, #tpu.memory_space<vmem_shared>> -> memref<10240x128xf32, #tpu.memory_space<vmem_shared>>
          tpu.wait_indirect_dma semaphore(%arg19 : memref<!tpu.dma_semaphore, #tpu.memory_space<semaphore_mem>>) src(%dma_wait3A_305 : memref<80x128xf32, #tpu.memory_space<vmem>>) dst(%dma_wait3A_311 : memref<10240x128xf32, #tpu.memory_space<vmem_shared>>)
        } else {
        }
        %dma_start3A_288 = arith.constant 2 : i32
        %dma_start3A_289 = arith.constant 2 : i32
        %dma_start3A_290 = arith.constant 0 : i32
        %dma_start3A_291 = arith.constant 0 : i32
        %dma_start3A_292 = tpu.memref_slice %arg9[%dma_start3A_289, %dma_start3A_290, %dma_start3A_291] : memref<3x80x128xf32, #tpu.memory_space<vmem>> -> memref<1x80x128xf32, #tpu.memory_space<vmem>>
        %dma_start3A_293 = tpu.memref_squeeze %dma_start3A_292 : memref<1x80x128xf32, #tpu.memory_space<vmem>> -> memref<80x128xf32, #tpu.memory_space<vmem>>
        %dma_start3A_294 = arith.constant 0 : i32
        %dma_start3A_295 = tpu.memref_slice %arg7[%dma_start3A_288, %dma_start3A_294] : memref<3x80xi32, #tpu.memory_space<vmem>> -> memref<1x80xi32, #tpu.memory_space<vmem>>
        %dma_start3A_296 = tpu.memref_squeeze %dma_start3A_295 : memref<1x80xi32, #tpu.memory_space<vmem>> -> memref<80xi32, #tpu.memory_space<vmem>>
        %dma_start3A_297 = arith.constant 0 : i32
        %dma_start3A_298 = arith.constant 0 : i32
        %dma_start3A_299 = tpu.memref_slice %arg2[%dma_start3A_297, %dma_start3A_298] : memref<10240x128xf32, #tpu.memory_space<hbm>> -> memref<10240x128xf32, #tpu.memory_space<hbm>>
        tpu.enqueue_indirect_dma source(%dma_start3A_299 : memref<10240x128xf32, #tpu.memory_space<hbm>>) target(%dma_start3A_293 : memref<80x128xf32, #tpu.memory_space<vmem>>) offsets(%dma_start3A_296 : memref<80xi32, #tpu.memory_space<vmem>>) semaphore(%arg13 : memref<!tpu.dma_semaphore, #tpu.memory_space<semaphore_mem>>)
      } else {
      }
      %add3A_174 = arith.constant 3 : i32
      %add3A_175 = arith.addi %add3A_145, %add3A_174 : i32
      %lt3A_176 = arith.constant 126 : i32
      %lt3A_177 = arith.cmpi slt, %add3A_175, %lt3A_176 : i32
      %convert_element_type3A_178 = arith.extui %lt3A_177 : i1 to i32
      %cond3A_179 = arith.constant 0 : i32
      %cond3A_180 = arith.cmpi ne, %convert_element_type3A_178, %cond3A_179 : i32
      scf.if %cond3A_180 {
        %add3A_267 = arith.constant 3 : i32
        %add3A_268 = arith.addi %add3A_145, %add3A_267 : i32
        %dma_start3A_269 = arith.constant 0 : i32
        %dma_start3A_270 = arith.constant 0 : i32
        %dma_start3A_271 = tpu.memref_slice %arg7[%dma_start3A_269, %dma_start3A_270] : memref<3x80xi32, #tpu.memory_space<vmem>> -> memref<1x80xi32, #tpu.memory_space<vmem>>
        %dma_start3A_272 = tpu.memref_squeeze %dma_start3A_271 : memref<1x80xi32, #tpu.memory_space<vmem>> -> memref<80xi32, #tpu.memory_space<vmem>>
        %dma_start3A_273 = arith.constant 0 : i32
        %dma_start3A_274 = tpu.memref_slice %arg3[%add3A, %add3A_268, %dma_start3A_273] : memref<32x126x80xi32, #tpu.memory_space<hbm>> -> memref<1x1x80xi32, #tpu.memory_space<hbm>>
        %dma_start3A_275 = tpu.memref_squeeze %dma_start3A_274 : memref<1x1x80xi32, #tpu.memory_space<hbm>> -> memref<80xi32, #tpu.memory_space<hbm>>
        %dma_start3A_276 = arith.constant 0 : i32
        %dma_start3A_277 = tpu.memref_slice %arg7[%dma_start3A_269, %dma_start3A_276] : memref<3x80xi32, #tpu.memory_space<vmem>> -> memref<1x80xi32, #tpu.memory_space<vmem>>
        %dma_start3A_278 = tpu.memref_squeeze %dma_start3A_277 : memref<1x80xi32, #tpu.memory_space<vmem>> -> memref<80xi32, #tpu.memory_space<vmem>>
        %dma_start3A_279 = arith.constant 0 : i32
        %dma_start3A_280 = tpu.memref_slice %arg3[%add3A, %add3A_268, %dma_start3A_279] : memref<32x126x80xi32, #tpu.memory_space<hbm>> -> memref<1x1x80xi32, #tpu.memory_space<hbm>>
        %dma_start3A_281 = tpu.memref_squeeze %dma_start3A_280 : memref<1x1x80xi32, #tpu.memory_space<hbm>> -> memref<80xi32, #tpu.memory_space<hbm>>
        tpu.enqueue_dma source(%dma_start3A_281 : memref<80xi32, #tpu.memory_space<hbm>>) target(%dma_start3A_278 : memref<80xi32, #tpu.memory_space<vmem>>) target_semaphore(%arg14 : memref<!tpu.dma_semaphore, #tpu.memory_space<semaphore_mem>>)
      } else {
      }
      %mul3A_181 = arith.constant 3 : i32
      %mul3A_182 = arith.muli %scan3A_141, %mul3A_181 : i32
      %add3A_183 = arith.constant 1 : i32
      %add3A_184 = arith.addi %mul3A_182, %add3A_183 : i32
      %dma_wait3A_185 = arith.constant 1 : i32
      %dma_wait3A_186 = arith.constant 1 : i32
      %dma_wait3A_187 = arith.constant 0 : i32
      %dma_wait3A_188 = arith.constant 0 : i32
      %dma_wait3A_189 = tpu.memref_slice %arg9[%dma_wait3A_186, %dma_wait3A_187, %dma_wait3A_188] : memref<3x80x128xf32, #tpu.memory_space<vmem>> -> memref<1x80x128xf32, #tpu.memory_space<vmem>>
      %dma_wait3A_190 = tpu.memref_squeeze %dma_wait3A_189 : memref<1x80x128xf32, #tpu.memory_space<vmem>> -> memref<80x128xf32, #tpu.memory_space<vmem>>
      %dma_wait3A_191 = arith.constant 0 : i32
      %dma_wait3A_192 = tpu.memref_slice %arg7[%dma_wait3A_185, %dma_wait3A_191] : memref<3x80xi32, #tpu.memory_space<vmem>> -> memref<1x80xi32, #tpu.memory_space<vmem>>
      %dma_wait3A_193 = tpu.memref_squeeze %dma_wait3A_192 : memref<1x80xi32, #tpu.memory_space<vmem>> -> memref<80xi32, #tpu.memory_space<vmem>>
      %dma_wait3A_194 = arith.constant 0 : i32
      %dma_wait3A_195 = arith.constant 0 : i32
      %dma_wait3A_196 = tpu.memref_slice %arg2[%dma_wait3A_194, %dma_wait3A_195] : memref<10240x128xf32, #tpu.memory_space<hbm>> -> memref<10240x128xf32, #tpu.memory_space<hbm>>
      tpu.wait_indirect_dma semaphore(%arg12 : memref<!tpu.dma_semaphore, #tpu.memory_space<semaphore_mem>>) src(%dma_wait3A_196 : memref<10240x128xf32, #tpu.memory_space<hbm>>) dst(%dma_wait3A_190 : memref<80x128xf32, #tpu.memory_space<vmem>>)
      %dma_start3A_197 = arith.constant 1 : i32
      %dma_start3A_198 = arith.constant 0 : i32
      %dma_start3A_199 = arith.constant 0 : i32
      %dma_start3A_200 = tpu.memref_slice %arg9[%dma_start3A_197, %dma_start3A_198, %dma_start3A_199] : memref<3x80x128xf32, #tpu.memory_space<vmem>> -> memref<1x80x128xf32, #tpu.memory_space<vmem>>
      %dma_start3A_201 = tpu.memref_squeeze %dma_start3A_200 : memref<1x80x128xf32, #tpu.memory_space<vmem>> -> memref<80x128xf32, #tpu.memory_space<vmem>>
      %dma_start3A_202 = arith.constant 0 : i32
      %dma_start3A_203 = tpu.memref_slice %arg8[%add3A_184, %dma_start3A_202] : memref<126x80xi32, #tpu.memory_space<vmem>> -> memref<1x80xi32, #tpu.memory_space<vmem>>
      %dma_start3A_204 = tpu.memref_squeeze %dma_start3A_203 : memref<1x80xi32, #tpu.memory_space<vmem>> -> memref<80xi32, #tpu.memory_space<vmem>>
      %dma_start3A_205 = arith.constant 0 : i32
      %dma_start3A_206 = arith.constant 0 : i32
      %dma_start3A_207 = tpu.memref_slice %arg10[%dma_start3A_205, %dma_start3A_206] : memref<10240x128xf32, #tpu.memory_space<vmem_shared>> -> memref<10240x128xf32, #tpu.memory_space<vmem_shared>>
      tpu.enqueue_indirect_dma source(%dma_start3A_201 : memref<80x128xf32, #tpu.memory_space<vmem>>) target(%dma_start3A_207 : memref<10240x128xf32, #tpu.memory_space<vmem_shared>>) offsets(%dma_start3A_204 : memref<80xi32, #tpu.memory_space<vmem>>) semaphore(%arg18 : memref<!tpu.dma_semaphore, #tpu.memory_space<semaphore_mem>>) {add = true}
      %add3A_208 = arith.constant 3 : i32
      %add3A_209 = arith.addi %add3A_184, %add3A_208 : i32
      %sub3A_210 = arith.constant 1 : i32
      %sub3A_211 = arith.subi %add3A_209, %sub3A_210 : i32
      %lt3A_212 = arith.constant 126 : i32
      %lt3A_213 = arith.cmpi slt, %sub3A_211, %lt3A_212 : i32
      %convert_element_type3A_214 = arith.extui %lt3A_213 : i1 to i32
      %cond3A_215 = arith.constant 0 : i32
      %cond3A_216 = arith.cmpi ne, %convert_element_type3A_214, %cond3A_215 : i32
      scf.if %cond3A_216 {
        %add3A_267 = arith.constant 3 : i32
        %add3A_268 = arith.addi %add3A_184, %add3A_267 : i32
        %sub3A_269 = arith.constant 1 : i32
        %sub3A_270 = arith.subi %add3A_268, %sub3A_269 : i32
        %dma_wait3A_271 = arith.constant 0 : i32
        %dma_wait3A_272 = arith.constant 0 : i32
        %dma_wait3A_273 = tpu.memref_slice %arg7[%dma_wait3A_271, %dma_wait3A_272] : memref<3x80xi32, #tpu.memory_space<vmem>> -> memref<1x80xi32, #tpu.memory_space<vmem>>
        %dma_wait3A_274 = tpu.memref_squeeze %dma_wait3A_273 : memref<1x80xi32, #tpu.memory_space<vmem>> -> memref<80xi32, #tpu.memory_space<vmem>>
        %dma_wait3A_275 = arith.constant 0 : i32
        %dma_wait3A_276 = tpu.memref_slice %arg3[%add3A, %sub3A_270, %dma_wait3A_275] : memref<32x126x80xi32, #tpu.memory_space<hbm>> -> memref<1x1x80xi32, #tpu.memory_space<hbm>>
        %dma_wait3A_277 = tpu.memref_squeeze %dma_wait3A_276 : memref<1x1x80xi32, #tpu.memory_space<hbm>> -> memref<80xi32, #tpu.memory_space<hbm>>
        %dma_wait3A_278 = arith.constant 0 : i32
        %dma_wait3A_279 = tpu.memref_slice %arg7[%dma_wait3A_271, %dma_wait3A_278] : memref<3x80xi32, #tpu.memory_space<vmem>> -> memref<1x80xi32, #tpu.memory_space<vmem>>
        %dma_wait3A_280 = tpu.memref_squeeze %dma_wait3A_279 : memref<1x80xi32, #tpu.memory_space<vmem>> -> memref<80xi32, #tpu.memory_space<vmem>>
        %dma_wait3A_281 = arith.constant 0 : i32
        %dma_wait3A_282 = tpu.memref_slice %arg3[%add3A, %sub3A_270, %dma_wait3A_281] : memref<32x126x80xi32, #tpu.memory_space<hbm>> -> memref<1x1x80xi32, #tpu.memory_space<hbm>>
        %dma_wait3A_283 = tpu.memref_squeeze %dma_wait3A_282 : memref<1x1x80xi32, #tpu.memory_space<hbm>> -> memref<80xi32, #tpu.memory_space<hbm>>
        tpu.wait_dma2 semaphore(%arg14 : memref<!tpu.dma_semaphore, #tpu.memory_space<semaphore_mem>>) src(%dma_wait3A_283 : memref<80xi32, #tpu.memory_space<hbm>>) dst(%dma_wait3A_280 : memref<80xi32, #tpu.memory_space<vmem>>)
        %ge3A = arith.constant 1 : i32
        %ge3A_284 = arith.cmpi sge, %add3A_184, %ge3A : i32
        %convert_element_type3A_285 = arith.extui %ge3A_284 : i1 to i32
        %cond3A_286 = arith.constant 0 : i32
        %cond3A_287 = arith.cmpi ne, %convert_element_type3A_285, %cond3A_286 : i32
        scf.if %cond3A_287 {
          %dma_wait3A_300 = arith.constant 0 : i32
          %dma_wait3A_301 = arith.constant 0 : i32
          %dma_wait3A_302 = arith.constant 0 : i32
          %dma_wait3A_303 = arith.constant 0 : i32
          %dma_wait3A_304 = tpu.memref_slice %arg9[%dma_wait3A_300, %dma_wait3A_302, %dma_wait3A_303] : memref<3x80x128xf32, #tpu.memory_space<vmem>> -> memref<1x80x128xf32, #tpu.memory_space<vmem>>
          %dma_wait3A_305 = tpu.memref_squeeze %dma_wait3A_304 : memref<1x80x128xf32, #tpu.memory_space<vmem>> -> memref<80x128xf32, #tpu.memory_space<vmem>>
          %dma_wait3A_306 = arith.constant 0 : i32
          %dma_wait3A_307 = tpu.memref_slice %arg8[%dma_wait3A_301, %dma_wait3A_306] : memref<126x80xi32, #tpu.memory_space<vmem>> -> memref<1x80xi32, #tpu.memory_space<vmem>>
          %dma_wait3A_308 = tpu.memref_squeeze %dma_wait3A_307 : memref<1x80xi32, #tpu.memory_space<vmem>> -> memref<80xi32, #tpu.memory_space<vmem>>
          %dma_wait3A_309 = arith.constant 0 : i32
          %dma_wait3A_310 = arith.constant 0 : i32
          %dma_wait3A_311 = tpu.memref_slice %arg10[%dma_wait3A_309, %dma_wait3A_310] : memref<10240x128xf32, #tpu.memory_space<vmem_shared>> -> memref<10240x128xf32, #tpu.memory_space<vmem_shared>>
          tpu.wait_indirect_dma semaphore(%arg17 : memref<!tpu.dma_semaphore, #tpu.memory_space<semaphore_mem>>) src(%dma_wait3A_305 : memref<80x128xf32, #tpu.memory_space<vmem>>) dst(%dma_wait3A_311 : memref<10240x128xf32, #tpu.memory_space<vmem_shared>>)
        } else {
        }
        %dma_start3A_288 = arith.constant 0 : i32
        %dma_start3A_289 = arith.constant 0 : i32
        %dma_start3A_290 = arith.constant 0 : i32
        %dma_start3A_291 = arith.constant 0 : i32
        %dma_start3A_292 = tpu.memref_slice %arg9[%dma_start3A_289, %dma_start3A_290, %dma_start3A_291] : memref<3x80x128xf32, #tpu.memory_space<vmem>> -> memref<1x80x128xf32, #tpu.memory_space<vmem>>
        %dma_start3A_293 = tpu.memref_squeeze %dma_start3A_292 : memref<1x80x128xf32, #tpu.memory_space<vmem>> -> memref<80x128xf32, #tpu.memory_space<vmem>>
        %dma_start3A_294 = arith.constant 0 : i32
        %dma_start3A_295 = tpu.memref_slice %arg7[%dma_start3A_288, %dma_start3A_294] : memref<3x80xi32, #tpu.memory_space<vmem>> -> memref<1x80xi32, #tpu.memory_space<vmem>>
        %dma_start3A_296 = tpu.memref_squeeze %dma_start3A_295 : memref<1x80xi32, #tpu.memory_space<vmem>> -> memref<80xi32, #tpu.memory_space<vmem>>
        %dma_start3A_297 = arith.constant 0 : i32
        %dma_start3A_298 = arith.constant 0 : i32
        %dma_start3A_299 = tpu.memref_slice %arg2[%dma_start3A_297, %dma_start3A_298] : memref<10240x128xf32, #tpu.memory_space<hbm>> -> memref<10240x128xf32, #tpu.memory_space<hbm>>
        tpu.enqueue_indirect_dma source(%dma_start3A_299 : memref<10240x128xf32, #tpu.memory_space<hbm>>) target(%dma_start3A_293 : memref<80x128xf32, #tpu.memory_space<vmem>>) offsets(%dma_start3A_296 : memref<80xi32, #tpu.memory_space<vmem>>) semaphore(%arg11 : memref<!tpu.dma_semaphore, #tpu.memory_space<semaphore_mem>>)
      } else {
      }
      %add3A_217 = arith.constant 3 : i32
      %add3A_218 = arith.addi %add3A_184, %add3A_217 : i32
      %lt3A_219 = arith.constant 126 : i32
      %lt3A_220 = arith.cmpi slt, %add3A_218, %lt3A_219 : i32
      %convert_element_type3A_221 = arith.extui %lt3A_220 : i1 to i32
      %cond3A_222 = arith.constant 0 : i32
      %cond3A_223 = arith.cmpi ne, %convert_element_type3A_221, %cond3A_222 : i32
      scf.if %cond3A_223 {
        %add3A_267 = arith.constant 3 : i32
        %add3A_268 = arith.addi %add3A_184, %add3A_267 : i32
        %dma_start3A_269 = arith.constant 1 : i32
        %dma_start3A_270 = arith.constant 0 : i32
        %dma_start3A_271 = tpu.memref_slice %arg7[%dma_start3A_269, %dma_start3A_270] : memref<3x80xi32, #tpu.memory_space<vmem>> -> memref<1x80xi32, #tpu.memory_space<vmem>>
        %dma_start3A_272 = tpu.memref_squeeze %dma_start3A_271 : memref<1x80xi32, #tpu.memory_space<vmem>> -> memref<80xi32, #tpu.memory_space<vmem>>
        %dma_start3A_273 = arith.constant 0 : i32
        %dma_start3A_274 = tpu.memref_slice %arg3[%add3A, %add3A_268, %dma_start3A_273] : memref<32x126x80xi32, #tpu.memory_space<hbm>> -> memref<1x1x80xi32, #tpu.memory_space<hbm>>
        %dma_start3A_275 = tpu.memref_squeeze %dma_start3A_274 : memref<1x1x80xi32, #tpu.memory_space<hbm>> -> memref<80xi32, #tpu.memory_space<hbm>>
        %dma_start3A_276 = arith.constant 0 : i32
        %dma_start3A_277 = tpu.memref_slice %arg7[%dma_start3A_269, %dma_start3A_276] : memref<3x80xi32, #tpu.memory_space<vmem>> -> memref<1x80xi32, #tpu.memory_space<vmem>>
        %dma_start3A_278 = tpu.memref_squeeze %dma_start3A_277 : memref<1x80xi32, #tpu.memory_space<vmem>> -> memref<80xi32, #tpu.memory_space<vmem>>
        %dma_start3A_279 = arith.constant 0 : i32
        %dma_start3A_280 = tpu.memref_slice %arg3[%add3A, %add3A_268, %dma_start3A_279] : memref<32x126x80xi32, #tpu.memory_space<hbm>> -> memref<1x1x80xi32, #tpu.memory_space<hbm>>
        %dma_start3A_281 = tpu.memref_squeeze %dma_start3A_280 : memref<1x1x80xi32, #tpu.memory_space<hbm>> -> memref<80xi32, #tpu.memory_space<hbm>>
        tpu.enqueue_dma source(%dma_start3A_281 : memref<80xi32, #tpu.memory_space<hbm>>) target(%dma_start3A_278 : memref<80xi32, #tpu.memory_space<vmem>>) target_semaphore(%arg15 : memref<!tpu.dma_semaphore, #tpu.memory_space<semaphore_mem>>)
      } else {
      }
      %mul3A_224 = arith.constant 3 : i32
      %mul3A_225 = arith.muli %scan3A_141, %mul3A_224 : i32
      %add3A_226 = arith.constant 2 : i32
      %add3A_227 = arith.addi %mul3A_225, %add3A_226 : i32
      %dma_wait3A_228 = arith.constant 2 : i32
      %dma_wait3A_229 = arith.constant 2 : i32
      %dma_wait3A_230 = arith.constant 0 : i32
      %dma_wait3A_231 = arith.constant 0 : i32
      %dma_wait3A_232 = tpu.memref_slice %arg9[%dma_wait3A_229, %dma_wait3A_230, %dma_wait3A_231] : memref<3x80x128xf32, #tpu.memory_space<vmem>> -> memref<1x80x128xf32, #tpu.memory_space<vmem>>
      %dma_wait3A_233 = tpu.memref_squeeze %dma_wait3A_232 : memref<1x80x128xf32, #tpu.memory_space<vmem>> -> memref<80x128xf32, #tpu.memory_space<vmem>>
      %dma_wait3A_234 = arith.constant 0 : i32
      %dma_wait3A_235 = tpu.memref_slice %arg7[%dma_wait3A_228, %dma_wait3A_234] : memref<3x80xi32, #tpu.memory_space<vmem>> -> memref<1x80xi32, #tpu.memory_space<vmem>>
      %dma_wait3A_236 = tpu.memref_squeeze %dma_wait3A_235 : memref<1x80xi32, #tpu.memory_space<vmem>> -> memref<80xi32, #tpu.memory_space<vmem>>
      %dma_wait3A_237 = arith.constant 0 : i32
      %dma_wait3A_238 = arith.constant 0 : i32
      %dma_wait3A_239 = tpu.memref_slice %arg2[%dma_wait3A_237, %dma_wait3A_238] : memref<10240x128xf32, #tpu.memory_space<hbm>> -> memref<10240x128xf32, #tpu.memory_space<hbm>>
      tpu.wait_indirect_dma semaphore(%arg13 : memref<!tpu.dma_semaphore, #tpu.memory_space<semaphore_mem>>) src(%dma_wait3A_239 : memref<10240x128xf32, #tpu.memory_space<hbm>>) dst(%dma_wait3A_233 : memref<80x128xf32, #tpu.memory_space<vmem>>)
      %dma_start3A_240 = arith.constant 2 : i32
      %dma_start3A_241 = arith.constant 0 : i32
      %dma_start3A_242 = arith.constant 0 : i32
      %dma_start3A_243 = tpu.memref_slice %arg9[%dma_start3A_240, %dma_start3A_241, %dma_start3A_242] : memref<3x80x128xf32, #tpu.memory_space<vmem>> -> memref<1x80x128xf32, #tpu.memory_space<vmem>>
      %dma_start3A_244 = tpu.memref_squeeze %dma_start3A_243 : memref<1x80x128xf32, #tpu.memory_space<vmem>> -> memref<80x128xf32, #tpu.memory_space<vmem>>
      %dma_start3A_245 = arith.constant 0 : i32
      %dma_start3A_246 = tpu.memref_slice %arg8[%add3A_227, %dma_start3A_245] : memref<126x80xi32, #tpu.memory_space<vmem>> -> memref<1x80xi32, #tpu.memory_space<vmem>>
      %dma_start3A_247 = tpu.memref_squeeze %dma_start3A_246 : memref<1x80xi32, #tpu.memory_space<vmem>> -> memref<80xi32, #tpu.memory_space<vmem>>
      %dma_start3A_248 = arith.constant 0 : i32
      %dma_start3A_249 = arith.constant 0 : i32
      %dma_start3A_250 = tpu.memref_slice %arg10[%dma_start3A_248, %dma_start3A_249] : memref<10240x128xf32, #tpu.memory_space<vmem_shared>> -> memref<10240x128xf32, #tpu.memory_space<vmem_shared>>
      tpu.enqueue_indirect_dma source(%dma_start3A_244 : memref<80x128xf32, #tpu.memory_space<vmem>>) target(%dma_start3A_250 : memref<10240x128xf32, #tpu.memory_space<vmem_shared>>) offsets(%dma_start3A_247 : memref<80xi32, #tpu.memory_space<vmem>>) semaphore(%arg19 : memref<!tpu.dma_semaphore, #tpu.memory_space<semaphore_mem>>) {add = true}
      %add3A_251 = arith.constant 3 : i32
      %add3A_252 = arith.addi %add3A_227, %add3A_251 : i32
      %sub3A_253 = arith.constant 1 : i32
      %sub3A_254 = arith.subi %add3A_252, %sub3A_253 : i32
      %lt3A_255 = arith.constant 126 : i32
      %lt3A_256 = arith.cmpi slt, %sub3A_254, %lt3A_255 : i32
      %convert_element_type3A_257 = arith.extui %lt3A_256 : i1 to i32
      %cond3A_258 = arith.constant 0 : i32
      %cond3A_259 = arith.cmpi ne, %convert_element_type3A_257, %cond3A_258 : i32
      scf.if %cond3A_259 {
        %add3A_267 = arith.constant 3 : i32
        %add3A_268 = arith.addi %add3A_227, %add3A_267 : i32
        %sub3A_269 = arith.constant 1 : i32
        %sub3A_270 = arith.subi %add3A_268, %sub3A_269 : i32
        %dma_wait3A_271 = arith.constant 1 : i32
        %dma_wait3A_272 = arith.constant 0 : i32
        %dma_wait3A_273 = tpu.memref_slice %arg7[%dma_wait3A_271, %dma_wait3A_272] : memref<3x80xi32, #tpu.memory_space<vmem>> -> memref<1x80xi32, #tpu.memory_space<vmem>>
        %dma_wait3A_274 = tpu.memref_squeeze %dma_wait3A_273 : memref<1x80xi32, #tpu.memory_space<vmem>> -> memref<80xi32, #tpu.memory_space<vmem>>
        %dma_wait3A_275 = arith.constant 0 : i32
        %dma_wait3A_276 = tpu.memref_slice %arg3[%add3A, %sub3A_270, %dma_wait3A_275] : memref<32x126x80xi32, #tpu.memory_space<hbm>> -> memref<1x1x80xi32, #tpu.memory_space<hbm>>
        %dma_wait3A_277 = tpu.memref_squeeze %dma_wait3A_276 : memref<1x1x80xi32, #tpu.memory_space<hbm>> -> memref<80xi32, #tpu.memory_space<hbm>>
        %dma_wait3A_278 = arith.constant 0 : i32
        %dma_wait3A_279 = tpu.memref_slice %arg7[%dma_wait3A_271, %dma_wait3A_278] : memref<3x80xi32, #tpu.memory_space<vmem>> -> memref<1x80xi32, #tpu.memory_space<vmem>>
        %dma_wait3A_280 = tpu.memref_squeeze %dma_wait3A_279 : memref<1x80xi32, #tpu.memory_space<vmem>> -> memref<80xi32, #tpu.memory_space<vmem>>
        %dma_wait3A_281 = arith.constant 0 : i32
        %dma_wait3A_282 = tpu.memref_slice %arg3[%add3A, %sub3A_270, %dma_wait3A_281] : memref<32x126x80xi32, #tpu.memory_space<hbm>> -> memref<1x1x80xi32, #tpu.memory_space<hbm>>
        %dma_wait3A_283 = tpu.memref_squeeze %dma_wait3A_282 : memref<1x1x80xi32, #tpu.memory_space<hbm>> -> memref<80xi32, #tpu.memory_space<hbm>>
        tpu.wait_dma2 semaphore(%arg15 : memref<!tpu.dma_semaphore, #tpu.memory_space<semaphore_mem>>) src(%dma_wait3A_283 : memref<80xi32, #tpu.memory_space<hbm>>) dst(%dma_wait3A_280 : memref<80xi32, #tpu.memory_space<vmem>>)
        %ge3A = arith.constant 1 : i32
        %ge3A_284 = arith.cmpi sge, %add3A_227, %ge3A : i32
        %convert_element_type3A_285 = arith.extui %ge3A_284 : i1 to i32
        %cond3A_286 = arith.constant 0 : i32
        %cond3A_287 = arith.cmpi ne, %convert_element_type3A_285, %cond3A_286 : i32
        scf.if %cond3A_287 {
          %dma_wait3A_300 = arith.constant 1 : i32
          %dma_wait3A_301 = arith.constant 1 : i32
          %dma_wait3A_302 = arith.constant 0 : i32
          %dma_wait3A_303 = arith.constant 0 : i32
          %dma_wait3A_304 = tpu.memref_slice %arg9[%dma_wait3A_300, %dma_wait3A_302, %dma_wait3A_303] : memref<3x80x128xf32, #tpu.memory_space<vmem>> -> memref<1x80x128xf32, #tpu.memory_space<vmem>>
          %dma_wait3A_305 = tpu.memref_squeeze %dma_wait3A_304 : memref<1x80x128xf32, #tpu.memory_space<vmem>> -> memref<80x128xf32, #tpu.memory_space<vmem>>
          %dma_wait3A_306 = arith.constant 0 : i32
          %dma_wait3A_307 = tpu.memref_slice %arg8[%dma_wait3A_301, %dma_wait3A_306] : memref<126x80xi32, #tpu.memory_space<vmem>> -> memref<1x80xi32, #tpu.memory_space<vmem>>
          %dma_wait3A_308 = tpu.memref_squeeze %dma_wait3A_307 : memref<1x80xi32, #tpu.memory_space<vmem>> -> memref<80xi32, #tpu.memory_space<vmem>>
          %dma_wait3A_309 = arith.constant 0 : i32
          %dma_wait3A_310 = arith.constant 0 : i32
          %dma_wait3A_311 = tpu.memref_slice %arg10[%dma_wait3A_309, %dma_wait3A_310] : memref<10240x128xf32, #tpu.memory_space<vmem_shared>> -> memref<10240x128xf32, #tpu.memory_space<vmem_shared>>
          tpu.wait_indirect_dma semaphore(%arg18 : memref<!tpu.dma_semaphore, #tpu.memory_space<semaphore_mem>>) src(%dma_wait3A_305 : memref<80x128xf32, #tpu.memory_space<vmem>>) dst(%dma_wait3A_311 : memref<10240x128xf32, #tpu.memory_space<vmem_shared>>)
        } else {
        }
        %dma_start3A_288 = arith.constant 1 : i32
        %dma_start3A_289 = arith.constant 1 : i32
        %dma_start3A_290 = arith.constant 0 : i32
        %dma_start3A_291 = arith.constant 0 : i32
        %dma_start3A_292 = tpu.memref_slice %arg9[%dma_start3A_289, %dma_start3A_290, %dma_start3A_291] : memref<3x80x128xf32, #tpu.memory_space<vmem>> -> memref<1x80x128xf32, #tpu.memory_space<vmem>>
        %dma_start3A_293 = tpu.memref_squeeze %dma_start3A_292 : memref<1x80x128xf32, #tpu.memory_space<vmem>> -> memref<80x128xf32, #tpu.memory_space<vmem>>
        %dma_start3A_294 = arith.constant 0 : i32
        %dma_start3A_295 = tpu.memref_slice %arg7[%dma_start3A_288, %dma_start3A_294] : memref<3x80xi32, #tpu.memory_space<vmem>> -> memref<1x80xi32, #tpu.memory_space<vmem>>
        %dma_start3A_296 = tpu.memref_squeeze %dma_start3A_295 : memref<1x80xi32, #tpu.memory_space<vmem>> -> memref<80xi32, #tpu.memory_space<vmem>>
        %dma_start3A_297 = arith.constant 0 : i32
        %dma_start3A_298 = arith.constant 0 : i32
        %dma_start3A_299 = tpu.memref_slice %arg2[%dma_start3A_297, %dma_start3A_298] : memref<10240x128xf32, #tpu.memory_space<hbm>> -> memref<10240x128xf32, #tpu.memory_space<hbm>>
        tpu.enqueue_indirect_dma source(%dma_start3A_299 : memref<10240x128xf32, #tpu.memory_space<hbm>>) target(%dma_start3A_293 : memref<80x128xf32, #tpu.memory_space<vmem>>) offsets(%dma_start3A_296 : memref<80xi32, #tpu.memory_space<vmem>>) semaphore(%arg12 : memref<!tpu.dma_semaphore, #tpu.memory_space<semaphore_mem>>)
      } else {
      }
      %add3A_260 = arith.constant 3 : i32
      %add3A_261 = arith.addi %add3A_227, %add3A_260 : i32
      %lt3A_262 = arith.constant 126 : i32
      %lt3A_263 = arith.cmpi slt, %add3A_261, %lt3A_262 : i32
      %convert_element_type3A_264 = arith.extui %lt3A_263 : i1 to i32
      %cond3A_265 = arith.constant 0 : i32
      %cond3A_266 = arith.cmpi ne, %convert_element_type3A_264, %cond3A_265 : i32
      scf.if %cond3A_266 {
        %add3A_267 = arith.constant 3 : i32
        %add3A_268 = arith.addi %add3A_227, %add3A_267 : i32
        %dma_start3A_269 = arith.constant 2 : i32
        %dma_start3A_270 = arith.constant 0 : i32
        %dma_start3A_271 = tpu.memref_slice %arg7[%dma_start3A_269, %dma_start3A_270] : memref<3x80xi32, #tpu.memory_space<vmem>> -> memref<1x80xi32, #tpu.memory_space<vmem>>
        %dma_start3A_272 = tpu.memref_squeeze %dma_start3A_271 : memref<1x80xi32, #tpu.memory_space<vmem>> -> memref<80xi32, #tpu.memory_space<vmem>>
        %dma_start3A_273 = arith.constant 0 : i32
        %dma_start3A_274 = tpu.memref_slice %arg3[%add3A, %add3A_268, %dma_start3A_273] : memref<32x126x80xi32, #tpu.memory_space<hbm>> -> memref<1x1x80xi32, #tpu.memory_space<hbm>>
        %dma_start3A_275 = tpu.memref_squeeze %dma_start3A_274 : memref<1x1x80xi32, #tpu.memory_space<hbm>> -> memref<80xi32, #tpu.memory_space<hbm>>
        %dma_start3A_276 = arith.constant 0 : i32
        %dma_start3A_277 = tpu.memref_slice %arg7[%dma_start3A_269, %dma_start3A_276] : memref<3x80xi32, #tpu.memory_space<vmem>> -> memref<1x80xi32, #tpu.memory_space<vmem>>
        %dma_start3A_278 = tpu.memref_squeeze %dma_start3A_277 : memref<1x80xi32, #tpu.memory_space<vmem>> -> memref<80xi32, #tpu.memory_space<vmem>>
        %dma_start3A_279 = arith.constant 0 : i32
        %dma_start3A_280 = tpu.memref_slice %arg3[%add3A, %add3A_268, %dma_start3A_279] : memref<32x126x80xi32, #tpu.memory_space<hbm>> -> memref<1x1x80xi32, #tpu.memory_space<hbm>>
        %dma_start3A_281 = tpu.memref_squeeze %dma_start3A_280 : memref<1x1x80xi32, #tpu.memory_space<hbm>> -> memref<80xi32, #tpu.memory_space<hbm>>
        tpu.enqueue_dma source(%dma_start3A_281 : memref<80xi32, #tpu.memory_space<hbm>>) target(%dma_start3A_278 : memref<80xi32, #tpu.memory_space<vmem>>) target_semaphore(%arg16 : memref<!tpu.dma_semaphore, #tpu.memory_space<semaphore_mem>>)
      } else {
      }
    }
    %scan3A_99 = arith.constant 42 : i32
    %dma_wait3A_100 = arith.constant 0 : i32
    %dma_wait3A_101 = arith.constant 0 : i32
    %dma_wait3A_102 = arith.constant 0 : i32
    %dma_wait3A_103 = arith.constant 0 : i32
    %dma_wait3A_104 = tpu.memref_slice %arg9[%dma_wait3A_100, %dma_wait3A_102, %dma_wait3A_103] : memref<3x80x128xf32, #tpu.memory_space<vmem>> -> memref<1x80x128xf32, #tpu.memory_space<vmem>>
    %dma_wait3A_105 = tpu.memref_squeeze %dma_wait3A_104 : memref<1x80x128xf32, #tpu.memory_space<vmem>> -> memref<80x128xf32, #tpu.memory_space<vmem>>
    %dma_wait3A_106 = arith.constant 0 : i32
    %dma_wait3A_107 = tpu.memref_slice %arg8[%dma_wait3A_101, %dma_wait3A_106] : memref<126x80xi32, #tpu.memory_space<vmem>> -> memref<1x80xi32, #tpu.memory_space<vmem>>
    %dma_wait3A_108 = tpu.memref_squeeze %dma_wait3A_107 : memref<1x80xi32, #tpu.memory_space<vmem>> -> memref<80xi32, #tpu.memory_space<vmem>>
    %dma_wait3A_109 = arith.constant 0 : i32
    %dma_wait3A_110 = arith.constant 0 : i32
    %dma_wait3A_111 = tpu.memref_slice %arg10[%dma_wait3A_109, %dma_wait3A_110] : memref<10240x128xf32, #tpu.memory_space<vmem_shared>> -> memref<10240x128xf32, #tpu.memory_space<vmem_shared>>
    tpu.wait_indirect_dma semaphore(%arg17 : memref<!tpu.dma_semaphore, #tpu.memory_space<semaphore_mem>>) src(%dma_wait3A_105 : memref<80x128xf32, #tpu.memory_space<vmem>>) dst(%dma_wait3A_111 : memref<10240x128xf32, #tpu.memory_space<vmem_shared>>)
    %dma_wait3A_112 = arith.constant 1 : i32
    %dma_wait3A_113 = arith.constant 1 : i32
    %dma_wait3A_114 = arith.constant 0 : i32
    %dma_wait3A_115 = arith.constant 0 : i32
    %dma_wait3A_116 = tpu.memref_slice %arg9[%dma_wait3A_112, %dma_wait3A_114, %dma_wait3A_115] : memref<3x80x128xf32, #tpu.memory_space<vmem>> -> memref<1x80x128xf32, #tpu.memory_space<vmem>>
    %dma_wait3A_117 = tpu.memref_squeeze %dma_wait3A_116 : memref<1x80x128xf32, #tpu.memory_space<vmem>> -> memref<80x128xf32, #tpu.memory_space<vmem>>
    %dma_wait3A_118 = arith.constant 0 : i32
    %dma_wait3A_119 = tpu.memref_slice %arg8[%dma_wait3A_113, %dma_wait3A_118] : memref<126x80xi32, #tpu.memory_space<vmem>> -> memref<1x80xi32, #tpu.memory_space<vmem>>
    %dma_wait3A_120 = tpu.memref_squeeze %dma_wait3A_119 : memref<1x80xi32, #tpu.memory_space<vmem>> -> memref<80xi32, #tpu.memory_space<vmem>>
    %dma_wait3A_121 = arith.constant 0 : i32
    %dma_wait3A_122 = arith.constant 0 : i32
    %dma_wait3A_123 = tpu.memref_slice %arg10[%dma_wait3A_121, %dma_wait3A_122] : memref<10240x128xf32, #tpu.memory_space<vmem_shared>> -> memref<10240x128xf32, #tpu.memory_space<vmem_shared>>
    tpu.wait_indirect_dma semaphore(%arg18 : memref<!tpu.dma_semaphore, #tpu.memory_space<semaphore_mem>>) src(%dma_wait3A_117 : memref<80x128xf32, #tpu.memory_space<vmem>>) dst(%dma_wait3A_123 : memref<10240x128xf32, #tpu.memory_space<vmem_shared>>)
    %dma_wait3A_124 = arith.constant 2 : i32
    %dma_wait3A_125 = arith.constant 2 : i32
    %dma_wait3A_126 = arith.constant 0 : i32
    %dma_wait3A_127 = arith.constant 0 : i32
    %dma_wait3A_128 = tpu.memref_slice %arg9[%dma_wait3A_124, %dma_wait3A_126, %dma_wait3A_127] : memref<3x80x128xf32, #tpu.memory_space<vmem>> -> memref<1x80x128xf32, #tpu.memory_space<vmem>>
    %dma_wait3A_129 = tpu.memref_squeeze %dma_wait3A_128 : memref<1x80x128xf32, #tpu.memory_space<vmem>> -> memref<80x128xf32, #tpu.memory_space<vmem>>
    %dma_wait3A_130 = arith.constant 0 : i32
    %dma_wait3A_131 = tpu.memref_slice %arg8[%dma_wait3A_125, %dma_wait3A_130] : memref<126x80xi32, #tpu.memory_space<vmem>> -> memref<1x80xi32, #tpu.memory_space<vmem>>
    %dma_wait3A_132 = tpu.memref_squeeze %dma_wait3A_131 : memref<1x80xi32, #tpu.memory_space<vmem>> -> memref<80xi32, #tpu.memory_space<vmem>>
    %dma_wait3A_133 = arith.constant 0 : i32
    %dma_wait3A_134 = arith.constant 0 : i32
    %dma_wait3A_135 = tpu.memref_slice %arg10[%dma_wait3A_133, %dma_wait3A_134] : memref<10240x128xf32, #tpu.memory_space<vmem_shared>> -> memref<10240x128xf32, #tpu.memory_space<vmem_shared>>
    tpu.wait_indirect_dma semaphore(%arg19 : memref<!tpu.dma_semaphore, #tpu.memory_space<semaphore_mem>>) src(%dma_wait3A_129 : memref<80x128xf32, #tpu.memory_space<vmem>>) dst(%dma_wait3A_135 : memref<10240x128xf32, #tpu.memory_space<vmem_shared>>)
    %barrier3A_136 = arith.constant 0 : index
    tpu.barrier barrier_id(%barrier3A_136)
    %mul3A_137 = arith.constant 640 : i32
    %mul3A_138 = arith.muli %arg1, %mul3A_137 : i32
    %mul3A_139 = arith.constant 640 : i32
    %mul3A_140 = arith.muli %arg1, %mul3A_139 : i32
    "tpu.region"() ({
      %run_scoped3A = tpu.sem_alloc : memref<!tpu.dma_semaphore, #tpu.memory_space<semaphore_mem>>
      %dma_start3A_141 = arith.constant 0 : i32
      %dma_start3A_142 = tpu.memref_slice %arg6[%arg0, %mul3A_140, %dma_start3A_141] : memref<2x10240x128xf32, #tpu.memory_space<hbm>> -> memref<1x640x128xf32, #tpu.memory_space<hbm>>
      %dma_start3A_143 = tpu.memref_squeeze %dma_start3A_142 : memref<1x640x128xf32, #tpu.memory_space<hbm>> -> memref<640x128xf32, #tpu.memory_space<hbm>>
      %dma_start3A_144 = arith.constant 0 : i32
      %dma_start3A_145 = tpu.memref_slice %arg10[%mul3A_138, %dma_start3A_144] : memref<10240x128xf32, #tpu.memory_space<vmem_shared>> -> memref<640x128xf32, #tpu.memory_space<vmem_shared>>
      tpu.enqueue_dma source(%dma_start3A_145 : memref<640x128xf32, #tpu.memory_space<vmem_shared>>) target(%dma_start3A_143 : memref<640x128xf32, #tpu.memory_space<hbm>>) target_semaphore(%run_scoped3A : memref<!tpu.dma_semaphore, #tpu.memory_space<semaphore_mem>>)
      %dma_wait3A_146 = arith.constant 0 : i32
      %dma_wait3A_147 = tpu.memref_slice %arg6[%arg0, %mul3A_140, %dma_wait3A_146] : memref<2x10240x128xf32, #tpu.memory_space<hbm>> -> memref<1x640x128xf32, #tpu.memory_space<hbm>>
      %dma_wait3A_148 = tpu.memref_squeeze %dma_wait3A_147 : memref<1x640x128xf32, #tpu.memory_space<hbm>> -> memref<640x128xf32, #tpu.memory_space<hbm>>
      %dma_wait3A_149 = arith.constant 0 : i32
      %dma_wait3A_150 = tpu.memref_slice %arg10[%mul3A_138, %dma_wait3A_149] : memref<10240x128xf32, #tpu.memory_space<vmem_shared>> -> memref<640x128xf32, #tpu.memory_space<vmem_shared>>
      tpu.wait_dma2 semaphore(%run_scoped3A : memref<!tpu.dma_semaphore, #tpu.memory_space<semaphore_mem>>) src(%dma_wait3A_150 : memref<640x128xf32, #tpu.memory_space<vmem_shared>>) dst(%dma_wait3A_148 : memref<640x128xf32, #tpu.memory_space<hbm>>)
      tpu.yield
    }) : () -> ()
    return
  }
}

#map = affine_map<(d0, d1) -> (0, 0, 0)>
#map1 = affine_map<(d0, d1) -> (0, 0)>
module attributes {stable_mosaic.version = 14 : i64} {
  func.func @_sc_deg_body(%arg0: i32, %arg1: i32, %arg2: memref<32x126x80xi32, #tpu.memory_space<hbm>>, %arg3: memref<640x128xf32, #tpu.memory_space<hbm>>, %arg4: memref<80x128xf32, #tpu.memory_space<hbm>>, %arg5: memref<2x10240x128xf32, #tpu.memory_space<hbm>>, %arg6: memref<126x80xi32, #tpu.memory_space<vmem>>, %arg7: memref<80x128xf32, #tpu.memory_space<vmem>>, %arg8: memref<10240x128xf32, #tpu.memory_space<vmem_shared>>, %arg9: memref<!tpu.dma_semaphore, #tpu.memory_space<semaphore_mem>>, %arg10: memref<!tpu.dma_semaphore, #tpu.memory_space<semaphore_mem>>, %arg11: memref<!tpu.dma_semaphore, #tpu.memory_space<semaphore_mem>>) attributes {dimension_semantics = [#tpu.dimension_semantics<core_parallel>, #tpu.dimension_semantics<subcore_parallel>], iteration_bounds = array<i64: 2, 16>, scalar_prefetch = 0 : i64, scratch_operands = 6 : i64, tpu.core_type = #tpu.core_type<sc_vector_subcore>, window_params = [{transform_indices = #map}, {transform_indices = #map1}, {transform_indices = #map1}, {transform_indices = #map}]} {
    %mul3A = arith.constant 16 : i32
    %mul3A_0 = arith.muli %arg0, %mul3A : i32
    %add3A = arith.addi %mul3A_0, %arg1 : i32
    "tpu.region"() ({
      %run_scoped3A = tpu.sem_alloc : memref<!tpu.dma_semaphore, #tpu.memory_space<semaphore_mem>>
      tpu.enqueue_dma source(%arg4 : memref<80x128xf32, #tpu.memory_space<hbm>>) target(%arg7 : memref<80x128xf32, #tpu.memory_space<vmem>>) target_semaphore(%run_scoped3A : memref<!tpu.dma_semaphore, #tpu.memory_space<semaphore_mem>>)
      tpu.wait_dma2 semaphore(%run_scoped3A : memref<!tpu.dma_semaphore, #tpu.memory_space<semaphore_mem>>) src(%arg4 : memref<80x128xf32, #tpu.memory_space<hbm>>) dst(%arg7 : memref<80x128xf32, #tpu.memory_space<vmem>>)
      tpu.yield
    }) : () -> ()
    %mul3A_1 = arith.constant 640 : i32
    %mul3A_2 = arith.muli %arg1, %mul3A_1 : i32
    "tpu.region"() ({
      %run_scoped3A = tpu.sem_alloc : memref<!tpu.dma_semaphore, #tpu.memory_space<semaphore_mem>>
      %dma_start3A = arith.constant 0 : i32
      %dma_start3A_33 = tpu.memref_slice %arg8[%mul3A_2, %dma_start3A] : memref<10240x128xf32, #tpu.memory_space<vmem_shared>> -> memref<640x128xf32, #tpu.memory_space<vmem_shared>>
      tpu.enqueue_dma source(%arg3 : memref<640x128xf32, #tpu.memory_space<hbm>>) target(%dma_start3A_33 : memref<640x128xf32, #tpu.memory_space<vmem_shared>>) target_semaphore(%run_scoped3A : memref<!tpu.dma_semaphore, #tpu.memory_space<semaphore_mem>>)
      %dma_wait3A_34 = arith.constant 0 : i32
      %dma_wait3A_35 = tpu.memref_slice %arg8[%mul3A_2, %dma_wait3A_34] : memref<10240x128xf32, #tpu.memory_space<vmem_shared>> -> memref<640x128xf32, #tpu.memory_space<vmem_shared>>
      tpu.wait_dma2 semaphore(%run_scoped3A : memref<!tpu.dma_semaphore, #tpu.memory_space<semaphore_mem>>) src(%arg3 : memref<640x128xf32, #tpu.memory_space<hbm>>) dst(%dma_wait3A_35 : memref<640x128xf32, #tpu.memory_space<vmem_shared>>)
      tpu.yield
    }) : () -> ()
    "tpu.region"() ({
      %run_scoped3A = tpu.sem_alloc : memref<!tpu.dma_semaphore, #tpu.memory_space<semaphore_mem>>
      %dma_start3A = arith.constant 0 : i32
      %dma_start3A_33 = arith.constant 0 : i32
      %dma_start3A_34 = tpu.memref_slice %arg2[%add3A, %dma_start3A, %dma_start3A_33] : memref<32x126x80xi32, #tpu.memory_space<hbm>> -> memref<1x126x80xi32, #tpu.memory_space<hbm>>
      %dma_start3A_35 = tpu.memref_squeeze %dma_start3A_34 : memref<1x126x80xi32, #tpu.memory_space<hbm>> -> memref<126x80xi32, #tpu.memory_space<hbm>>
      %dma_start3A_36 = arith.constant 0 : i32
      %dma_start3A_37 = arith.constant 0 : i32
      %dma_start3A_38 = tpu.memref_slice %arg2[%add3A, %dma_start3A_36, %dma_start3A_37] : memref<32x126x80xi32, #tpu.memory_space<hbm>> -> memref<1x126x80xi32, #tpu.memory_space<hbm>>
      %dma_start3A_39 = tpu.memref_squeeze %dma_start3A_38 : memref<1x126x80xi32, #tpu.memory_space<hbm>> -> memref<126x80xi32, #tpu.memory_space<hbm>>
      tpu.enqueue_dma source(%dma_start3A_39 : memref<126x80xi32, #tpu.memory_space<hbm>>) target(%arg6 : memref<126x80xi32, #tpu.memory_space<vmem>>) target_semaphore(%run_scoped3A : memref<!tpu.dma_semaphore, #tpu.memory_space<semaphore_mem>>)
      %dma_wait3A_40 = arith.constant 0 : i32
      %dma_wait3A_41 = arith.constant 0 : i32
      %dma_wait3A_42 = tpu.memref_slice %arg2[%add3A, %dma_wait3A_40, %dma_wait3A_41] : memref<32x126x80xi32, #tpu.memory_space<hbm>> -> memref<1x126x80xi32, #tpu.memory_space<hbm>>
      %dma_wait3A_43 = tpu.memref_squeeze %dma_wait3A_42 : memref<1x126x80xi32, #tpu.memory_space<hbm>> -> memref<126x80xi32, #tpu.memory_space<hbm>>
      %dma_wait3A_44 = arith.constant 0 : i32
      %dma_wait3A_45 = arith.constant 0 : i32
      %dma_wait3A_46 = tpu.memref_slice %arg2[%add3A, %dma_wait3A_44, %dma_wait3A_45] : memref<32x126x80xi32, #tpu.memory_space<hbm>> -> memref<1x126x80xi32, #tpu.memory_space<hbm>>
      %dma_wait3A_47 = tpu.memref_squeeze %dma_wait3A_46 : memref<1x126x80xi32, #tpu.memory_space<hbm>> -> memref<126x80xi32, #tpu.memory_space<hbm>>
      tpu.wait_dma2 semaphore(%run_scoped3A : memref<!tpu.dma_semaphore, #tpu.memory_space<semaphore_mem>>) src(%dma_wait3A_47 : memref<126x80xi32, #tpu.memory_space<hbm>>) dst(%arg6 : memref<126x80xi32, #tpu.memory_space<vmem>>)
      tpu.yield
    }) : () -> ()
    %barrier3A = arith.constant 0 : index
    tpu.barrier barrier_id(%barrier3A)
    %scan3A = arith.constant 0 : i32
    %scan3A_3 = arith.constant 0 : i32
    %scan3A_4 = arith.constant 42 : i32
    %scan3A_5 = arith.addi %scan3A_3, %scan3A_4 : i32
    %scan3A_6 = arith.constant 1 : i32
    scf.for %scan3A_33 = %scan3A_3 to %scan3A_5 step %scan3A_6  : i32 {
      %mul3A_34 = arith.constant 3 : i32
      %mul3A_35 = arith.muli %scan3A_33, %mul3A_34 : i32
      %add3A_36 = arith.constant 0 : i32
      %add3A_37 = arith.addi %mul3A_35, %add3A_36 : i32
      %ge3A = arith.constant 3 : i32
      %ge3A_38 = arith.cmpi sge, %add3A_37, %ge3A : i32
      %convert_element_type3A = arith.extui %ge3A_38 : i1 to i32
      %cond3A = arith.constant 0 : i32
      %cond3A_39 = arith.cmpi ne, %convert_element_type3A, %cond3A : i32
      scf.if %cond3A_39 {
        %dma_wait3A_77 = arith.constant 0 : i32
        %dma_wait3A_78 = arith.constant 0 : i32
        %dma_wait3A_79 = tpu.memref_slice %arg6[%dma_wait3A_77, %dma_wait3A_78] : memref<126x80xi32, #tpu.memory_space<vmem>> -> memref<1x80xi32, #tpu.memory_space<vmem>>
        %dma_wait3A_80 = tpu.memref_squeeze %dma_wait3A_79 : memref<1x80xi32, #tpu.memory_space<vmem>> -> memref<80xi32, #tpu.memory_space<vmem>>
        %dma_wait3A_81 = arith.constant 0 : i32
        %dma_wait3A_82 = arith.constant 0 : i32
        %dma_wait3A_83 = tpu.memref_slice %arg8[%dma_wait3A_81, %dma_wait3A_82] : memref<10240x128xf32, #tpu.memory_space<vmem_shared>> -> memref<10240x128xf32, #tpu.memory_space<vmem_shared>>
        tpu.wait_indirect_dma semaphore(%arg9 : memref<!tpu.dma_semaphore, #tpu.memory_space<semaphore_mem>>) src(%arg7 : memref<80x128xf32, #tpu.memory_space<vmem>>) dst(%dma_wait3A_83 : memref<10240x128xf32, #tpu.memory_space<vmem_shared>>)
      } else {
      }
      %add3A_40 = arith.constant 0 : i32
      %add3A_41 = arith.addi %mul3A_35, %add3A_40 : i32
      %dma_start3A = arith.constant 0 : i32
      %dma_start3A_42 = tpu.memref_slice %arg6[%add3A_41, %dma_start3A] : memref<126x80xi32, #tpu.memory_space<vmem>> -> memref<1x80xi32, #tpu.memory_space<vmem>>
      %dma_start3A_43 = tpu.memref_squeeze %dma_start3A_42 : memref<1x80xi32, #tpu.memory_space<vmem>> -> memref<80xi32, #tpu.memory_space<vmem>>
      %dma_start3A_44 = arith.constant 0 : i32
      %dma_start3A_45 = arith.constant 0 : i32
      %dma_start3A_46 = tpu.memref_slice %arg8[%dma_start3A_44, %dma_start3A_45] : memref<10240x128xf32, #tpu.memory_space<vmem_shared>> -> memref<10240x128xf32, #tpu.memory_space<vmem_shared>>
      tpu.enqueue_indirect_dma source(%arg7 : memref<80x128xf32, #tpu.memory_space<vmem>>) target(%dma_start3A_46 : memref<10240x128xf32, #tpu.memory_space<vmem_shared>>) offsets(%dma_start3A_43 : memref<80xi32, #tpu.memory_space<vmem>>) semaphore(%arg9 : memref<!tpu.dma_semaphore, #tpu.memory_space<semaphore_mem>>) {add = true}
      %add3A_47 = arith.constant 1 : i32
      %add3A_48 = arith.addi %mul3A_35, %add3A_47 : i32
      %ge3A_49 = arith.constant 3 : i32
      %ge3A_50 = arith.cmpi sge, %add3A_48, %ge3A_49 : i32
      %convert_element_type3A_51 = arith.extui %ge3A_50 : i1 to i32
      %cond3A_52 = arith.constant 0 : i32
      %cond3A_53 = arith.cmpi ne, %convert_element_type3A_51, %cond3A_52 : i32
      scf.if %cond3A_53 {
        %dma_wait3A_77 = arith.constant 1 : i32
        %dma_wait3A_78 = arith.constant 0 : i32
        %dma_wait3A_79 = tpu.memref_slice %arg6[%dma_wait3A_77, %dma_wait3A_78] : memref<126x80xi32, #tpu.memory_space<vmem>> -> memref<1x80xi32, #tpu.memory_space<vmem>>
        %dma_wait3A_80 = tpu.memref_squeeze %dma_wait3A_79 : memref<1x80xi32, #tpu.memory_space<vmem>> -> memref<80xi32, #tpu.memory_space<vmem>>
        %dma_wait3A_81 = arith.constant 0 : i32
        %dma_wait3A_82 = arith.constant 0 : i32
        %dma_wait3A_83 = tpu.memref_slice %arg8[%dma_wait3A_81, %dma_wait3A_82] : memref<10240x128xf32, #tpu.memory_space<vmem_shared>> -> memref<10240x128xf32, #tpu.memory_space<vmem_shared>>
        tpu.wait_indirect_dma semaphore(%arg10 : memref<!tpu.dma_semaphore, #tpu.memory_space<semaphore_mem>>) src(%arg7 : memref<80x128xf32, #tpu.memory_space<vmem>>) dst(%dma_wait3A_83 : memref<10240x128xf32, #tpu.memory_space<vmem_shared>>)
      } else {
      }
      %add3A_54 = arith.constant 1 : i32
      %add3A_55 = arith.addi %mul3A_35, %add3A_54 : i32
      %dma_start3A_56 = arith.constant 0 : i32
      %dma_start3A_57 = tpu.memref_slice %arg6[%add3A_55, %dma_start3A_56] : memref<126x80xi32, #tpu.memory_space<vmem>> -> memref<1x80xi32, #tpu.memory_space<vmem>>
      %dma_start3A_58 = tpu.memref_squeeze %dma_start3A_57 : memref<1x80xi32, #tpu.memory_space<vmem>> -> memref<80xi32, #tpu.memory_space<vmem>>
      %dma_start3A_59 = arith.constant 0 : i32
      %dma_start3A_60 = arith.constant 0 : i32
      %dma_start3A_61 = tpu.memref_slice %arg8[%dma_start3A_59, %dma_start3A_60] : memref<10240x128xf32, #tpu.memory_space<vmem_shared>> -> memref<10240x128xf32, #tpu.memory_space<vmem_shared>>
      tpu.enqueue_indirect_dma source(%arg7 : memref<80x128xf32, #tpu.memory_space<vmem>>) target(%dma_start3A_61 : memref<10240x128xf32, #tpu.memory_space<vmem_shared>>) offsets(%dma_start3A_58 : memref<80xi32, #tpu.memory_space<vmem>>) semaphore(%arg10 : memref<!tpu.dma_semaphore, #tpu.memory_space<semaphore_mem>>) {add = true}
      %add3A_62 = arith.constant 2 : i32
      %add3A_63 = arith.addi %mul3A_35, %add3A_62 : i32
      %ge3A_64 = arith.constant 3 : i32
      %ge3A_65 = arith.cmpi sge, %add3A_63, %ge3A_64 : i32
      %convert_element_type3A_66 = arith.extui %ge3A_65 : i1 to i32
      %cond3A_67 = arith.constant 0 : i32
      %cond3A_68 = arith.cmpi ne, %convert_element_type3A_66, %cond3A_67 : i32
      scf.if %cond3A_68 {
        %dma_wait3A_77 = arith.constant 2 : i32
        %dma_wait3A_78 = arith.constant 0 : i32
        %dma_wait3A_79 = tpu.memref_slice %arg6[%dma_wait3A_77, %dma_wait3A_78] : memref<126x80xi32, #tpu.memory_space<vmem>> -> memref<1x80xi32, #tpu.memory_space<vmem>>
        %dma_wait3A_80 = tpu.memref_squeeze %dma_wait3A_79 : memref<1x80xi32, #tpu.memory_space<vmem>> -> memref<80xi32, #tpu.memory_space<vmem>>
        %dma_wait3A_81 = arith.constant 0 : i32
        %dma_wait3A_82 = arith.constant 0 : i32
        %dma_wait3A_83 = tpu.memref_slice %arg8[%dma_wait3A_81, %dma_wait3A_82] : memref<10240x128xf32, #tpu.memory_space<vmem_shared>> -> memref<10240x128xf32, #tpu.memory_space<vmem_shared>>
        tpu.wait_indirect_dma semaphore(%arg11 : memref<!tpu.dma_semaphore, #tpu.memory_space<semaphore_mem>>) src(%arg7 : memref<80x128xf32, #tpu.memory_space<vmem>>) dst(%dma_wait3A_83 : memref<10240x128xf32, #tpu.memory_space<vmem_shared>>)
      } else {
      }
      %add3A_69 = arith.constant 2 : i32
      %add3A_70 = arith.addi %mul3A_35, %add3A_69 : i32
      %dma_start3A_71 = arith.constant 0 : i32
      %dma_start3A_72 = tpu.memref_slice %arg6[%add3A_70, %dma_start3A_71] : memref<126x80xi32, #tpu.memory_space<vmem>> -> memref<1x80xi32, #tpu.memory_space<vmem>>
      %dma_start3A_73 = tpu.memref_squeeze %dma_start3A_72 : memref<1x80xi32, #tpu.memory_space<vmem>> -> memref<80xi32, #tpu.memory_space<vmem>>
      %dma_start3A_74 = arith.constant 0 : i32
      %dma_start3A_75 = arith.constant 0 : i32
      %dma_start3A_76 = tpu.memref_slice %arg8[%dma_start3A_74, %dma_start3A_75] : memref<10240x128xf32, #tpu.memory_space<vmem_shared>> -> memref<10240x128xf32, #tpu.memory_space<vmem_shared>>
      tpu.enqueue_indirect_dma source(%arg7 : memref<80x128xf32, #tpu.memory_space<vmem>>) target(%dma_start3A_76 : memref<10240x128xf32, #tpu.memory_space<vmem_shared>>) offsets(%dma_start3A_73 : memref<80xi32, #tpu.memory_space<vmem>>) semaphore(%arg11 : memref<!tpu.dma_semaphore, #tpu.memory_space<semaphore_mem>>) {add = true}
    }
    %scan3A_7 = arith.constant 42 : i32
    %dma_wait3A = arith.constant 0 : i32
    %dma_wait3A_8 = arith.constant 0 : i32
    %dma_wait3A_9 = tpu.memref_slice %arg6[%dma_wait3A, %dma_wait3A_8] : memref<126x80xi32, #tpu.memory_space<vmem>> -> memref<1x80xi32, #tpu.memory_space<vmem>>
    %dma_wait3A_10 = tpu.memref_squeeze %dma_wait3A_9 : memref<1x80xi32, #tpu.memory_space<vmem>> -> memref<80xi32, #tpu.memory_space<vmem>>
    %dma_wait3A_11 = arith.constant 0 : i32
    %dma_wait3A_12 = arith.constant 0 : i32
    %dma_wait3A_13 = tpu.memref_slice %arg8[%dma_wait3A_11, %dma_wait3A_12] : memref<10240x128xf32, #tpu.memory_space<vmem_shared>> -> memref<10240x128xf32, #tpu.memory_space<vmem_shared>>
    tpu.wait_indirect_dma semaphore(%arg9 : memref<!tpu.dma_semaphore, #tpu.memory_space<semaphore_mem>>) src(%arg7 : memref<80x128xf32, #tpu.memory_space<vmem>>) dst(%dma_wait3A_13 : memref<10240x128xf32, #tpu.memory_space<vmem_shared>>)
    %dma_wait3A_14 = arith.constant 1 : i32
    %dma_wait3A_15 = arith.constant 0 : i32
    %dma_wait3A_16 = tpu.memref_slice %arg6[%dma_wait3A_14, %dma_wait3A_15] : memref<126x80xi32, #tpu.memory_space<vmem>> -> memref<1x80xi32, #tpu.memory_space<vmem>>
    %dma_wait3A_17 = tpu.memref_squeeze %dma_wait3A_16 : memref<1x80xi32, #tpu.memory_space<vmem>> -> memref<80xi32, #tpu.memory_space<vmem>>
    %dma_wait3A_18 = arith.constant 0 : i32
    %dma_wait3A_19 = arith.constant 0 : i32
    %dma_wait3A_20 = tpu.memref_slice %arg8[%dma_wait3A_18, %dma_wait3A_19] : memref<10240x128xf32, #tpu.memory_space<vmem_shared>> -> memref<10240x128xf32, #tpu.memory_space<vmem_shared>>
    tpu.wait_indirect_dma semaphore(%arg10 : memref<!tpu.dma_semaphore, #tpu.memory_space<semaphore_mem>>) src(%arg7 : memref<80x128xf32, #tpu.memory_space<vmem>>) dst(%dma_wait3A_20 : memref<10240x128xf32, #tpu.memory_space<vmem_shared>>)
    %dma_wait3A_21 = arith.constant 2 : i32
    %dma_wait3A_22 = arith.constant 0 : i32
    %dma_wait3A_23 = tpu.memref_slice %arg6[%dma_wait3A_21, %dma_wait3A_22] : memref<126x80xi32, #tpu.memory_space<vmem>> -> memref<1x80xi32, #tpu.memory_space<vmem>>
    %dma_wait3A_24 = tpu.memref_squeeze %dma_wait3A_23 : memref<1x80xi32, #tpu.memory_space<vmem>> -> memref<80xi32, #tpu.memory_space<vmem>>
    %dma_wait3A_25 = arith.constant 0 : i32
    %dma_wait3A_26 = arith.constant 0 : i32
    %dma_wait3A_27 = tpu.memref_slice %arg8[%dma_wait3A_25, %dma_wait3A_26] : memref<10240x128xf32, #tpu.memory_space<vmem_shared>> -> memref<10240x128xf32, #tpu.memory_space<vmem_shared>>
    tpu.wait_indirect_dma semaphore(%arg11 : memref<!tpu.dma_semaphore, #tpu.memory_space<semaphore_mem>>) src(%arg7 : memref<80x128xf32, #tpu.memory_space<vmem>>) dst(%dma_wait3A_27 : memref<10240x128xf32, #tpu.memory_space<vmem_shared>>)
    %barrier3A_28 = arith.constant 0 : index
    tpu.barrier barrier_id(%barrier3A_28)
    %mul3A_29 = arith.constant 640 : i32
    %mul3A_30 = arith.muli %arg1, %mul3A_29 : i32
    %mul3A_31 = arith.constant 640 : i32
    %mul3A_32 = arith.muli %arg1, %mul3A_31 : i32
    "tpu.region"() ({
      %run_scoped3A = tpu.sem_alloc : memref<!tpu.dma_semaphore, #tpu.memory_space<semaphore_mem>>
      %dma_start3A = arith.constant 0 : i32
      %dma_start3A_33 = tpu.memref_slice %arg5[%arg0, %mul3A_32, %dma_start3A] : memref<2x10240x128xf32, #tpu.memory_space<hbm>> -> memref<1x640x128xf32, #tpu.memory_space<hbm>>
      %dma_start3A_34 = tpu.memref_squeeze %dma_start3A_33 : memref<1x640x128xf32, #tpu.memory_space<hbm>> -> memref<640x128xf32, #tpu.memory_space<hbm>>
      %dma_start3A_35 = arith.constant 0 : i32
      %dma_start3A_36 = tpu.memref_slice %arg8[%mul3A_30, %dma_start3A_35] : memref<10240x128xf32, #tpu.memory_space<vmem_shared>> -> memref<640x128xf32, #tpu.memory_space<vmem_shared>>
      tpu.enqueue_dma source(%dma_start3A_36 : memref<640x128xf32, #tpu.memory_space<vmem_shared>>) target(%dma_start3A_34 : memref<640x128xf32, #tpu.memory_space<hbm>>) target_semaphore(%run_scoped3A : memref<!tpu.dma_semaphore, #tpu.memory_space<semaphore_mem>>)
      %dma_wait3A_37 = arith.constant 0 : i32
      %dma_wait3A_38 = tpu.memref_slice %arg5[%arg0, %mul3A_32, %dma_wait3A_37] : memref<2x10240x128xf32, #tpu.memory_space<hbm>> -> memref<1x640x128xf32, #tpu.memory_space<hbm>>
      %dma_wait3A_39 = tpu.memref_squeeze %dma_wait3A_38 : memref<1x640x128xf32, #tpu.memory_space<hbm>> -> memref<640x128xf32, #tpu.memory_space<hbm>>
      %dma_wait3A_40 = arith.constant 0 : i32
      %dma_wait3A_41 = tpu.memref_slice %arg8[%mul3A_30, %dma_wait3A_40] : memref<10240x128xf32, #tpu.memory_space<vmem_shared>> -> memref<640x128xf32, #tpu.memory_space<vmem_shared>>
      tpu.wait_dma2 semaphore(%run_scoped3A : memref<!tpu.dma_semaphore, #tpu.memory_space<semaphore_mem>>) src(%dma_wait3A_41 : memref<640x128xf32, #tpu.memory_space<vmem_shared>>) dst(%dma_wait3A_39 : memref<640x128xf32, #tpu.memory_space<hbm>>)
      tpu.yield
    }) : () -> ()
    return
  }
}

#map = affine_map<(d0, d1) -> (0, 0)>
#map1 = affine_map<(d0, d1) -> (0, 0, 0)>
module attributes {stable_mosaic.version = 14 : i64} {
  func.func @_sc_agg_body(%arg0: i32, %arg1: i32, %arg2: memref<10240x128xf32, #tpu.memory_space<hbm>>, %arg3: memref<32x126x80xi32, #tpu.memory_space<hbm>>, %arg4: memref<32x126x80xi32, #tpu.memory_space<hbm>>, %arg5: memref<640x128xf32, #tpu.memory_space<hbm>>, %arg6: memref<2x10240x128xf32, #tpu.memory_space<hbm>>, %arg7: memref<3x80xi32, #tpu.memory_space<vmem>>, %arg8: memref<126x80xi32, #tpu.memory_space<vmem>>, %arg9: memref<3x80x128xf32, #tpu.memory_space<vmem>>, %arg10: memref<10240x128xf32, #tpu.memory_space<vmem_shared>>, %arg11: memref<!tpu.dma_semaphore, #tpu.memory_space<semaphore_mem>>, %arg12: memref<!tpu.dma_semaphore, #tpu.memory_space<semaphore_mem>>, %arg13: memref<!tpu.dma_semaphore, #tpu.memory_space<semaphore_mem>>, %arg14: memref<!tpu.dma_semaphore, #tpu.memory_space<semaphore_mem>>, %arg15: memref<!tpu.dma_semaphore, #tpu.memory_space<semaphore_mem>>, %arg16: memref<!tpu.dma_semaphore, #tpu.memory_space<semaphore_mem>>, %arg17: memref<!tpu.dma_semaphore, #tpu.memory_space<semaphore_mem>>, %arg18: memref<!tpu.dma_semaphore, #tpu.memory_space<semaphore_mem>>, %arg19: memref<!tpu.dma_semaphore, #tpu.memory_space<semaphore_mem>>) attributes {dimension_semantics = [#tpu.dimension_semantics<core_parallel>, #tpu.dimension_semantics<subcore_parallel>], iteration_bounds = array<i64: 2, 16>, scalar_prefetch = 0 : i64, scratch_operands = 13 : i64, tpu.core_type = #tpu.core_type<sc_vector_subcore>, window_params = [{transform_indices = #map}, {transform_indices = #map1}, {transform_indices = #map1}, {transform_indices = #map}, {transform_indices = #map1}]} {
    %mul3A = arith.constant 16 : i32
    %mul3A_0 = arith.muli %arg0, %mul3A : i32
    %add3A = arith.addi %mul3A_0, %arg1 : i32
    %mul3A_1 = arith.constant 640 : i32
    %mul3A_2 = arith.muli %arg1, %mul3A_1 : i32
    "tpu.region"() ({
      %run_scoped3A = tpu.sem_alloc : memref<!tpu.dma_semaphore, #tpu.memory_space<semaphore_mem>>
      %dma_start3A_141 = arith.constant 0 : i32
      %dma_start3A_142 = tpu.memref_slice %arg10[%mul3A_2, %dma_start3A_141] : memref<10240x128xf32, #tpu.memory_space<vmem_shared>> -> memref<640x128xf32, #tpu.memory_space<vmem_shared>>
      tpu.enqueue_dma source(%arg5 : memref<640x128xf32, #tpu.memory_space<hbm>>) target(%dma_start3A_142 : memref<640x128xf32, #tpu.memory_space<vmem_shared>>) target_semaphore(%run_scoped3A : memref<!tpu.dma_semaphore, #tpu.memory_space<semaphore_mem>>)
      %dma_wait3A_143 = arith.constant 0 : i32
      %dma_wait3A_144 = tpu.memref_slice %arg10[%mul3A_2, %dma_wait3A_143] : memref<10240x128xf32, #tpu.memory_space<vmem_shared>> -> memref<640x128xf32, #tpu.memory_space<vmem_shared>>
      tpu.wait_dma2 semaphore(%run_scoped3A : memref<!tpu.dma_semaphore, #tpu.memory_space<semaphore_mem>>) src(%arg5 : memref<640x128xf32, #tpu.memory_space<hbm>>) dst(%dma_wait3A_144 : memref<640x128xf32, #tpu.memory_space<vmem_shared>>)
      tpu.yield
    }) : () -> ()
    %barrier3A = arith.constant 0 : index
    tpu.barrier barrier_id(%barrier3A)
    "tpu.region"() ({
      %run_scoped3A = tpu.sem_alloc : memref<!tpu.dma_semaphore, #tpu.memory_space<semaphore_mem>>
      %dma_start3A_141 = arith.constant 0 : i32
      %dma_start3A_142 = arith.constant 0 : i32
      %dma_start3A_143 = tpu.memref_slice %arg4[%add3A, %dma_start3A_141, %dma_start3A_142] : memref<32x126x80xi32, #tpu.memory_space<hbm>> -> memref<1x126x80xi32, #tpu.memory_space<hbm>>
      %dma_start3A_144 = tpu.memref_squeeze %dma_start3A_143 : memref<1x126x80xi32, #tpu.memory_space<hbm>> -> memref<126x80xi32, #tpu.memory_space<hbm>>
      %dma_start3A_145 = arith.constant 0 : i32
      %dma_start3A_146 = arith.constant 0 : i32
      %dma_start3A_147 = tpu.memref_slice %arg4[%add3A, %dma_start3A_145, %dma_start3A_146] : memref<32x126x80xi32, #tpu.memory_space<hbm>> -> memref<1x126x80xi32, #tpu.memory_space<hbm>>
      %dma_start3A_148 = tpu.memref_squeeze %dma_start3A_147 : memref<1x126x80xi32, #tpu.memory_space<hbm>> -> memref<126x80xi32, #tpu.memory_space<hbm>>
      tpu.enqueue_dma source(%dma_start3A_148 : memref<126x80xi32, #tpu.memory_space<hbm>>) target(%arg8 : memref<126x80xi32, #tpu.memory_space<vmem>>) target_semaphore(%run_scoped3A : memref<!tpu.dma_semaphore, #tpu.memory_space<semaphore_mem>>)
      %dma_wait3A_149 = arith.constant 0 : i32
      %dma_wait3A_150 = arith.constant 0 : i32
      %dma_wait3A_151 = tpu.memref_slice %arg4[%add3A, %dma_wait3A_149, %dma_wait3A_150] : memref<32x126x80xi32, #tpu.memory_space<hbm>> -> memref<1x126x80xi32, #tpu.memory_space<hbm>>
      %dma_wait3A_152 = tpu.memref_squeeze %dma_wait3A_151 : memref<1x126x80xi32, #tpu.memory_space<hbm>> -> memref<126x80xi32, #tpu.memory_space<hbm>>
      %dma_wait3A_153 = arith.constant 0 : i32
      %dma_wait3A_154 = arith.constant 0 : i32
      %dma_wait3A_155 = tpu.memref_slice %arg4[%add3A, %dma_wait3A_153, %dma_wait3A_154] : memref<32x126x80xi32, #tpu.memory_space<hbm>> -> memref<1x126x80xi32, #tpu.memory_space<hbm>>
      %dma_wait3A_156 = tpu.memref_squeeze %dma_wait3A_155 : memref<1x126x80xi32, #tpu.memory_space<hbm>> -> memref<126x80xi32, #tpu.memory_space<hbm>>
      tpu.wait_dma2 semaphore(%run_scoped3A : memref<!tpu.dma_semaphore, #tpu.memory_space<semaphore_mem>>) src(%dma_wait3A_156 : memref<126x80xi32, #tpu.memory_space<hbm>>) dst(%arg8 : memref<126x80xi32, #tpu.memory_space<vmem>>)
      tpu.yield
    }) : () -> ()
    %dma_start3A = arith.constant 0 : i32
    %dma_start3A_3 = arith.constant 0 : i32
    %dma_start3A_4 = arith.constant 0 : i32
    %dma_start3A_5 = tpu.memref_slice %arg7[%dma_start3A_3, %dma_start3A_4] : memref<3x80xi32, #tpu.memory_space<vmem>> -> memref<1x80xi32, #tpu.memory_space<vmem>>
    %dma_start3A_6 = tpu.memref_squeeze %dma_start3A_5 : memref<1x80xi32, #tpu.memory_space<vmem>> -> memref<80xi32, #tpu.memory_space<vmem>>
    %dma_start3A_7 = arith.constant 0 : i32
    %dma_start3A_8 = tpu.memref_slice %arg3[%add3A, %dma_start3A, %dma_start3A_7] : memref<32x126x80xi32, #tpu.memory_space<hbm>> -> memref<1x1x80xi32, #tpu.memory_space<hbm>>
    %dma_start3A_9 = tpu.memref_squeeze %dma_start3A_8 : memref<1x1x80xi32, #tpu.memory_space<hbm>> -> memref<80xi32, #tpu.memory_space<hbm>>
    %dma_start3A_10 = arith.constant 0 : i32
    %dma_start3A_11 = tpu.memref_slice %arg7[%dma_start3A_3, %dma_start3A_10] : memref<3x80xi32, #tpu.memory_space<vmem>> -> memref<1x80xi32, #tpu.memory_space<vmem>>
    %dma_start3A_12 = tpu.memref_squeeze %dma_start3A_11 : memref<1x80xi32, #tpu.memory_space<vmem>> -> memref<80xi32, #tpu.memory_space<vmem>>
    %dma_start3A_13 = arith.constant 0 : i32
    %dma_start3A_14 = tpu.memref_slice %arg3[%add3A, %dma_start3A, %dma_start3A_13] : memref<32x126x80xi32, #tpu.memory_space<hbm>> -> memref<1x1x80xi32, #tpu.memory_space<hbm>>
    %dma_start3A_15 = tpu.memref_squeeze %dma_start3A_14 : memref<1x1x80xi32, #tpu.memory_space<hbm>> -> memref<80xi32, #tpu.memory_space<hbm>>
    tpu.enqueue_dma source(%dma_start3A_15 : memref<80xi32, #tpu.memory_space<hbm>>) target(%dma_start3A_12 : memref<80xi32, #tpu.memory_space<vmem>>) target_semaphore(%arg14 : memref<!tpu.dma_semaphore, #tpu.memory_space<semaphore_mem>>)
    %dma_start3A_16 = arith.constant 1 : i32
    %dma_start3A_17 = arith.constant 1 : i32
    %dma_start3A_18 = arith.constant 0 : i32
    %dma_start3A_19 = tpu.memref_slice %arg7[%dma_start3A_17, %dma_start3A_18] : memref<3x80xi32, #tpu.memory_space<vmem>> -> memref<1x80xi32, #tpu.memory_space<vmem>>
    %dma_start3A_20 = tpu.memref_squeeze %dma_start3A_19 : memref<1x80xi32, #tpu.memory_space<vmem>> -> memref<80xi32, #tpu.memory_space<vmem>>
    %dma_start3A_21 = arith.constant 0 : i32
    %dma_start3A_22 = tpu.memref_slice %arg3[%add3A, %dma_start3A_16, %dma_start3A_21] : memref<32x126x80xi32, #tpu.memory_space<hbm>> -> memref<1x1x80xi32, #tpu.memory_space<hbm>>
    %dma_start3A_23 = tpu.memref_squeeze %dma_start3A_22 : memref<1x1x80xi32, #tpu.memory_space<hbm>> -> memref<80xi32, #tpu.memory_space<hbm>>
    %dma_start3A_24 = arith.constant 0 : i32
    %dma_start3A_25 = tpu.memref_slice %arg7[%dma_start3A_17, %dma_start3A_24] : memref<3x80xi32, #tpu.memory_space<vmem>> -> memref<1x80xi32, #tpu.memory_space<vmem>>
    %dma_start3A_26 = tpu.memref_squeeze %dma_start3A_25 : memref<1x80xi32, #tpu.memory_space<vmem>> -> memref<80xi32, #tpu.memory_space<vmem>>
    %dma_start3A_27 = arith.constant 0 : i32
    %dma_start3A_28 = tpu.memref_slice %arg3[%add3A, %dma_start3A_16, %dma_start3A_27] : memref<32x126x80xi32, #tpu.memory_space<hbm>> -> memref<1x1x80xi32, #tpu.memory_space<hbm>>
    %dma_start3A_29 = tpu.memref_squeeze %dma_start3A_28 : memref<1x1x80xi32, #tpu.memory_space<hbm>> -> memref<80xi32, #tpu.memory_space<hbm>>
    tpu.enqueue_dma source(%dma_start3A_29 : memref<80xi32, #tpu.memory_space<hbm>>) target(%dma_start3A_26 : memref<80xi32, #tpu.memory_space<vmem>>) target_semaphore(%arg15 : memref<!tpu.dma_semaphore, #tpu.memory_space<semaphore_mem>>)
    %dma_start3A_30 = arith.constant 2 : i32
    %dma_start3A_31 = arith.constant 2 : i32
    %dma_start3A_32 = arith.constant 0 : i32
    %dma_start3A_33 = tpu.memref_slice %arg7[%dma_start3A_31, %dma_start3A_32] : memref<3x80xi32, #tpu.memory_space<vmem>> -> memref<1x80xi32, #tpu.memory_space<vmem>>
    %dma_start3A_34 = tpu.memref_squeeze %dma_start3A_33 : memref<1x80xi32, #tpu.memory_space<vmem>> -> memref<80xi32, #tpu.memory_space<vmem>>
    %dma_start3A_35 = arith.constant 0 : i32
    %dma_start3A_36 = tpu.memref_slice %arg3[%add3A, %dma_start3A_30, %dma_start3A_35] : memref<32x126x80xi32, #tpu.memory_space<hbm>> -> memref<1x1x80xi32, #tpu.memory_space<hbm>>
    %dma_start3A_37 = tpu.memref_squeeze %dma_start3A_36 : memref<1x1x80xi32, #tpu.memory_space<hbm>> -> memref<80xi32, #tpu.memory_space<hbm>>
    %dma_start3A_38 = arith.constant 0 : i32
    %dma_start3A_39 = tpu.memref_slice %arg7[%dma_start3A_31, %dma_start3A_38] : memref<3x80xi32, #tpu.memory_space<vmem>> -> memref<1x80xi32, #tpu.memory_space<vmem>>
    %dma_start3A_40 = tpu.memref_squeeze %dma_start3A_39 : memref<1x80xi32, #tpu.memory_space<vmem>> -> memref<80xi32, #tpu.memory_space<vmem>>
    %dma_start3A_41 = arith.constant 0 : i32
    %dma_start3A_42 = tpu.memref_slice %arg3[%add3A, %dma_start3A_30, %dma_start3A_41] : memref<32x126x80xi32, #tpu.memory_space<hbm>> -> memref<1x1x80xi32, #tpu.memory_space<hbm>>
    %dma_start3A_43 = tpu.memref_squeeze %dma_start3A_42 : memref<1x1x80xi32, #tpu.memory_space<hbm>> -> memref<80xi32, #tpu.memory_space<hbm>>
    tpu.enqueue_dma source(%dma_start3A_43 : memref<80xi32, #tpu.memory_space<hbm>>) target(%dma_start3A_40 : memref<80xi32, #tpu.memory_space<vmem>>) target_semaphore(%arg16 : memref<!tpu.dma_semaphore, #tpu.memory_space<semaphore_mem>>)
    %dma_wait3A = arith.constant 0 : i32
    %dma_wait3A_44 = arith.constant 0 : i32
    %dma_wait3A_45 = arith.constant 0 : i32
    %dma_wait3A_46 = tpu.memref_slice %arg7[%dma_wait3A_44, %dma_wait3A_45] : memref<3x80xi32, #tpu.memory_space<vmem>> -> memref<1x80xi32, #tpu.memory_space<vmem>>
    %dma_wait3A_47 = tpu.memref_squeeze %dma_wait3A_46 : memref<1x80xi32, #tpu.memory_space<vmem>> -> memref<80xi32, #tpu.memory_space<vmem>>
    %dma_wait3A_48 = arith.constant 0 : i32
    %dma_wait3A_49 = tpu.memref_slice %arg3[%add3A, %dma_wait3A, %dma_wait3A_48] : memref<32x126x80xi32, #tpu.memory_space<hbm>> -> memref<1x1x80xi32, #tpu.memory_space<hbm>>
    %dma_wait3A_50 = tpu.memref_squeeze %dma_wait3A_49 : memref<1x1x80xi32, #tpu.memory_space<hbm>> -> memref<80xi32, #tpu.memory_space<hbm>>
    %dma_wait3A_51 = arith.constant 0 : i32
    %dma_wait3A_52 = tpu.memref_slice %arg7[%dma_wait3A_44, %dma_wait3A_51] : memref<3x80xi32, #tpu.memory_space<vmem>> -> memref<1x80xi32, #tpu.memory_space<vmem>>
    %dma_wait3A_53 = tpu.memref_squeeze %dma_wait3A_52 : memref<1x80xi32, #tpu.memory_space<vmem>> -> memref<80xi32, #tpu.memory_space<vmem>>
    %dma_wait3A_54 = arith.constant 0 : i32
    %dma_wait3A_55 = tpu.memref_slice %arg3[%add3A, %dma_wait3A, %dma_wait3A_54] : memref<32x126x80xi32, #tpu.memory_space<hbm>> -> memref<1x1x80xi32, #tpu.memory_space<hbm>>
    %dma_wait3A_56 = tpu.memref_squeeze %dma_wait3A_55 : memref<1x1x80xi32, #tpu.memory_space<hbm>> -> memref<80xi32, #tpu.memory_space<hbm>>
    tpu.wait_dma2 semaphore(%arg14 : memref<!tpu.dma_semaphore, #tpu.memory_space<semaphore_mem>>) src(%dma_wait3A_56 : memref<80xi32, #tpu.memory_space<hbm>>) dst(%dma_wait3A_53 : memref<80xi32, #tpu.memory_space<vmem>>)
    %dma_start3A_57 = arith.constant 0 : i32
    %dma_start3A_58 = arith.constant 0 : i32
    %dma_start3A_59 = arith.constant 0 : i32
    %dma_start3A_60 = arith.constant 0 : i32
    %dma_start3A_61 = tpu.memref_slice %arg9[%dma_start3A_58, %dma_start3A_59, %dma_start3A_60] : memref<3x80x128xf32, #tpu.memory_space<vmem>> -> memref<1x80x128xf32, #tpu.memory_space<vmem>>
    %dma_start3A_62 = tpu.memref_squeeze %dma_start3A_61 : memref<1x80x128xf32, #tpu.memory_space<vmem>> -> memref<80x128xf32, #tpu.memory_space<vmem>>
    %dma_start3A_63 = arith.constant 0 : i32
    %dma_start3A_64 = tpu.memref_slice %arg7[%dma_start3A_57, %dma_start3A_63] : memref<3x80xi32, #tpu.memory_space<vmem>> -> memref<1x80xi32, #tpu.memory_space<vmem>>
    %dma_start3A_65 = tpu.memref_squeeze %dma_start3A_64 : memref<1x80xi32, #tpu.memory_space<vmem>> -> memref<80xi32, #tpu.memory_space<vmem>>
    %dma_start3A_66 = arith.constant 0 : i32
    %dma_start3A_67 = arith.constant 0 : i32
    %dma_start3A_68 = tpu.memref_slice %arg2[%dma_start3A_66, %dma_start3A_67] : memref<10240x128xf32, #tpu.memory_space<hbm>> -> memref<10240x128xf32, #tpu.memory_space<hbm>>
    tpu.enqueue_indirect_dma source(%dma_start3A_68 : memref<10240x128xf32, #tpu.memory_space<hbm>>) target(%dma_start3A_62 : memref<80x128xf32, #tpu.memory_space<vmem>>) offsets(%dma_start3A_65 : memref<80xi32, #tpu.memory_space<vmem>>) semaphore(%arg11 : memref<!tpu.dma_semaphore, #tpu.memory_space<semaphore_mem>>)
    %dma_wait3A_69 = arith.constant 1 : i32
    %dma_wait3A_70 = arith.constant 1 : i32
    %dma_wait3A_71 = arith.constant 0 : i32
    %dma_wait3A_72 = tpu.memref_slice %arg7[%dma_wait3A_70, %dma_wait3A_71] : memref<3x80xi32, #tpu.memory_space<vmem>> -> memref<1x80xi32, #tpu.memory_space<vmem>>
    %dma_wait3A_73 = tpu.memref_squeeze %dma_wait3A_72 : memref<1x80xi32, #tpu.memory_space<vmem>> -> memref<80xi32, #tpu.memory_space<vmem>>
    %dma_wait3A_74 = arith.constant 0 : i32
    %dma_wait3A_75 = tpu.memref_slice %arg3[%add3A, %dma_wait3A_69, %dma_wait3A_74] : memref<32x126x80xi32, #tpu.memory_space<hbm>> -> memref<1x1x80xi32, #tpu.memory_space<hbm>>
    %dma_wait3A_76 = tpu.memref_squeeze %dma_wait3A_75 : memref<1x1x80xi32, #tpu.memory_space<hbm>> -> memref<80xi32, #tpu.memory_space<hbm>>
    %dma_wait3A_77 = arith.constant 0 : i32
    %dma_wait3A_78 = tpu.memref_slice %arg7[%dma_wait3A_70, %dma_wait3A_77] : memref<3x80xi32, #tpu.memory_space<vmem>> -> memref<1x80xi32, #tpu.memory_space<vmem>>
    %dma_wait3A_79 = tpu.memref_squeeze %dma_wait3A_78 : memref<1x80xi32, #tpu.memory_space<vmem>> -> memref<80xi32, #tpu.memory_space<vmem>>
    %dma_wait3A_80 = arith.constant 0 : i32
    %dma_wait3A_81 = tpu.memref_slice %arg3[%add3A, %dma_wait3A_69, %dma_wait3A_80] : memref<32x126x80xi32, #tpu.memory_space<hbm>> -> memref<1x1x80xi32, #tpu.memory_space<hbm>>
    %dma_wait3A_82 = tpu.memref_squeeze %dma_wait3A_81 : memref<1x1x80xi32, #tpu.memory_space<hbm>> -> memref<80xi32, #tpu.memory_space<hbm>>
    tpu.wait_dma2 semaphore(%arg15 : memref<!tpu.dma_semaphore, #tpu.memory_space<semaphore_mem>>) src(%dma_wait3A_82 : memref<80xi32, #tpu.memory_space<hbm>>) dst(%dma_wait3A_79 : memref<80xi32, #tpu.memory_space<vmem>>)
    %dma_start3A_83 = arith.constant 1 : i32
    %dma_start3A_84 = arith.constant 1 : i32
    %dma_start3A_85 = arith.constant 0 : i32
    %dma_start3A_86 = arith.constant 0 : i32
    %dma_start3A_87 = tpu.memref_slice %arg9[%dma_start3A_84, %dma_start3A_85, %dma_start3A_86] : memref<3x80x128xf32, #tpu.memory_space<vmem>> -> memref<1x80x128xf32, #tpu.memory_space<vmem>>
    %dma_start3A_88 = tpu.memref_squeeze %dma_start3A_87 : memref<1x80x128xf32, #tpu.memory_space<vmem>> -> memref<80x128xf32, #tpu.memory_space<vmem>>
    %dma_start3A_89 = arith.constant 0 : i32
    %dma_start3A_90 = tpu.memref_slice %arg7[%dma_start3A_83, %dma_start3A_89] : memref<3x80xi32, #tpu.memory_space<vmem>> -> memref<1x80xi32, #tpu.memory_space<vmem>>
    %dma_start3A_91 = tpu.memref_squeeze %dma_start3A_90 : memref<1x80xi32, #tpu.memory_space<vmem>> -> memref<80xi32, #tpu.memory_space<vmem>>
    %dma_start3A_92 = arith.constant 0 : i32
    %dma_start3A_93 = arith.constant 0 : i32
    %dma_start3A_94 = tpu.memref_slice %arg2[%dma_start3A_92, %dma_start3A_93] : memref<10240x128xf32, #tpu.memory_space<hbm>> -> memref<10240x128xf32, #tpu.memory_space<hbm>>
    tpu.enqueue_indirect_dma source(%dma_start3A_94 : memref<10240x128xf32, #tpu.memory_space<hbm>>) target(%dma_start3A_88 : memref<80x128xf32, #tpu.memory_space<vmem>>) offsets(%dma_start3A_91 : memref<80xi32, #tpu.memory_space<vmem>>) semaphore(%arg12 : memref<!tpu.dma_semaphore, #tpu.memory_space<semaphore_mem>>)
    %scan3A = arith.constant 0 : i32
    %scan3A_95 = arith.constant 0 : i32
    %scan3A_96 = arith.constant 42 : i32
    %scan3A_97 = arith.addi %scan3A_95, %scan3A_96 : i32
    %scan3A_98 = arith.constant 1 : i32
    scf.for %scan3A_141 = %scan3A_95 to %scan3A_97 step %scan3A_98  : i32 {
      %mul3A_142 = arith.constant 3 : i32
      %mul3A_143 = arith.muli %scan3A_141, %mul3A_142 : i32
      %add3A_144 = arith.constant 0 : i32
      %add3A_145 = arith.addi %mul3A_143, %add3A_144 : i32
      %dma_wait3A_146 = arith.constant 0 : i32
      %dma_wait3A_147 = arith.constant 0 : i32
      %dma_wait3A_148 = arith.constant 0 : i32
      %dma_wait3A_149 = arith.constant 0 : i32
      %dma_wait3A_150 = tpu.memref_slice %arg9[%dma_wait3A_147, %dma_wait3A_148, %dma_wait3A_149] : memref<3x80x128xf32, #tpu.memory_space<vmem>> -> memref<1x80x128xf32, #tpu.memory_space<vmem>>
      %dma_wait3A_151 = tpu.memref_squeeze %dma_wait3A_150 : memref<1x80x128xf32, #tpu.memory_space<vmem>> -> memref<80x128xf32, #tpu.memory_space<vmem>>
      %dma_wait3A_152 = arith.constant 0 : i32
      %dma_wait3A_153 = tpu.memref_slice %arg7[%dma_wait3A_146, %dma_wait3A_152] : memref<3x80xi32, #tpu.memory_space<vmem>> -> memref<1x80xi32, #tpu.memory_space<vmem>>
      %dma_wait3A_154 = tpu.memref_squeeze %dma_wait3A_153 : memref<1x80xi32, #tpu.memory_space<vmem>> -> memref<80xi32, #tpu.memory_space<vmem>>
      %dma_wait3A_155 = arith.constant 0 : i32
      %dma_wait3A_156 = arith.constant 0 : i32
      %dma_wait3A_157 = tpu.memref_slice %arg2[%dma_wait3A_155, %dma_wait3A_156] : memref<10240x128xf32, #tpu.memory_space<hbm>> -> memref<10240x128xf32, #tpu.memory_space<hbm>>
      tpu.wait_indirect_dma semaphore(%arg11 : memref<!tpu.dma_semaphore, #tpu.memory_space<semaphore_mem>>) src(%dma_wait3A_157 : memref<10240x128xf32, #tpu.memory_space<hbm>>) dst(%dma_wait3A_151 : memref<80x128xf32, #tpu.memory_space<vmem>>)
      %dma_start3A_158 = arith.constant 0 : i32
      %dma_start3A_159 = arith.constant 0 : i32
      %dma_start3A_160 = arith.constant 0 : i32
      %dma_start3A_161 = tpu.memref_slice %arg9[%dma_start3A_158, %dma_start3A_159, %dma_start3A_160] : memref<3x80x128xf32, #tpu.memory_space<vmem>> -> memref<1x80x128xf32, #tpu.memory_space<vmem>>
      %dma_start3A_162 = tpu.memref_squeeze %dma_start3A_161 : memref<1x80x128xf32, #tpu.memory_space<vmem>> -> memref<80x128xf32, #tpu.memory_space<vmem>>
      %dma_start3A_163 = arith.constant 0 : i32
      %dma_start3A_164 = tpu.memref_slice %arg8[%add3A_145, %dma_start3A_163] : memref<126x80xi32, #tpu.memory_space<vmem>> -> memref<1x80xi32, #tpu.memory_space<vmem>>
      %dma_start3A_165 = tpu.memref_squeeze %dma_start3A_164 : memref<1x80xi32, #tpu.memory_space<vmem>> -> memref<80xi32, #tpu.memory_space<vmem>>
      %dma_start3A_166 = arith.constant 0 : i32
      %dma_start3A_167 = arith.constant 0 : i32
      %dma_start3A_168 = tpu.memref_slice %arg10[%dma_start3A_166, %dma_start3A_167] : memref<10240x128xf32, #tpu.memory_space<vmem_shared>> -> memref<10240x128xf32, #tpu.memory_space<vmem_shared>>
      tpu.enqueue_indirect_dma source(%dma_start3A_162 : memref<80x128xf32, #tpu.memory_space<vmem>>) target(%dma_start3A_168 : memref<10240x128xf32, #tpu.memory_space<vmem_shared>>) offsets(%dma_start3A_165 : memref<80xi32, #tpu.memory_space<vmem>>) semaphore(%arg17 : memref<!tpu.dma_semaphore, #tpu.memory_space<semaphore_mem>>) {add = true}
      %add3A_169 = arith.constant 3 : i32
      %add3A_170 = arith.addi %add3A_145, %add3A_169 : i32
      %sub3A = arith.constant 1 : i32
      %sub3A_171 = arith.subi %add3A_170, %sub3A : i32
      %lt3A = arith.constant 126 : i32
      %lt3A_172 = arith.cmpi slt, %sub3A_171, %lt3A : i32
      %convert_element_type3A = arith.extui %lt3A_172 : i1 to i32
      %cond3A = arith.constant 0 : i32
      %cond3A_173 = arith.cmpi ne, %convert_element_type3A, %cond3A : i32
      scf.if %cond3A_173 {
        %add3A_267 = arith.constant 3 : i32
        %add3A_268 = arith.addi %add3A_145, %add3A_267 : i32
        %sub3A_269 = arith.constant 1 : i32
        %sub3A_270 = arith.subi %add3A_268, %sub3A_269 : i32
        %dma_wait3A_271 = arith.constant 2 : i32
        %dma_wait3A_272 = arith.constant 0 : i32
        %dma_wait3A_273 = tpu.memref_slice %arg7[%dma_wait3A_271, %dma_wait3A_272] : memref<3x80xi32, #tpu.memory_space<vmem>> -> memref<1x80xi32, #tpu.memory_space<vmem>>
        %dma_wait3A_274 = tpu.memref_squeeze %dma_wait3A_273 : memref<1x80xi32, #tpu.memory_space<vmem>> -> memref<80xi32, #tpu.memory_space<vmem>>
        %dma_wait3A_275 = arith.constant 0 : i32
        %dma_wait3A_276 = tpu.memref_slice %arg3[%add3A, %sub3A_270, %dma_wait3A_275] : memref<32x126x80xi32, #tpu.memory_space<hbm>> -> memref<1x1x80xi32, #tpu.memory_space<hbm>>
        %dma_wait3A_277 = tpu.memref_squeeze %dma_wait3A_276 : memref<1x1x80xi32, #tpu.memory_space<hbm>> -> memref<80xi32, #tpu.memory_space<hbm>>
        %dma_wait3A_278 = arith.constant 0 : i32
        %dma_wait3A_279 = tpu.memref_slice %arg7[%dma_wait3A_271, %dma_wait3A_278] : memref<3x80xi32, #tpu.memory_space<vmem>> -> memref<1x80xi32, #tpu.memory_space<vmem>>
        %dma_wait3A_280 = tpu.memref_squeeze %dma_wait3A_279 : memref<1x80xi32, #tpu.memory_space<vmem>> -> memref<80xi32, #tpu.memory_space<vmem>>
        %dma_wait3A_281 = arith.constant 0 : i32
        %dma_wait3A_282 = tpu.memref_slice %arg3[%add3A, %sub3A_270, %dma_wait3A_281] : memref<32x126x80xi32, #tpu.memory_space<hbm>> -> memref<1x1x80xi32, #tpu.memory_space<hbm>>
        %dma_wait3A_283 = tpu.memref_squeeze %dma_wait3A_282 : memref<1x1x80xi32, #tpu.memory_space<hbm>> -> memref<80xi32, #tpu.memory_space<hbm>>
        tpu.wait_dma2 semaphore(%arg16 : memref<!tpu.dma_semaphore, #tpu.memory_space<semaphore_mem>>) src(%dma_wait3A_283 : memref<80xi32, #tpu.memory_space<hbm>>) dst(%dma_wait3A_280 : memref<80xi32, #tpu.memory_space<vmem>>)
        %ge3A = arith.constant 1 : i32
        %ge3A_284 = arith.cmpi sge, %add3A_145, %ge3A : i32
        %convert_element_type3A_285 = arith.extui %ge3A_284 : i1 to i32
        %cond3A_286 = arith.constant 0 : i32
        %cond3A_287 = arith.cmpi ne, %convert_element_type3A_285, %cond3A_286 : i32
        scf.if %cond3A_287 {
          %dma_wait3A_300 = arith.constant 2 : i32
          %dma_wait3A_301 = arith.constant 2 : i32
          %dma_wait3A_302 = arith.constant 0 : i32
          %dma_wait3A_303 = arith.constant 0 : i32
          %dma_wait3A_304 = tpu.memref_slice %arg9[%dma_wait3A_300, %dma_wait3A_302, %dma_wait3A_303] : memref<3x80x128xf32, #tpu.memory_space<vmem>> -> memref<1x80x128xf32, #tpu.memory_space<vmem>>
          %dma_wait3A_305 = tpu.memref_squeeze %dma_wait3A_304 : memref<1x80x128xf32, #tpu.memory_space<vmem>> -> memref<80x128xf32, #tpu.memory_space<vmem>>
          %dma_wait3A_306 = arith.constant 0 : i32
          %dma_wait3A_307 = tpu.memref_slice %arg8[%dma_wait3A_301, %dma_wait3A_306] : memref<126x80xi32, #tpu.memory_space<vmem>> -> memref<1x80xi32, #tpu.memory_space<vmem>>
          %dma_wait3A_308 = tpu.memref_squeeze %dma_wait3A_307 : memref<1x80xi32, #tpu.memory_space<vmem>> -> memref<80xi32, #tpu.memory_space<vmem>>
          %dma_wait3A_309 = arith.constant 0 : i32
          %dma_wait3A_310 = arith.constant 0 : i32
          %dma_wait3A_311 = tpu.memref_slice %arg10[%dma_wait3A_309, %dma_wait3A_310] : memref<10240x128xf32, #tpu.memory_space<vmem_shared>> -> memref<10240x128xf32, #tpu.memory_space<vmem_shared>>
          tpu.wait_indirect_dma semaphore(%arg19 : memref<!tpu.dma_semaphore, #tpu.memory_space<semaphore_mem>>) src(%dma_wait3A_305 : memref<80x128xf32, #tpu.memory_space<vmem>>) dst(%dma_wait3A_311 : memref<10240x128xf32, #tpu.memory_space<vmem_shared>>)
        } else {
        }
        %dma_start3A_288 = arith.constant 2 : i32
        %dma_start3A_289 = arith.constant 2 : i32
        %dma_start3A_290 = arith.constant 0 : i32
        %dma_start3A_291 = arith.constant 0 : i32
        %dma_start3A_292 = tpu.memref_slice %arg9[%dma_start3A_289, %dma_start3A_290, %dma_start3A_291] : memref<3x80x128xf32, #tpu.memory_space<vmem>> -> memref<1x80x128xf32, #tpu.memory_space<vmem>>
        %dma_start3A_293 = tpu.memref_squeeze %dma_start3A_292 : memref<1x80x128xf32, #tpu.memory_space<vmem>> -> memref<80x128xf32, #tpu.memory_space<vmem>>
        %dma_start3A_294 = arith.constant 0 : i32
        %dma_start3A_295 = tpu.memref_slice %arg7[%dma_start3A_288, %dma_start3A_294] : memref<3x80xi32, #tpu.memory_space<vmem>> -> memref<1x80xi32, #tpu.memory_space<vmem>>
        %dma_start3A_296 = tpu.memref_squeeze %dma_start3A_295 : memref<1x80xi32, #tpu.memory_space<vmem>> -> memref<80xi32, #tpu.memory_space<vmem>>
        %dma_start3A_297 = arith.constant 0 : i32
        %dma_start3A_298 = arith.constant 0 : i32
        %dma_start3A_299 = tpu.memref_slice %arg2[%dma_start3A_297, %dma_start3A_298] : memref<10240x128xf32, #tpu.memory_space<hbm>> -> memref<10240x128xf32, #tpu.memory_space<hbm>>
        tpu.enqueue_indirect_dma source(%dma_start3A_299 : memref<10240x128xf32, #tpu.memory_space<hbm>>) target(%dma_start3A_293 : memref<80x128xf32, #tpu.memory_space<vmem>>) offsets(%dma_start3A_296 : memref<80xi32, #tpu.memory_space<vmem>>) semaphore(%arg13 : memref<!tpu.dma_semaphore, #tpu.memory_space<semaphore_mem>>)
      } else {
      }
      %add3A_174 = arith.constant 3 : i32
      %add3A_175 = arith.addi %add3A_145, %add3A_174 : i32
      %lt3A_176 = arith.constant 126 : i32
      %lt3A_177 = arith.cmpi slt, %add3A_175, %lt3A_176 : i32
      %convert_element_type3A_178 = arith.extui %lt3A_177 : i1 to i32
      %cond3A_179 = arith.constant 0 : i32
      %cond3A_180 = arith.cmpi ne, %convert_element_type3A_178, %cond3A_179 : i32
      scf.if %cond3A_180 {
        %add3A_267 = arith.constant 3 : i32
        %add3A_268 = arith.addi %add3A_145, %add3A_267 : i32
        %dma_start3A_269 = arith.constant 0 : i32
        %dma_start3A_270 = arith.constant 0 : i32
        %dma_start3A_271 = tpu.memref_slice %arg7[%dma_start3A_269, %dma_start3A_270] : memref<3x80xi32, #tpu.memory_space<vmem>> -> memref<1x80xi32, #tpu.memory_space<vmem>>
        %dma_start3A_272 = tpu.memref_squeeze %dma_start3A_271 : memref<1x80xi32, #tpu.memory_space<vmem>> -> memref<80xi32, #tpu.memory_space<vmem>>
        %dma_start3A_273 = arith.constant 0 : i32
        %dma_start3A_274 = tpu.memref_slice %arg3[%add3A, %add3A_268, %dma_start3A_273] : memref<32x126x80xi32, #tpu.memory_space<hbm>> -> memref<1x1x80xi32, #tpu.memory_space<hbm>>
        %dma_start3A_275 = tpu.memref_squeeze %dma_start3A_274 : memref<1x1x80xi32, #tpu.memory_space<hbm>> -> memref<80xi32, #tpu.memory_space<hbm>>
        %dma_start3A_276 = arith.constant 0 : i32
        %dma_start3A_277 = tpu.memref_slice %arg7[%dma_start3A_269, %dma_start3A_276] : memref<3x80xi32, #tpu.memory_space<vmem>> -> memref<1x80xi32, #tpu.memory_space<vmem>>
        %dma_start3A_278 = tpu.memref_squeeze %dma_start3A_277 : memref<1x80xi32, #tpu.memory_space<vmem>> -> memref<80xi32, #tpu.memory_space<vmem>>
        %dma_start3A_279 = arith.constant 0 : i32
        %dma_start3A_280 = tpu.memref_slice %arg3[%add3A, %add3A_268, %dma_start3A_279] : memref<32x126x80xi32, #tpu.memory_space<hbm>> -> memref<1x1x80xi32, #tpu.memory_space<hbm>>
        %dma_start3A_281 = tpu.memref_squeeze %dma_start3A_280 : memref<1x1x80xi32, #tpu.memory_space<hbm>> -> memref<80xi32, #tpu.memory_space<hbm>>
        tpu.enqueue_dma source(%dma_start3A_281 : memref<80xi32, #tpu.memory_space<hbm>>) target(%dma_start3A_278 : memref<80xi32, #tpu.memory_space<vmem>>) target_semaphore(%arg14 : memref<!tpu.dma_semaphore, #tpu.memory_space<semaphore_mem>>)
      } else {
      }
      %mul3A_181 = arith.constant 3 : i32
      %mul3A_182 = arith.muli %scan3A_141, %mul3A_181 : i32
      %add3A_183 = arith.constant 1 : i32
      %add3A_184 = arith.addi %mul3A_182, %add3A_183 : i32
      %dma_wait3A_185 = arith.constant 1 : i32
      %dma_wait3A_186 = arith.constant 1 : i32
      %dma_wait3A_187 = arith.constant 0 : i32
      %dma_wait3A_188 = arith.constant 0 : i32
      %dma_wait3A_189 = tpu.memref_slice %arg9[%dma_wait3A_186, %dma_wait3A_187, %dma_wait3A_188] : memref<3x80x128xf32, #tpu.memory_space<vmem>> -> memref<1x80x128xf32, #tpu.memory_space<vmem>>
      %dma_wait3A_190 = tpu.memref_squeeze %dma_wait3A_189 : memref<1x80x128xf32, #tpu.memory_space<vmem>> -> memref<80x128xf32, #tpu.memory_space<vmem>>
      %dma_wait3A_191 = arith.constant 0 : i32
      %dma_wait3A_192 = tpu.memref_slice %arg7[%dma_wait3A_185, %dma_wait3A_191] : memref<3x80xi32, #tpu.memory_space<vmem>> -> memref<1x80xi32, #tpu.memory_space<vmem>>
      %dma_wait3A_193 = tpu.memref_squeeze %dma_wait3A_192 : memref<1x80xi32, #tpu.memory_space<vmem>> -> memref<80xi32, #tpu.memory_space<vmem>>
      %dma_wait3A_194 = arith.constant 0 : i32
      %dma_wait3A_195 = arith.constant 0 : i32
      %dma_wait3A_196 = tpu.memref_slice %arg2[%dma_wait3A_194, %dma_wait3A_195] : memref<10240x128xf32, #tpu.memory_space<hbm>> -> memref<10240x128xf32, #tpu.memory_space<hbm>>
      tpu.wait_indirect_dma semaphore(%arg12 : memref<!tpu.dma_semaphore, #tpu.memory_space<semaphore_mem>>) src(%dma_wait3A_196 : memref<10240x128xf32, #tpu.memory_space<hbm>>) dst(%dma_wait3A_190 : memref<80x128xf32, #tpu.memory_space<vmem>>)
      %dma_start3A_197 = arith.constant 1 : i32
      %dma_start3A_198 = arith.constant 0 : i32
      %dma_start3A_199 = arith.constant 0 : i32
      %dma_start3A_200 = tpu.memref_slice %arg9[%dma_start3A_197, %dma_start3A_198, %dma_start3A_199] : memref<3x80x128xf32, #tpu.memory_space<vmem>> -> memref<1x80x128xf32, #tpu.memory_space<vmem>>
      %dma_start3A_201 = tpu.memref_squeeze %dma_start3A_200 : memref<1x80x128xf32, #tpu.memory_space<vmem>> -> memref<80x128xf32, #tpu.memory_space<vmem>>
      %dma_start3A_202 = arith.constant 0 : i32
      %dma_start3A_203 = tpu.memref_slice %arg8[%add3A_184, %dma_start3A_202] : memref<126x80xi32, #tpu.memory_space<vmem>> -> memref<1x80xi32, #tpu.memory_space<vmem>>
      %dma_start3A_204 = tpu.memref_squeeze %dma_start3A_203 : memref<1x80xi32, #tpu.memory_space<vmem>> -> memref<80xi32, #tpu.memory_space<vmem>>
      %dma_start3A_205 = arith.constant 0 : i32
      %dma_start3A_206 = arith.constant 0 : i32
      %dma_start3A_207 = tpu.memref_slice %arg10[%dma_start3A_205, %dma_start3A_206] : memref<10240x128xf32, #tpu.memory_space<vmem_shared>> -> memref<10240x128xf32, #tpu.memory_space<vmem_shared>>
      tpu.enqueue_indirect_dma source(%dma_start3A_201 : memref<80x128xf32, #tpu.memory_space<vmem>>) target(%dma_start3A_207 : memref<10240x128xf32, #tpu.memory_space<vmem_shared>>) offsets(%dma_start3A_204 : memref<80xi32, #tpu.memory_space<vmem>>) semaphore(%arg18 : memref<!tpu.dma_semaphore, #tpu.memory_space<semaphore_mem>>) {add = true}
      %add3A_208 = arith.constant 3 : i32
      %add3A_209 = arith.addi %add3A_184, %add3A_208 : i32
      %sub3A_210 = arith.constant 1 : i32
      %sub3A_211 = arith.subi %add3A_209, %sub3A_210 : i32
      %lt3A_212 = arith.constant 126 : i32
      %lt3A_213 = arith.cmpi slt, %sub3A_211, %lt3A_212 : i32
      %convert_element_type3A_214 = arith.extui %lt3A_213 : i1 to i32
      %cond3A_215 = arith.constant 0 : i32
      %cond3A_216 = arith.cmpi ne, %convert_element_type3A_214, %cond3A_215 : i32
      scf.if %cond3A_216 {
        %add3A_267 = arith.constant 3 : i32
        %add3A_268 = arith.addi %add3A_184, %add3A_267 : i32
        %sub3A_269 = arith.constant 1 : i32
        %sub3A_270 = arith.subi %add3A_268, %sub3A_269 : i32
        %dma_wait3A_271 = arith.constant 0 : i32
        %dma_wait3A_272 = arith.constant 0 : i32
        %dma_wait3A_273 = tpu.memref_slice %arg7[%dma_wait3A_271, %dma_wait3A_272] : memref<3x80xi32, #tpu.memory_space<vmem>> -> memref<1x80xi32, #tpu.memory_space<vmem>>
        %dma_wait3A_274 = tpu.memref_squeeze %dma_wait3A_273 : memref<1x80xi32, #tpu.memory_space<vmem>> -> memref<80xi32, #tpu.memory_space<vmem>>
        %dma_wait3A_275 = arith.constant 0 : i32
        %dma_wait3A_276 = tpu.memref_slice %arg3[%add3A, %sub3A_270, %dma_wait3A_275] : memref<32x126x80xi32, #tpu.memory_space<hbm>> -> memref<1x1x80xi32, #tpu.memory_space<hbm>>
        %dma_wait3A_277 = tpu.memref_squeeze %dma_wait3A_276 : memref<1x1x80xi32, #tpu.memory_space<hbm>> -> memref<80xi32, #tpu.memory_space<hbm>>
        %dma_wait3A_278 = arith.constant 0 : i32
        %dma_wait3A_279 = tpu.memref_slice %arg7[%dma_wait3A_271, %dma_wait3A_278] : memref<3x80xi32, #tpu.memory_space<vmem>> -> memref<1x80xi32, #tpu.memory_space<vmem>>
        %dma_wait3A_280 = tpu.memref_squeeze %dma_wait3A_279 : memref<1x80xi32, #tpu.memory_space<vmem>> -> memref<80xi32, #tpu.memory_space<vmem>>
        %dma_wait3A_281 = arith.constant 0 : i32
        %dma_wait3A_282 = tpu.memref_slice %arg3[%add3A, %sub3A_270, %dma_wait3A_281] : memref<32x126x80xi32, #tpu.memory_space<hbm>> -> memref<1x1x80xi32, #tpu.memory_space<hbm>>
        %dma_wait3A_283 = tpu.memref_squeeze %dma_wait3A_282 : memref<1x1x80xi32, #tpu.memory_space<hbm>> -> memref<80xi32, #tpu.memory_space<hbm>>
        tpu.wait_dma2 semaphore(%arg14 : memref<!tpu.dma_semaphore, #tpu.memory_space<semaphore_mem>>) src(%dma_wait3A_283 : memref<80xi32, #tpu.memory_space<hbm>>) dst(%dma_wait3A_280 : memref<80xi32, #tpu.memory_space<vmem>>)
        %ge3A = arith.constant 1 : i32
        %ge3A_284 = arith.cmpi sge, %add3A_184, %ge3A : i32
        %convert_element_type3A_285 = arith.extui %ge3A_284 : i1 to i32
        %cond3A_286 = arith.constant 0 : i32
        %cond3A_287 = arith.cmpi ne, %convert_element_type3A_285, %cond3A_286 : i32
        scf.if %cond3A_287 {
          %dma_wait3A_300 = arith.constant 0 : i32
          %dma_wait3A_301 = arith.constant 0 : i32
          %dma_wait3A_302 = arith.constant 0 : i32
          %dma_wait3A_303 = arith.constant 0 : i32
          %dma_wait3A_304 = tpu.memref_slice %arg9[%dma_wait3A_300, %dma_wait3A_302, %dma_wait3A_303] : memref<3x80x128xf32, #tpu.memory_space<vmem>> -> memref<1x80x128xf32, #tpu.memory_space<vmem>>
          %dma_wait3A_305 = tpu.memref_squeeze %dma_wait3A_304 : memref<1x80x128xf32, #tpu.memory_space<vmem>> -> memref<80x128xf32, #tpu.memory_space<vmem>>
          %dma_wait3A_306 = arith.constant 0 : i32
          %dma_wait3A_307 = tpu.memref_slice %arg8[%dma_wait3A_301, %dma_wait3A_306] : memref<126x80xi32, #tpu.memory_space<vmem>> -> memref<1x80xi32, #tpu.memory_space<vmem>>
          %dma_wait3A_308 = tpu.memref_squeeze %dma_wait3A_307 : memref<1x80xi32, #tpu.memory_space<vmem>> -> memref<80xi32, #tpu.memory_space<vmem>>
          %dma_wait3A_309 = arith.constant 0 : i32
          %dma_wait3A_310 = arith.constant 0 : i32
          %dma_wait3A_311 = tpu.memref_slice %arg10[%dma_wait3A_309, %dma_wait3A_310] : memref<10240x128xf32, #tpu.memory_space<vmem_shared>> -> memref<10240x128xf32, #tpu.memory_space<vmem_shared>>
          tpu.wait_indirect_dma semaphore(%arg17 : memref<!tpu.dma_semaphore, #tpu.memory_space<semaphore_mem>>) src(%dma_wait3A_305 : memref<80x128xf32, #tpu.memory_space<vmem>>) dst(%dma_wait3A_311 : memref<10240x128xf32, #tpu.memory_space<vmem_shared>>)
        } else {
        }
        %dma_start3A_288 = arith.constant 0 : i32
        %dma_start3A_289 = arith.constant 0 : i32
        %dma_start3A_290 = arith.constant 0 : i32
        %dma_start3A_291 = arith.constant 0 : i32
        %dma_start3A_292 = tpu.memref_slice %arg9[%dma_start3A_289, %dma_start3A_290, %dma_start3A_291] : memref<3x80x128xf32, #tpu.memory_space<vmem>> -> memref<1x80x128xf32, #tpu.memory_space<vmem>>
        %dma_start3A_293 = tpu.memref_squeeze %dma_start3A_292 : memref<1x80x128xf32, #tpu.memory_space<vmem>> -> memref<80x128xf32, #tpu.memory_space<vmem>>
        %dma_start3A_294 = arith.constant 0 : i32
        %dma_start3A_295 = tpu.memref_slice %arg7[%dma_start3A_288, %dma_start3A_294] : memref<3x80xi32, #tpu.memory_space<vmem>> -> memref<1x80xi32, #tpu.memory_space<vmem>>
        %dma_start3A_296 = tpu.memref_squeeze %dma_start3A_295 : memref<1x80xi32, #tpu.memory_space<vmem>> -> memref<80xi32, #tpu.memory_space<vmem>>
        %dma_start3A_297 = arith.constant 0 : i32
        %dma_start3A_298 = arith.constant 0 : i32
        %dma_start3A_299 = tpu.memref_slice %arg2[%dma_start3A_297, %dma_start3A_298] : memref<10240x128xf32, #tpu.memory_space<hbm>> -> memref<10240x128xf32, #tpu.memory_space<hbm>>
        tpu.enqueue_indirect_dma source(%dma_start3A_299 : memref<10240x128xf32, #tpu.memory_space<hbm>>) target(%dma_start3A_293 : memref<80x128xf32, #tpu.memory_space<vmem>>) offsets(%dma_start3A_296 : memref<80xi32, #tpu.memory_space<vmem>>) semaphore(%arg11 : memref<!tpu.dma_semaphore, #tpu.memory_space<semaphore_mem>>)
      } else {
      }
      %add3A_217 = arith.constant 3 : i32
      %add3A_218 = arith.addi %add3A_184, %add3A_217 : i32
      %lt3A_219 = arith.constant 126 : i32
      %lt3A_220 = arith.cmpi slt, %add3A_218, %lt3A_219 : i32
      %convert_element_type3A_221 = arith.extui %lt3A_220 : i1 to i32
      %cond3A_222 = arith.constant 0 : i32
      %cond3A_223 = arith.cmpi ne, %convert_element_type3A_221, %cond3A_222 : i32
      scf.if %cond3A_223 {
        %add3A_267 = arith.constant 3 : i32
        %add3A_268 = arith.addi %add3A_184, %add3A_267 : i32
        %dma_start3A_269 = arith.constant 1 : i32
        %dma_start3A_270 = arith.constant 0 : i32
        %dma_start3A_271 = tpu.memref_slice %arg7[%dma_start3A_269, %dma_start3A_270] : memref<3x80xi32, #tpu.memory_space<vmem>> -> memref<1x80xi32, #tpu.memory_space<vmem>>
        %dma_start3A_272 = tpu.memref_squeeze %dma_start3A_271 : memref<1x80xi32, #tpu.memory_space<vmem>> -> memref<80xi32, #tpu.memory_space<vmem>>
        %dma_start3A_273 = arith.constant 0 : i32
        %dma_start3A_274 = tpu.memref_slice %arg3[%add3A, %add3A_268, %dma_start3A_273] : memref<32x126x80xi32, #tpu.memory_space<hbm>> -> memref<1x1x80xi32, #tpu.memory_space<hbm>>
        %dma_start3A_275 = tpu.memref_squeeze %dma_start3A_274 : memref<1x1x80xi32, #tpu.memory_space<hbm>> -> memref<80xi32, #tpu.memory_space<hbm>>
        %dma_start3A_276 = arith.constant 0 : i32
        %dma_start3A_277 = tpu.memref_slice %arg7[%dma_start3A_269, %dma_start3A_276] : memref<3x80xi32, #tpu.memory_space<vmem>> -> memref<1x80xi32, #tpu.memory_space<vmem>>
        %dma_start3A_278 = tpu.memref_squeeze %dma_start3A_277 : memref<1x80xi32, #tpu.memory_space<vmem>> -> memref<80xi32, #tpu.memory_space<vmem>>
        %dma_start3A_279 = arith.constant 0 : i32
        %dma_start3A_280 = tpu.memref_slice %arg3[%add3A, %add3A_268, %dma_start3A_279] : memref<32x126x80xi32, #tpu.memory_space<hbm>> -> memref<1x1x80xi32, #tpu.memory_space<hbm>>
        %dma_start3A_281 = tpu.memref_squeeze %dma_start3A_280 : memref<1x1x80xi32, #tpu.memory_space<hbm>> -> memref<80xi32, #tpu.memory_space<hbm>>
        tpu.enqueue_dma source(%dma_start3A_281 : memref<80xi32, #tpu.memory_space<hbm>>) target(%dma_start3A_278 : memref<80xi32, #tpu.memory_space<vmem>>) target_semaphore(%arg15 : memref<!tpu.dma_semaphore, #tpu.memory_space<semaphore_mem>>)
      } else {
      }
      %mul3A_224 = arith.constant 3 : i32
      %mul3A_225 = arith.muli %scan3A_141, %mul3A_224 : i32
      %add3A_226 = arith.constant 2 : i32
      %add3A_227 = arith.addi %mul3A_225, %add3A_226 : i32
      %dma_wait3A_228 = arith.constant 2 : i32
      %dma_wait3A_229 = arith.constant 2 : i32
      %dma_wait3A_230 = arith.constant 0 : i32
      %dma_wait3A_231 = arith.constant 0 : i32
      %dma_wait3A_232 = tpu.memref_slice %arg9[%dma_wait3A_229, %dma_wait3A_230, %dma_wait3A_231] : memref<3x80x128xf32, #tpu.memory_space<vmem>> -> memref<1x80x128xf32, #tpu.memory_space<vmem>>
      %dma_wait3A_233 = tpu.memref_squeeze %dma_wait3A_232 : memref<1x80x128xf32, #tpu.memory_space<vmem>> -> memref<80x128xf32, #tpu.memory_space<vmem>>
      %dma_wait3A_234 = arith.constant 0 : i32
      %dma_wait3A_235 = tpu.memref_slice %arg7[%dma_wait3A_228, %dma_wait3A_234] : memref<3x80xi32, #tpu.memory_space<vmem>> -> memref<1x80xi32, #tpu.memory_space<vmem>>
      %dma_wait3A_236 = tpu.memref_squeeze %dma_wait3A_235 : memref<1x80xi32, #tpu.memory_space<vmem>> -> memref<80xi32, #tpu.memory_space<vmem>>
      %dma_wait3A_237 = arith.constant 0 : i32
      %dma_wait3A_238 = arith.constant 0 : i32
      %dma_wait3A_239 = tpu.memref_slice %arg2[%dma_wait3A_237, %dma_wait3A_238] : memref<10240x128xf32, #tpu.memory_space<hbm>> -> memref<10240x128xf32, #tpu.memory_space<hbm>>
      tpu.wait_indirect_dma semaphore(%arg13 : memref<!tpu.dma_semaphore, #tpu.memory_space<semaphore_mem>>) src(%dma_wait3A_239 : memref<10240x128xf32, #tpu.memory_space<hbm>>) dst(%dma_wait3A_233 : memref<80x128xf32, #tpu.memory_space<vmem>>)
      %dma_start3A_240 = arith.constant 2 : i32
      %dma_start3A_241 = arith.constant 0 : i32
      %dma_start3A_242 = arith.constant 0 : i32
      %dma_start3A_243 = tpu.memref_slice %arg9[%dma_start3A_240, %dma_start3A_241, %dma_start3A_242] : memref<3x80x128xf32, #tpu.memory_space<vmem>> -> memref<1x80x128xf32, #tpu.memory_space<vmem>>
      %dma_start3A_244 = tpu.memref_squeeze %dma_start3A_243 : memref<1x80x128xf32, #tpu.memory_space<vmem>> -> memref<80x128xf32, #tpu.memory_space<vmem>>
      %dma_start3A_245 = arith.constant 0 : i32
      %dma_start3A_246 = tpu.memref_slice %arg8[%add3A_227, %dma_start3A_245] : memref<126x80xi32, #tpu.memory_space<vmem>> -> memref<1x80xi32, #tpu.memory_space<vmem>>
      %dma_start3A_247 = tpu.memref_squeeze %dma_start3A_246 : memref<1x80xi32, #tpu.memory_space<vmem>> -> memref<80xi32, #tpu.memory_space<vmem>>
      %dma_start3A_248 = arith.constant 0 : i32
      %dma_start3A_249 = arith.constant 0 : i32
      %dma_start3A_250 = tpu.memref_slice %arg10[%dma_start3A_248, %dma_start3A_249] : memref<10240x128xf32, #tpu.memory_space<vmem_shared>> -> memref<10240x128xf32, #tpu.memory_space<vmem_shared>>
      tpu.enqueue_indirect_dma source(%dma_start3A_244 : memref<80x128xf32, #tpu.memory_space<vmem>>) target(%dma_start3A_250 : memref<10240x128xf32, #tpu.memory_space<vmem_shared>>) offsets(%dma_start3A_247 : memref<80xi32, #tpu.memory_space<vmem>>) semaphore(%arg19 : memref<!tpu.dma_semaphore, #tpu.memory_space<semaphore_mem>>) {add = true}
      %add3A_251 = arith.constant 3 : i32
      %add3A_252 = arith.addi %add3A_227, %add3A_251 : i32
      %sub3A_253 = arith.constant 1 : i32
      %sub3A_254 = arith.subi %add3A_252, %sub3A_253 : i32
      %lt3A_255 = arith.constant 126 : i32
      %lt3A_256 = arith.cmpi slt, %sub3A_254, %lt3A_255 : i32
      %convert_element_type3A_257 = arith.extui %lt3A_256 : i1 to i32
      %cond3A_258 = arith.constant 0 : i32
      %cond3A_259 = arith.cmpi ne, %convert_element_type3A_257, %cond3A_258 : i32
      scf.if %cond3A_259 {
        %add3A_267 = arith.constant 3 : i32
        %add3A_268 = arith.addi %add3A_227, %add3A_267 : i32
        %sub3A_269 = arith.constant 1 : i32
        %sub3A_270 = arith.subi %add3A_268, %sub3A_269 : i32
        %dma_wait3A_271 = arith.constant 1 : i32
        %dma_wait3A_272 = arith.constant 0 : i32
        %dma_wait3A_273 = tpu.memref_slice %arg7[%dma_wait3A_271, %dma_wait3A_272] : memref<3x80xi32, #tpu.memory_space<vmem>> -> memref<1x80xi32, #tpu.memory_space<vmem>>
        %dma_wait3A_274 = tpu.memref_squeeze %dma_wait3A_273 : memref<1x80xi32, #tpu.memory_space<vmem>> -> memref<80xi32, #tpu.memory_space<vmem>>
        %dma_wait3A_275 = arith.constant 0 : i32
        %dma_wait3A_276 = tpu.memref_slice %arg3[%add3A, %sub3A_270, %dma_wait3A_275] : memref<32x126x80xi32, #tpu.memory_space<hbm>> -> memref<1x1x80xi32, #tpu.memory_space<hbm>>
        %dma_wait3A_277 = tpu.memref_squeeze %dma_wait3A_276 : memref<1x1x80xi32, #tpu.memory_space<hbm>> -> memref<80xi32, #tpu.memory_space<hbm>>
        %dma_wait3A_278 = arith.constant 0 : i32
        %dma_wait3A_279 = tpu.memref_slice %arg7[%dma_wait3A_271, %dma_wait3A_278] : memref<3x80xi32, #tpu.memory_space<vmem>> -> memref<1x80xi32, #tpu.memory_space<vmem>>
        %dma_wait3A_280 = tpu.memref_squeeze %dma_wait3A_279 : memref<1x80xi32, #tpu.memory_space<vmem>> -> memref<80xi32, #tpu.memory_space<vmem>>
        %dma_wait3A_281 = arith.constant 0 : i32
        %dma_wait3A_282 = tpu.memref_slice %arg3[%add3A, %sub3A_270, %dma_wait3A_281] : memref<32x126x80xi32, #tpu.memory_space<hbm>> -> memref<1x1x80xi32, #tpu.memory_space<hbm>>
        %dma_wait3A_283 = tpu.memref_squeeze %dma_wait3A_282 : memref<1x1x80xi32, #tpu.memory_space<hbm>> -> memref<80xi32, #tpu.memory_space<hbm>>
        tpu.wait_dma2 semaphore(%arg15 : memref<!tpu.dma_semaphore, #tpu.memory_space<semaphore_mem>>) src(%dma_wait3A_283 : memref<80xi32, #tpu.memory_space<hbm>>) dst(%dma_wait3A_280 : memref<80xi32, #tpu.memory_space<vmem>>)
        %ge3A = arith.constant 1 : i32
        %ge3A_284 = arith.cmpi sge, %add3A_227, %ge3A : i32
        %convert_element_type3A_285 = arith.extui %ge3A_284 : i1 to i32
        %cond3A_286 = arith.constant 0 : i32
        %cond3A_287 = arith.cmpi ne, %convert_element_type3A_285, %cond3A_286 : i32
        scf.if %cond3A_287 {
          %dma_wait3A_300 = arith.constant 1 : i32
          %dma_wait3A_301 = arith.constant 1 : i32
          %dma_wait3A_302 = arith.constant 0 : i32
          %dma_wait3A_303 = arith.constant 0 : i32
          %dma_wait3A_304 = tpu.memref_slice %arg9[%dma_wait3A_300, %dma_wait3A_302, %dma_wait3A_303] : memref<3x80x128xf32, #tpu.memory_space<vmem>> -> memref<1x80x128xf32, #tpu.memory_space<vmem>>
          %dma_wait3A_305 = tpu.memref_squeeze %dma_wait3A_304 : memref<1x80x128xf32, #tpu.memory_space<vmem>> -> memref<80x128xf32, #tpu.memory_space<vmem>>
          %dma_wait3A_306 = arith.constant 0 : i32
          %dma_wait3A_307 = tpu.memref_slice %arg8[%dma_wait3A_301, %dma_wait3A_306] : memref<126x80xi32, #tpu.memory_space<vmem>> -> memref<1x80xi32, #tpu.memory_space<vmem>>
          %dma_wait3A_308 = tpu.memref_squeeze %dma_wait3A_307 : memref<1x80xi32, #tpu.memory_space<vmem>> -> memref<80xi32, #tpu.memory_space<vmem>>
          %dma_wait3A_309 = arith.constant 0 : i32
          %dma_wait3A_310 = arith.constant 0 : i32
          %dma_wait3A_311 = tpu.memref_slice %arg10[%dma_wait3A_309, %dma_wait3A_310] : memref<10240x128xf32, #tpu.memory_space<vmem_shared>> -> memref<10240x128xf32, #tpu.memory_space<vmem_shared>>
          tpu.wait_indirect_dma semaphore(%arg18 : memref<!tpu.dma_semaphore, #tpu.memory_space<semaphore_mem>>) src(%dma_wait3A_305 : memref<80x128xf32, #tpu.memory_space<vmem>>) dst(%dma_wait3A_311 : memref<10240x128xf32, #tpu.memory_space<vmem_shared>>)
        } else {
        }
        %dma_start3A_288 = arith.constant 1 : i32
        %dma_start3A_289 = arith.constant 1 : i32
        %dma_start3A_290 = arith.constant 0 : i32
        %dma_start3A_291 = arith.constant 0 : i32
        %dma_start3A_292 = tpu.memref_slice %arg9[%dma_start3A_289, %dma_start3A_290, %dma_start3A_291] : memref<3x80x128xf32, #tpu.memory_space<vmem>> -> memref<1x80x128xf32, #tpu.memory_space<vmem>>
        %dma_start3A_293 = tpu.memref_squeeze %dma_start3A_292 : memref<1x80x128xf32, #tpu.memory_space<vmem>> -> memref<80x128xf32, #tpu.memory_space<vmem>>
        %dma_start3A_294 = arith.constant 0 : i32
        %dma_start3A_295 = tpu.memref_slice %arg7[%dma_start3A_288, %dma_start3A_294] : memref<3x80xi32, #tpu.memory_space<vmem>> -> memref<1x80xi32, #tpu.memory_space<vmem>>
        %dma_start3A_296 = tpu.memref_squeeze %dma_start3A_295 : memref<1x80xi32, #tpu.memory_space<vmem>> -> memref<80xi32, #tpu.memory_space<vmem>>
        %dma_start3A_297 = arith.constant 0 : i32
        %dma_start3A_298 = arith.constant 0 : i32
        %dma_start3A_299 = tpu.memref_slice %arg2[%dma_start3A_297, %dma_start3A_298] : memref<10240x128xf32, #tpu.memory_space<hbm>> -> memref<10240x128xf32, #tpu.memory_space<hbm>>
        tpu.enqueue_indirect_dma source(%dma_start3A_299 : memref<10240x128xf32, #tpu.memory_space<hbm>>) target(%dma_start3A_293 : memref<80x128xf32, #tpu.memory_space<vmem>>) offsets(%dma_start3A_296 : memref<80xi32, #tpu.memory_space<vmem>>) semaphore(%arg12 : memref<!tpu.dma_semaphore, #tpu.memory_space<semaphore_mem>>)
      } else {
      }
      %add3A_260 = arith.constant 3 : i32
      %add3A_261 = arith.addi %add3A_227, %add3A_260 : i32
      %lt3A_262 = arith.constant 126 : i32
      %lt3A_263 = arith.cmpi slt, %add3A_261, %lt3A_262 : i32
      %convert_element_type3A_264 = arith.extui %lt3A_263 : i1 to i32
      %cond3A_265 = arith.constant 0 : i32
      %cond3A_266 = arith.cmpi ne, %convert_element_type3A_264, %cond3A_265 : i32
      scf.if %cond3A_266 {
        %add3A_267 = arith.constant 3 : i32
        %add3A_268 = arith.addi %add3A_227, %add3A_267 : i32
        %dma_start3A_269 = arith.constant 2 : i32
        %dma_start3A_270 = arith.constant 0 : i32
        %dma_start3A_271 = tpu.memref_slice %arg7[%dma_start3A_269, %dma_start3A_270] : memref<3x80xi32, #tpu.memory_space<vmem>> -> memref<1x80xi32, #tpu.memory_space<vmem>>
        %dma_start3A_272 = tpu.memref_squeeze %dma_start3A_271 : memref<1x80xi32, #tpu.memory_space<vmem>> -> memref<80xi32, #tpu.memory_space<vmem>>
        %dma_start3A_273 = arith.constant 0 : i32
        %dma_start3A_274 = tpu.memref_slice %arg3[%add3A, %add3A_268, %dma_start3A_273] : memref<32x126x80xi32, #tpu.memory_space<hbm>> -> memref<1x1x80xi32, #tpu.memory_space<hbm>>
        %dma_start3A_275 = tpu.memref_squeeze %dma_start3A_274 : memref<1x1x80xi32, #tpu.memory_space<hbm>> -> memref<80xi32, #tpu.memory_space<hbm>>
        %dma_start3A_276 = arith.constant 0 : i32
        %dma_start3A_277 = tpu.memref_slice %arg7[%dma_start3A_269, %dma_start3A_276] : memref<3x80xi32, #tpu.memory_space<vmem>> -> memref<1x80xi32, #tpu.memory_space<vmem>>
        %dma_start3A_278 = tpu.memref_squeeze %dma_start3A_277 : memref<1x80xi32, #tpu.memory_space<vmem>> -> memref<80xi32, #tpu.memory_space<vmem>>
        %dma_start3A_279 = arith.constant 0 : i32
        %dma_start3A_280 = tpu.memref_slice %arg3[%add3A, %add3A_268, %dma_start3A_279] : memref<32x126x80xi32, #tpu.memory_space<hbm>> -> memref<1x1x80xi32, #tpu.memory_space<hbm>>
        %dma_start3A_281 = tpu.memref_squeeze %dma_start3A_280 : memref<1x1x80xi32, #tpu.memory_space<hbm>> -> memref<80xi32, #tpu.memory_space<hbm>>
        tpu.enqueue_dma source(%dma_start3A_281 : memref<80xi32, #tpu.memory_space<hbm>>) target(%dma_start3A_278 : memref<80xi32, #tpu.memory_space<vmem>>) target_semaphore(%arg16 : memref<!tpu.dma_semaphore, #tpu.memory_space<semaphore_mem>>)
      } else {
      }
    }
    %scan3A_99 = arith.constant 42 : i32
    %dma_wait3A_100 = arith.constant 0 : i32
    %dma_wait3A_101 = arith.constant 0 : i32
    %dma_wait3A_102 = arith.constant 0 : i32
    %dma_wait3A_103 = arith.constant 0 : i32
    %dma_wait3A_104 = tpu.memref_slice %arg9[%dma_wait3A_100, %dma_wait3A_102, %dma_wait3A_103] : memref<3x80x128xf32, #tpu.memory_space<vmem>> -> memref<1x80x128xf32, #tpu.memory_space<vmem>>
    %dma_wait3A_105 = tpu.memref_squeeze %dma_wait3A_104 : memref<1x80x128xf32, #tpu.memory_space<vmem>> -> memref<80x128xf32, #tpu.memory_space<vmem>>
    %dma_wait3A_106 = arith.constant 0 : i32
    %dma_wait3A_107 = tpu.memref_slice %arg8[%dma_wait3A_101, %dma_wait3A_106] : memref<126x80xi32, #tpu.memory_space<vmem>> -> memref<1x80xi32, #tpu.memory_space<vmem>>
    %dma_wait3A_108 = tpu.memref_squeeze %dma_wait3A_107 : memref<1x80xi32, #tpu.memory_space<vmem>> -> memref<80xi32, #tpu.memory_space<vmem>>
    %dma_wait3A_109 = arith.constant 0 : i32
    %dma_wait3A_110 = arith.constant 0 : i32
    %dma_wait3A_111 = tpu.memref_slice %arg10[%dma_wait3A_109, %dma_wait3A_110] : memref<10240x128xf32, #tpu.memory_space<vmem_shared>> -> memref<10240x128xf32, #tpu.memory_space<vmem_shared>>
    tpu.wait_indirect_dma semaphore(%arg17 : memref<!tpu.dma_semaphore, #tpu.memory_space<semaphore_mem>>) src(%dma_wait3A_105 : memref<80x128xf32, #tpu.memory_space<vmem>>) dst(%dma_wait3A_111 : memref<10240x128xf32, #tpu.memory_space<vmem_shared>>)
    %dma_wait3A_112 = arith.constant 1 : i32
    %dma_wait3A_113 = arith.constant 1 : i32
    %dma_wait3A_114 = arith.constant 0 : i32
    %dma_wait3A_115 = arith.constant 0 : i32
    %dma_wait3A_116 = tpu.memref_slice %arg9[%dma_wait3A_112, %dma_wait3A_114, %dma_wait3A_115] : memref<3x80x128xf32, #tpu.memory_space<vmem>> -> memref<1x80x128xf32, #tpu.memory_space<vmem>>
    %dma_wait3A_117 = tpu.memref_squeeze %dma_wait3A_116 : memref<1x80x128xf32, #tpu.memory_space<vmem>> -> memref<80x128xf32, #tpu.memory_space<vmem>>
    %dma_wait3A_118 = arith.constant 0 : i32
    %dma_wait3A_119 = tpu.memref_slice %arg8[%dma_wait3A_113, %dma_wait3A_118] : memref<126x80xi32, #tpu.memory_space<vmem>> -> memref<1x80xi32, #tpu.memory_space<vmem>>
    %dma_wait3A_120 = tpu.memref_squeeze %dma_wait3A_119 : memref<1x80xi32, #tpu.memory_space<vmem>> -> memref<80xi32, #tpu.memory_space<vmem>>
    %dma_wait3A_121 = arith.constant 0 : i32
    %dma_wait3A_122 = arith.constant 0 : i32
    %dma_wait3A_123 = tpu.memref_slice %arg10[%dma_wait3A_121, %dma_wait3A_122] : memref<10240x128xf32, #tpu.memory_space<vmem_shared>> -> memref<10240x128xf32, #tpu.memory_space<vmem_shared>>
    tpu.wait_indirect_dma semaphore(%arg18 : memref<!tpu.dma_semaphore, #tpu.memory_space<semaphore_mem>>) src(%dma_wait3A_117 : memref<80x128xf32, #tpu.memory_space<vmem>>) dst(%dma_wait3A_123 : memref<10240x128xf32, #tpu.memory_space<vmem_shared>>)
    %dma_wait3A_124 = arith.constant 2 : i32
    %dma_wait3A_125 = arith.constant 2 : i32
    %dma_wait3A_126 = arith.constant 0 : i32
    %dma_wait3A_127 = arith.constant 0 : i32
    %dma_wait3A_128 = tpu.memref_slice %arg9[%dma_wait3A_124, %dma_wait3A_126, %dma_wait3A_127] : memref<3x80x128xf32, #tpu.memory_space<vmem>> -> memref<1x80x128xf32, #tpu.memory_space<vmem>>
    %dma_wait3A_129 = tpu.memref_squeeze %dma_wait3A_128 : memref<1x80x128xf32, #tpu.memory_space<vmem>> -> memref<80x128xf32, #tpu.memory_space<vmem>>
    %dma_wait3A_130 = arith.constant 0 : i32
    %dma_wait3A_131 = tpu.memref_slice %arg8[%dma_wait3A_125, %dma_wait3A_130] : memref<126x80xi32, #tpu.memory_space<vmem>> -> memref<1x80xi32, #tpu.memory_space<vmem>>
    %dma_wait3A_132 = tpu.memref_squeeze %dma_wait3A_131 : memref<1x80xi32, #tpu.memory_space<vmem>> -> memref<80xi32, #tpu.memory_space<vmem>>
    %dma_wait3A_133 = arith.constant 0 : i32
    %dma_wait3A_134 = arith.constant 0 : i32
    %dma_wait3A_135 = tpu.memref_slice %arg10[%dma_wait3A_133, %dma_wait3A_134] : memref<10240x128xf32, #tpu.memory_space<vmem_shared>> -> memref<10240x128xf32, #tpu.memory_space<vmem_shared>>
    tpu.wait_indirect_dma semaphore(%arg19 : memref<!tpu.dma_semaphore, #tpu.memory_space<semaphore_mem>>) src(%dma_wait3A_129 : memref<80x128xf32, #tpu.memory_space<vmem>>) dst(%dma_wait3A_135 : memref<10240x128xf32, #tpu.memory_space<vmem_shared>>)
    %barrier3A_136 = arith.constant 0 : index
    tpu.barrier barrier_id(%barrier3A_136)
    %mul3A_137 = arith.constant 640 : i32
    %mul3A_138 = arith.muli %arg1, %mul3A_137 : i32
    %mul3A_139 = arith.constant 640 : i32
    %mul3A_140 = arith.muli %arg1, %mul3A_139 : i32
    "tpu.region"() ({
      %run_scoped3A = tpu.sem_alloc : memref<!tpu.dma_semaphore, #tpu.memory_space<semaphore_mem>>
      %dma_start3A_141 = arith.constant 0 : i32
      %dma_start3A_142 = tpu.memref_slice %arg6[%arg0, %mul3A_140, %dma_start3A_141] : memref<2x10240x128xf32, #tpu.memory_space<hbm>> -> memref<1x640x128xf32, #tpu.memory_space<hbm>>
      %dma_start3A_143 = tpu.memref_squeeze %dma_start3A_142 : memref<1x640x128xf32, #tpu.memory_space<hbm>> -> memref<640x128xf32, #tpu.memory_space<hbm>>
      %dma_start3A_144 = arith.constant 0 : i32
      %dma_start3A_145 = tpu.memref_slice %arg10[%mul3A_138, %dma_start3A_144] : memref<10240x128xf32, #tpu.memory_space<vmem_shared>> -> memref<640x128xf32, #tpu.memory_space<vmem_shared>>
      tpu.enqueue_dma source(%dma_start3A_145 : memref<640x128xf32, #tpu.memory_space<vmem_shared>>) target(%dma_start3A_143 : memref<640x128xf32, #tpu.memory_space<hbm>>) target_semaphore(%run_scoped3A : memref<!tpu.dma_semaphore, #tpu.memory_space<semaphore_mem>>)
      %dma_wait3A_146 = arith.constant 0 : i32
      %dma_wait3A_147 = tpu.memref_slice %arg6[%arg0, %mul3A_140, %dma_wait3A_146] : memref<2x10240x128xf32, #tpu.memory_space<hbm>> -> memref<1x640x128xf32, #tpu.memory_space<hbm>>
      %dma_wait3A_148 = tpu.memref_squeeze %dma_wait3A_147 : memref<1x640x128xf32, #tpu.memory_space<hbm>> -> memref<640x128xf32, #tpu.memory_space<hbm>>
      %dma_wait3A_149 = arith.constant 0 : i32
      %dma_wait3A_150 = tpu.memref_slice %arg10[%mul3A_138, %dma_wait3A_149] : memref<10240x128xf32, #tpu.memory_space<vmem_shared>> -> memref<640x128xf32, #tpu.memory_space<vmem_shared>>
      tpu.wait_dma2 semaphore(%run_scoped3A : memref<!tpu.dma_semaphore, #tpu.memory_space<semaphore_mem>>) src(%dma_wait3A_150 : memref<640x128xf32, #tpu.memory_space<vmem_shared>>) dst(%dma_wait3A_148 : memref<640x128xf32, #tpu.memory_space<hbm>>)
      tpu.yield
    }) : () -> ()
    return
  }
}

#map = affine_map<(d0, d1) -> (0, 0)>
#map1 = affine_map<(d0, d1) -> (0, 0, 0)>
module attributes {stable_mosaic.version = 14 : i64} {
  func.func @_sc_agg_body(%arg0: i32, %arg1: i32, %arg2: memref<10240x128xf32, #tpu.memory_space<hbm>>, %arg3: memref<32x126x80xi32, #tpu.memory_space<hbm>>, %arg4: memref<32x126x80xi32, #tpu.memory_space<hbm>>, %arg5: memref<640x128xf32, #tpu.memory_space<hbm>>, %arg6: memref<2x10240x128xf32, #tpu.memory_space<hbm>>, %arg7: memref<3x80xi32, #tpu.memory_space<vmem>>, %arg8: memref<126x80xi32, #tpu.memory_space<vmem>>, %arg9: memref<3x80x128xf32, #tpu.memory_space<vmem>>, %arg10: memref<10240x128xf32, #tpu.memory_space<vmem_shared>>, %arg11: memref<!tpu.dma_semaphore, #tpu.memory_space<semaphore_mem>>, %arg12: memref<!tpu.dma_semaphore, #tpu.memory_space<semaphore_mem>>, %arg13: memref<!tpu.dma_semaphore, #tpu.memory_space<semaphore_mem>>, %arg14: memref<!tpu.dma_semaphore, #tpu.memory_space<semaphore_mem>>, %arg15: memref<!tpu.dma_semaphore, #tpu.memory_space<semaphore_mem>>, %arg16: memref<!tpu.dma_semaphore, #tpu.memory_space<semaphore_mem>>, %arg17: memref<!tpu.dma_semaphore, #tpu.memory_space<semaphore_mem>>, %arg18: memref<!tpu.dma_semaphore, #tpu.memory_space<semaphore_mem>>, %arg19: memref<!tpu.dma_semaphore, #tpu.memory_space<semaphore_mem>>) attributes {dimension_semantics = [#tpu.dimension_semantics<core_parallel>, #tpu.dimension_semantics<subcore_parallel>], iteration_bounds = array<i64: 2, 16>, scalar_prefetch = 0 : i64, scratch_operands = 13 : i64, tpu.core_type = #tpu.core_type<sc_vector_subcore>, window_params = [{transform_indices = #map}, {transform_indices = #map1}, {transform_indices = #map1}, {transform_indices = #map}, {transform_indices = #map1}]} {
    %mul3A = arith.constant 16 : i32
    %mul3A_0 = arith.muli %arg0, %mul3A : i32
    %add3A = arith.addi %mul3A_0, %arg1 : i32
    %mul3A_1 = arith.constant 640 : i32
    %mul3A_2 = arith.muli %arg1, %mul3A_1 : i32
    "tpu.region"() ({
      %run_scoped3A = tpu.sem_alloc : memref<!tpu.dma_semaphore, #tpu.memory_space<semaphore_mem>>
      %dma_start3A_141 = arith.constant 0 : i32
      %dma_start3A_142 = tpu.memref_slice %arg10[%mul3A_2, %dma_start3A_141] : memref<10240x128xf32, #tpu.memory_space<vmem_shared>> -> memref<640x128xf32, #tpu.memory_space<vmem_shared>>
      tpu.enqueue_dma source(%arg5 : memref<640x128xf32, #tpu.memory_space<hbm>>) target(%dma_start3A_142 : memref<640x128xf32, #tpu.memory_space<vmem_shared>>) target_semaphore(%run_scoped3A : memref<!tpu.dma_semaphore, #tpu.memory_space<semaphore_mem>>)
      %dma_wait3A_143 = arith.constant 0 : i32
      %dma_wait3A_144 = tpu.memref_slice %arg10[%mul3A_2, %dma_wait3A_143] : memref<10240x128xf32, #tpu.memory_space<vmem_shared>> -> memref<640x128xf32, #tpu.memory_space<vmem_shared>>
      tpu.wait_dma2 semaphore(%run_scoped3A : memref<!tpu.dma_semaphore, #tpu.memory_space<semaphore_mem>>) src(%arg5 : memref<640x128xf32, #tpu.memory_space<hbm>>) dst(%dma_wait3A_144 : memref<640x128xf32, #tpu.memory_space<vmem_shared>>)
      tpu.yield
    }) : () -> ()
    %barrier3A = arith.constant 0 : index
    tpu.barrier barrier_id(%barrier3A)
    "tpu.region"() ({
      %run_scoped3A = tpu.sem_alloc : memref<!tpu.dma_semaphore, #tpu.memory_space<semaphore_mem>>
      %dma_start3A_141 = arith.constant 0 : i32
      %dma_start3A_142 = arith.constant 0 : i32
      %dma_start3A_143 = tpu.memref_slice %arg4[%add3A, %dma_start3A_141, %dma_start3A_142] : memref<32x126x80xi32, #tpu.memory_space<hbm>> -> memref<1x126x80xi32, #tpu.memory_space<hbm>>
      %dma_start3A_144 = tpu.memref_squeeze %dma_start3A_143 : memref<1x126x80xi32, #tpu.memory_space<hbm>> -> memref<126x80xi32, #tpu.memory_space<hbm>>
      %dma_start3A_145 = arith.constant 0 : i32
      %dma_start3A_146 = arith.constant 0 : i32
      %dma_start3A_147 = tpu.memref_slice %arg4[%add3A, %dma_start3A_145, %dma_start3A_146] : memref<32x126x80xi32, #tpu.memory_space<hbm>> -> memref<1x126x80xi32, #tpu.memory_space<hbm>>
      %dma_start3A_148 = tpu.memref_squeeze %dma_start3A_147 : memref<1x126x80xi32, #tpu.memory_space<hbm>> -> memref<126x80xi32, #tpu.memory_space<hbm>>
      tpu.enqueue_dma source(%dma_start3A_148 : memref<126x80xi32, #tpu.memory_space<hbm>>) target(%arg8 : memref<126x80xi32, #tpu.memory_space<vmem>>) target_semaphore(%run_scoped3A : memref<!tpu.dma_semaphore, #tpu.memory_space<semaphore_mem>>)
      %dma_wait3A_149 = arith.constant 0 : i32
      %dma_wait3A_150 = arith.constant 0 : i32
      %dma_wait3A_151 = tpu.memref_slice %arg4[%add3A, %dma_wait3A_149, %dma_wait3A_150] : memref<32x126x80xi32, #tpu.memory_space<hbm>> -> memref<1x126x80xi32, #tpu.memory_space<hbm>>
      %dma_wait3A_152 = tpu.memref_squeeze %dma_wait3A_151 : memref<1x126x80xi32, #tpu.memory_space<hbm>> -> memref<126x80xi32, #tpu.memory_space<hbm>>
      %dma_wait3A_153 = arith.constant 0 : i32
      %dma_wait3A_154 = arith.constant 0 : i32
      %dma_wait3A_155 = tpu.memref_slice %arg4[%add3A, %dma_wait3A_153, %dma_wait3A_154] : memref<32x126x80xi32, #tpu.memory_space<hbm>> -> memref<1x126x80xi32, #tpu.memory_space<hbm>>
      %dma_wait3A_156 = tpu.memref_squeeze %dma_wait3A_155 : memref<1x126x80xi32, #tpu.memory_space<hbm>> -> memref<126x80xi32, #tpu.memory_space<hbm>>
      tpu.wait_dma2 semaphore(%run_scoped3A : memref<!tpu.dma_semaphore, #tpu.memory_space<semaphore_mem>>) src(%dma_wait3A_156 : memref<126x80xi32, #tpu.memory_space<hbm>>) dst(%arg8 : memref<126x80xi32, #tpu.memory_space<vmem>>)
      tpu.yield
    }) : () -> ()
    %dma_start3A = arith.constant 0 : i32
    %dma_start3A_3 = arith.constant 0 : i32
    %dma_start3A_4 = arith.constant 0 : i32
    %dma_start3A_5 = tpu.memref_slice %arg7[%dma_start3A_3, %dma_start3A_4] : memref<3x80xi32, #tpu.memory_space<vmem>> -> memref<1x80xi32, #tpu.memory_space<vmem>>
    %dma_start3A_6 = tpu.memref_squeeze %dma_start3A_5 : memref<1x80xi32, #tpu.memory_space<vmem>> -> memref<80xi32, #tpu.memory_space<vmem>>
    %dma_start3A_7 = arith.constant 0 : i32
    %dma_start3A_8 = tpu.memref_slice %arg3[%add3A, %dma_start3A, %dma_start3A_7] : memref<32x126x80xi32, #tpu.memory_space<hbm>> -> memref<1x1x80xi32, #tpu.memory_space<hbm>>
    %dma_start3A_9 = tpu.memref_squeeze %dma_start3A_8 : memref<1x1x80xi32, #tpu.memory_space<hbm>> -> memref<80xi32, #tpu.memory_space<hbm>>
    %dma_start3A_10 = arith.constant 0 : i32
    %dma_start3A_11 = tpu.memref_slice %arg7[%dma_start3A_3, %dma_start3A_10] : memref<3x80xi32, #tpu.memory_space<vmem>> -> memref<1x80xi32, #tpu.memory_space<vmem>>
    %dma_start3A_12 = tpu.memref_squeeze %dma_start3A_11 : memref<1x80xi32, #tpu.memory_space<vmem>> -> memref<80xi32, #tpu.memory_space<vmem>>
    %dma_start3A_13 = arith.constant 0 : i32
    %dma_start3A_14 = tpu.memref_slice %arg3[%add3A, %dma_start3A, %dma_start3A_13] : memref<32x126x80xi32, #tpu.memory_space<hbm>> -> memref<1x1x80xi32, #tpu.memory_space<hbm>>
    %dma_start3A_15 = tpu.memref_squeeze %dma_start3A_14 : memref<1x1x80xi32, #tpu.memory_space<hbm>> -> memref<80xi32, #tpu.memory_space<hbm>>
    tpu.enqueue_dma source(%dma_start3A_15 : memref<80xi32, #tpu.memory_space<hbm>>) target(%dma_start3A_12 : memref<80xi32, #tpu.memory_space<vmem>>) target_semaphore(%arg14 : memref<!tpu.dma_semaphore, #tpu.memory_space<semaphore_mem>>)
    %dma_start3A_16 = arith.constant 1 : i32
    %dma_start3A_17 = arith.constant 1 : i32
    %dma_start3A_18 = arith.constant 0 : i32
    %dma_start3A_19 = tpu.memref_slice %arg7[%dma_start3A_17, %dma_start3A_18] : memref<3x80xi32, #tpu.memory_space<vmem>> -> memref<1x80xi32, #tpu.memory_space<vmem>>
    %dma_start3A_20 = tpu.memref_squeeze %dma_start3A_19 : memref<1x80xi32, #tpu.memory_space<vmem>> -> memref<80xi32, #tpu.memory_space<vmem>>
    %dma_start3A_21 = arith.constant 0 : i32
    %dma_start3A_22 = tpu.memref_slice %arg3[%add3A, %dma_start3A_16, %dma_start3A_21] : memref<32x126x80xi32, #tpu.memory_space<hbm>> -> memref<1x1x80xi32, #tpu.memory_space<hbm>>
    %dma_start3A_23 = tpu.memref_squeeze %dma_start3A_22 : memref<1x1x80xi32, #tpu.memory_space<hbm>> -> memref<80xi32, #tpu.memory_space<hbm>>
    %dma_start3A_24 = arith.constant 0 : i32
    %dma_start3A_25 = tpu.memref_slice %arg7[%dma_start3A_17, %dma_start3A_24] : memref<3x80xi32, #tpu.memory_space<vmem>> -> memref<1x80xi32, #tpu.memory_space<vmem>>
    %dma_start3A_26 = tpu.memref_squeeze %dma_start3A_25 : memref<1x80xi32, #tpu.memory_space<vmem>> -> memref<80xi32, #tpu.memory_space<vmem>>
    %dma_start3A_27 = arith.constant 0 : i32
    %dma_start3A_28 = tpu.memref_slice %arg3[%add3A, %dma_start3A_16, %dma_start3A_27] : memref<32x126x80xi32, #tpu.memory_space<hbm>> -> memref<1x1x80xi32, #tpu.memory_space<hbm>>
    %dma_start3A_29 = tpu.memref_squeeze %dma_start3A_28 : memref<1x1x80xi32, #tpu.memory_space<hbm>> -> memref<80xi32, #tpu.memory_space<hbm>>
    tpu.enqueue_dma source(%dma_start3A_29 : memref<80xi32, #tpu.memory_space<hbm>>) target(%dma_start3A_26 : memref<80xi32, #tpu.memory_space<vmem>>) target_semaphore(%arg15 : memref<!tpu.dma_semaphore, #tpu.memory_space<semaphore_mem>>)
    %dma_start3A_30 = arith.constant 2 : i32
    %dma_start3A_31 = arith.constant 2 : i32
    %dma_start3A_32 = arith.constant 0 : i32
    %dma_start3A_33 = tpu.memref_slice %arg7[%dma_start3A_31, %dma_start3A_32] : memref<3x80xi32, #tpu.memory_space<vmem>> -> memref<1x80xi32, #tpu.memory_space<vmem>>
    %dma_start3A_34 = tpu.memref_squeeze %dma_start3A_33 : memref<1x80xi32, #tpu.memory_space<vmem>> -> memref<80xi32, #tpu.memory_space<vmem>>
    %dma_start3A_35 = arith.constant 0 : i32
    %dma_start3A_36 = tpu.memref_slice %arg3[%add3A, %dma_start3A_30, %dma_start3A_35] : memref<32x126x80xi32, #tpu.memory_space<hbm>> -> memref<1x1x80xi32, #tpu.memory_space<hbm>>
    %dma_start3A_37 = tpu.memref_squeeze %dma_start3A_36 : memref<1x1x80xi32, #tpu.memory_space<hbm>> -> memref<80xi32, #tpu.memory_space<hbm>>
    %dma_start3A_38 = arith.constant 0 : i32
    %dma_start3A_39 = tpu.memref_slice %arg7[%dma_start3A_31, %dma_start3A_38] : memref<3x80xi32, #tpu.memory_space<vmem>> -> memref<1x80xi32, #tpu.memory_space<vmem>>
    %dma_start3A_40 = tpu.memref_squeeze %dma_start3A_39 : memref<1x80xi32, #tpu.memory_space<vmem>> -> memref<80xi32, #tpu.memory_space<vmem>>
    %dma_start3A_41 = arith.constant 0 : i32
    %dma_start3A_42 = tpu.memref_slice %arg3[%add3A, %dma_start3A_30, %dma_start3A_41] : memref<32x126x80xi32, #tpu.memory_space<hbm>> -> memref<1x1x80xi32, #tpu.memory_space<hbm>>
    %dma_start3A_43 = tpu.memref_squeeze %dma_start3A_42 : memref<1x1x80xi32, #tpu.memory_space<hbm>> -> memref<80xi32, #tpu.memory_space<hbm>>
    tpu.enqueue_dma source(%dma_start3A_43 : memref<80xi32, #tpu.memory_space<hbm>>) target(%dma_start3A_40 : memref<80xi32, #tpu.memory_space<vmem>>) target_semaphore(%arg16 : memref<!tpu.dma_semaphore, #tpu.memory_space<semaphore_mem>>)
    %dma_wait3A = arith.constant 0 : i32
    %dma_wait3A_44 = arith.constant 0 : i32
    %dma_wait3A_45 = arith.constant 0 : i32
    %dma_wait3A_46 = tpu.memref_slice %arg7[%dma_wait3A_44, %dma_wait3A_45] : memref<3x80xi32, #tpu.memory_space<vmem>> -> memref<1x80xi32, #tpu.memory_space<vmem>>
    %dma_wait3A_47 = tpu.memref_squeeze %dma_wait3A_46 : memref<1x80xi32, #tpu.memory_space<vmem>> -> memref<80xi32, #tpu.memory_space<vmem>>
    %dma_wait3A_48 = arith.constant 0 : i32
    %dma_wait3A_49 = tpu.memref_slice %arg3[%add3A, %dma_wait3A, %dma_wait3A_48] : memref<32x126x80xi32, #tpu.memory_space<hbm>> -> memref<1x1x80xi32, #tpu.memory_space<hbm>>
    %dma_wait3A_50 = tpu.memref_squeeze %dma_wait3A_49 : memref<1x1x80xi32, #tpu.memory_space<hbm>> -> memref<80xi32, #tpu.memory_space<hbm>>
    %dma_wait3A_51 = arith.constant 0 : i32
    %dma_wait3A_52 = tpu.memref_slice %arg7[%dma_wait3A_44, %dma_wait3A_51] : memref<3x80xi32, #tpu.memory_space<vmem>> -> memref<1x80xi32, #tpu.memory_space<vmem>>
    %dma_wait3A_53 = tpu.memref_squeeze %dma_wait3A_52 : memref<1x80xi32, #tpu.memory_space<vmem>> -> memref<80xi32, #tpu.memory_space<vmem>>
    %dma_wait3A_54 = arith.constant 0 : i32
    %dma_wait3A_55 = tpu.memref_slice %arg3[%add3A, %dma_wait3A, %dma_wait3A_54] : memref<32x126x80xi32, #tpu.memory_space<hbm>> -> memref<1x1x80xi32, #tpu.memory_space<hbm>>
    %dma_wait3A_56 = tpu.memref_squeeze %dma_wait3A_55 : memref<1x1x80xi32, #tpu.memory_space<hbm>> -> memref<80xi32, #tpu.memory_space<hbm>>
    tpu.wait_dma2 semaphore(%arg14 : memref<!tpu.dma_semaphore, #tpu.memory_space<semaphore_mem>>) src(%dma_wait3A_56 : memref<80xi32, #tpu.memory_space<hbm>>) dst(%dma_wait3A_53 : memref<80xi32, #tpu.memory_space<vmem>>)
    %dma_start3A_57 = arith.constant 0 : i32
    %dma_start3A_58 = arith.constant 0 : i32
    %dma_start3A_59 = arith.constant 0 : i32
    %dma_start3A_60 = arith.constant 0 : i32
    %dma_start3A_61 = tpu.memref_slice %arg9[%dma_start3A_58, %dma_start3A_59, %dma_start3A_60] : memref<3x80x128xf32, #tpu.memory_space<vmem>> -> memref<1x80x128xf32, #tpu.memory_space<vmem>>
    %dma_start3A_62 = tpu.memref_squeeze %dma_start3A_61 : memref<1x80x128xf32, #tpu.memory_space<vmem>> -> memref<80x128xf32, #tpu.memory_space<vmem>>
    %dma_start3A_63 = arith.constant 0 : i32
    %dma_start3A_64 = tpu.memref_slice %arg7[%dma_start3A_57, %dma_start3A_63] : memref<3x80xi32, #tpu.memory_space<vmem>> -> memref<1x80xi32, #tpu.memory_space<vmem>>
    %dma_start3A_65 = tpu.memref_squeeze %dma_start3A_64 : memref<1x80xi32, #tpu.memory_space<vmem>> -> memref<80xi32, #tpu.memory_space<vmem>>
    %dma_start3A_66 = arith.constant 0 : i32
    %dma_start3A_67 = arith.constant 0 : i32
    %dma_start3A_68 = tpu.memref_slice %arg2[%dma_start3A_66, %dma_start3A_67] : memref<10240x128xf32, #tpu.memory_space<hbm>> -> memref<10240x128xf32, #tpu.memory_space<hbm>>
    tpu.enqueue_indirect_dma source(%dma_start3A_68 : memref<10240x128xf32, #tpu.memory_space<hbm>>) target(%dma_start3A_62 : memref<80x128xf32, #tpu.memory_space<vmem>>) offsets(%dma_start3A_65 : memref<80xi32, #tpu.memory_space<vmem>>) semaphore(%arg11 : memref<!tpu.dma_semaphore, #tpu.memory_space<semaphore_mem>>)
    %dma_wait3A_69 = arith.constant 1 : i32
    %dma_wait3A_70 = arith.constant 1 : i32
    %dma_wait3A_71 = arith.constant 0 : i32
    %dma_wait3A_72 = tpu.memref_slice %arg7[%dma_wait3A_70, %dma_wait3A_71] : memref<3x80xi32, #tpu.memory_space<vmem>> -> memref<1x80xi32, #tpu.memory_space<vmem>>
    %dma_wait3A_73 = tpu.memref_squeeze %dma_wait3A_72 : memref<1x80xi32, #tpu.memory_space<vmem>> -> memref<80xi32, #tpu.memory_space<vmem>>
    %dma_wait3A_74 = arith.constant 0 : i32
    %dma_wait3A_75 = tpu.memref_slice %arg3[%add3A, %dma_wait3A_69, %dma_wait3A_74] : memref<32x126x80xi32, #tpu.memory_space<hbm>> -> memref<1x1x80xi32, #tpu.memory_space<hbm>>
    %dma_wait3A_76 = tpu.memref_squeeze %dma_wait3A_75 : memref<1x1x80xi32, #tpu.memory_space<hbm>> -> memref<80xi32, #tpu.memory_space<hbm>>
    %dma_wait3A_77 = arith.constant 0 : i32
    %dma_wait3A_78 = tpu.memref_slice %arg7[%dma_wait3A_70, %dma_wait3A_77] : memref<3x80xi32, #tpu.memory_space<vmem>> -> memref<1x80xi32, #tpu.memory_space<vmem>>
    %dma_wait3A_79 = tpu.memref_squeeze %dma_wait3A_78 : memref<1x80xi32, #tpu.memory_space<vmem>> -> memref<80xi32, #tpu.memory_space<vmem>>
    %dma_wait3A_80 = arith.constant 0 : i32
    %dma_wait3A_81 = tpu.memref_slice %arg3[%add3A, %dma_wait3A_69, %dma_wait3A_80] : memref<32x126x80xi32, #tpu.memory_space<hbm>> -> memref<1x1x80xi32, #tpu.memory_space<hbm>>
    %dma_wait3A_82 = tpu.memref_squeeze %dma_wait3A_81 : memref<1x1x80xi32, #tpu.memory_space<hbm>> -> memref<80xi32, #tpu.memory_space<hbm>>
    tpu.wait_dma2 semaphore(%arg15 : memref<!tpu.dma_semaphore, #tpu.memory_space<semaphore_mem>>) src(%dma_wait3A_82 : memref<80xi32, #tpu.memory_space<hbm>>) dst(%dma_wait3A_79 : memref<80xi32, #tpu.memory_space<vmem>>)
    %dma_start3A_83 = arith.constant 1 : i32
    %dma_start3A_84 = arith.constant 1 : i32
    %dma_start3A_85 = arith.constant 0 : i32
    %dma_start3A_86 = arith.constant 0 : i32
    %dma_start3A_87 = tpu.memref_slice %arg9[%dma_start3A_84, %dma_start3A_85, %dma_start3A_86] : memref<3x80x128xf32, #tpu.memory_space<vmem>> -> memref<1x80x128xf32, #tpu.memory_space<vmem>>
    %dma_start3A_88 = tpu.memref_squeeze %dma_start3A_87 : memref<1x80x128xf32, #tpu.memory_space<vmem>> -> memref<80x128xf32, #tpu.memory_space<vmem>>
    %dma_start3A_89 = arith.constant 0 : i32
    %dma_start3A_90 = tpu.memref_slice %arg7[%dma_start3A_83, %dma_start3A_89] : memref<3x80xi32, #tpu.memory_space<vmem>> -> memref<1x80xi32, #tpu.memory_space<vmem>>
    %dma_start3A_91 = tpu.memref_squeeze %dma_start3A_90 : memref<1x80xi32, #tpu.memory_space<vmem>> -> memref<80xi32, #tpu.memory_space<vmem>>
    %dma_start3A_92 = arith.constant 0 : i32
    %dma_start3A_93 = arith.constant 0 : i32
    %dma_start3A_94 = tpu.memref_slice %arg2[%dma_start3A_92, %dma_start3A_93] : memref<10240x128xf32, #tpu.memory_space<hbm>> -> memref<10240x128xf32, #tpu.memory_space<hbm>>
    tpu.enqueue_indirect_dma source(%dma_start3A_94 : memref<10240x128xf32, #tpu.memory_space<hbm>>) target(%dma_start3A_88 : memref<80x128xf32, #tpu.memory_space<vmem>>) offsets(%dma_start3A_91 : memref<80xi32, #tpu.memory_space<vmem>>) semaphore(%arg12 : memref<!tpu.dma_semaphore, #tpu.memory_space<semaphore_mem>>)
    %scan3A = arith.constant 0 : i32
    %scan3A_95 = arith.constant 0 : i32
    %scan3A_96 = arith.constant 42 : i32
    %scan3A_97 = arith.addi %scan3A_95, %scan3A_96 : i32
    %scan3A_98 = arith.constant 1 : i32
    scf.for %scan3A_141 = %scan3A_95 to %scan3A_97 step %scan3A_98  : i32 {
      %mul3A_142 = arith.constant 3 : i32
      %mul3A_143 = arith.muli %scan3A_141, %mul3A_142 : i32
      %add3A_144 = arith.constant 0 : i32
      %add3A_145 = arith.addi %mul3A_143, %add3A_144 : i32
      %dma_wait3A_146 = arith.constant 0 : i32
      %dma_wait3A_147 = arith.constant 0 : i32
      %dma_wait3A_148 = arith.constant 0 : i32
      %dma_wait3A_149 = arith.constant 0 : i32
      %dma_wait3A_150 = tpu.memref_slice %arg9[%dma_wait3A_147, %dma_wait3A_148, %dma_wait3A_149] : memref<3x80x128xf32, #tpu.memory_space<vmem>> -> memref<1x80x128xf32, #tpu.memory_space<vmem>>
      %dma_wait3A_151 = tpu.memref_squeeze %dma_wait3A_150 : memref<1x80x128xf32, #tpu.memory_space<vmem>> -> memref<80x128xf32, #tpu.memory_space<vmem>>
      %dma_wait3A_152 = arith.constant 0 : i32
      %dma_wait3A_153 = tpu.memref_slice %arg7[%dma_wait3A_146, %dma_wait3A_152] : memref<3x80xi32, #tpu.memory_space<vmem>> -> memref<1x80xi32, #tpu.memory_space<vmem>>
      %dma_wait3A_154 = tpu.memref_squeeze %dma_wait3A_153 : memref<1x80xi32, #tpu.memory_space<vmem>> -> memref<80xi32, #tpu.memory_space<vmem>>
      %dma_wait3A_155 = arith.constant 0 : i32
      %dma_wait3A_156 = arith.constant 0 : i32
      %dma_wait3A_157 = tpu.memref_slice %arg2[%dma_wait3A_155, %dma_wait3A_156] : memref<10240x128xf32, #tpu.memory_space<hbm>> -> memref<10240x128xf32, #tpu.memory_space<hbm>>
      tpu.wait_indirect_dma semaphore(%arg11 : memref<!tpu.dma_semaphore, #tpu.memory_space<semaphore_mem>>) src(%dma_wait3A_157 : memref<10240x128xf32, #tpu.memory_space<hbm>>) dst(%dma_wait3A_151 : memref<80x128xf32, #tpu.memory_space<vmem>>)
      %dma_start3A_158 = arith.constant 0 : i32
      %dma_start3A_159 = arith.constant 0 : i32
      %dma_start3A_160 = arith.constant 0 : i32
      %dma_start3A_161 = tpu.memref_slice %arg9[%dma_start3A_158, %dma_start3A_159, %dma_start3A_160] : memref<3x80x128xf32, #tpu.memory_space<vmem>> -> memref<1x80x128xf32, #tpu.memory_space<vmem>>
      %dma_start3A_162 = tpu.memref_squeeze %dma_start3A_161 : memref<1x80x128xf32, #tpu.memory_space<vmem>> -> memref<80x128xf32, #tpu.memory_space<vmem>>
      %dma_start3A_163 = arith.constant 0 : i32
      %dma_start3A_164 = tpu.memref_slice %arg8[%add3A_145, %dma_start3A_163] : memref<126x80xi32, #tpu.memory_space<vmem>> -> memref<1x80xi32, #tpu.memory_space<vmem>>
      %dma_start3A_165 = tpu.memref_squeeze %dma_start3A_164 : memref<1x80xi32, #tpu.memory_space<vmem>> -> memref<80xi32, #tpu.memory_space<vmem>>
      %dma_start3A_166 = arith.constant 0 : i32
      %dma_start3A_167 = arith.constant 0 : i32
      %dma_start3A_168 = tpu.memref_slice %arg10[%dma_start3A_166, %dma_start3A_167] : memref<10240x128xf32, #tpu.memory_space<vmem_shared>> -> memref<10240x128xf32, #tpu.memory_space<vmem_shared>>
      tpu.enqueue_indirect_dma source(%dma_start3A_162 : memref<80x128xf32, #tpu.memory_space<vmem>>) target(%dma_start3A_168 : memref<10240x128xf32, #tpu.memory_space<vmem_shared>>) offsets(%dma_start3A_165 : memref<80xi32, #tpu.memory_space<vmem>>) semaphore(%arg17 : memref<!tpu.dma_semaphore, #tpu.memory_space<semaphore_mem>>) {add = true}
      %add3A_169 = arith.constant 3 : i32
      %add3A_170 = arith.addi %add3A_145, %add3A_169 : i32
      %sub3A = arith.constant 1 : i32
      %sub3A_171 = arith.subi %add3A_170, %sub3A : i32
      %lt3A = arith.constant 126 : i32
      %lt3A_172 = arith.cmpi slt, %sub3A_171, %lt3A : i32
      %convert_element_type3A = arith.extui %lt3A_172 : i1 to i32
      %cond3A = arith.constant 0 : i32
      %cond3A_173 = arith.cmpi ne, %convert_element_type3A, %cond3A : i32
      scf.if %cond3A_173 {
        %add3A_267 = arith.constant 3 : i32
        %add3A_268 = arith.addi %add3A_145, %add3A_267 : i32
        %sub3A_269 = arith.constant 1 : i32
        %sub3A_270 = arith.subi %add3A_268, %sub3A_269 : i32
        %dma_wait3A_271 = arith.constant 2 : i32
        %dma_wait3A_272 = arith.constant 0 : i32
        %dma_wait3A_273 = tpu.memref_slice %arg7[%dma_wait3A_271, %dma_wait3A_272] : memref<3x80xi32, #tpu.memory_space<vmem>> -> memref<1x80xi32, #tpu.memory_space<vmem>>
        %dma_wait3A_274 = tpu.memref_squeeze %dma_wait3A_273 : memref<1x80xi32, #tpu.memory_space<vmem>> -> memref<80xi32, #tpu.memory_space<vmem>>
        %dma_wait3A_275 = arith.constant 0 : i32
        %dma_wait3A_276 = tpu.memref_slice %arg3[%add3A, %sub3A_270, %dma_wait3A_275] : memref<32x126x80xi32, #tpu.memory_space<hbm>> -> memref<1x1x80xi32, #tpu.memory_space<hbm>>
        %dma_wait3A_277 = tpu.memref_squeeze %dma_wait3A_276 : memref<1x1x80xi32, #tpu.memory_space<hbm>> -> memref<80xi32, #tpu.memory_space<hbm>>
        %dma_wait3A_278 = arith.constant 0 : i32
        %dma_wait3A_279 = tpu.memref_slice %arg7[%dma_wait3A_271, %dma_wait3A_278] : memref<3x80xi32, #tpu.memory_space<vmem>> -> memref<1x80xi32, #tpu.memory_space<vmem>>
        %dma_wait3A_280 = tpu.memref_squeeze %dma_wait3A_279 : memref<1x80xi32, #tpu.memory_space<vmem>> -> memref<80xi32, #tpu.memory_space<vmem>>
        %dma_wait3A_281 = arith.constant 0 : i32
        %dma_wait3A_282 = tpu.memref_slice %arg3[%add3A, %sub3A_270, %dma_wait3A_281] : memref<32x126x80xi32, #tpu.memory_space<hbm>> -> memref<1x1x80xi32, #tpu.memory_space<hbm>>
        %dma_wait3A_283 = tpu.memref_squeeze %dma_wait3A_282 : memref<1x1x80xi32, #tpu.memory_space<hbm>> -> memref<80xi32, #tpu.memory_space<hbm>>
        tpu.wait_dma2 semaphore(%arg16 : memref<!tpu.dma_semaphore, #tpu.memory_space<semaphore_mem>>) src(%dma_wait3A_283 : memref<80xi32, #tpu.memory_space<hbm>>) dst(%dma_wait3A_280 : memref<80xi32, #tpu.memory_space<vmem>>)
        %ge3A = arith.constant 1 : i32
        %ge3A_284 = arith.cmpi sge, %add3A_145, %ge3A : i32
        %convert_element_type3A_285 = arith.extui %ge3A_284 : i1 to i32
        %cond3A_286 = arith.constant 0 : i32
        %cond3A_287 = arith.cmpi ne, %convert_element_type3A_285, %cond3A_286 : i32
        scf.if %cond3A_287 {
          %dma_wait3A_300 = arith.constant 2 : i32
          %dma_wait3A_301 = arith.constant 2 : i32
          %dma_wait3A_302 = arith.constant 0 : i32
          %dma_wait3A_303 = arith.constant 0 : i32
          %dma_wait3A_304 = tpu.memref_slice %arg9[%dma_wait3A_300, %dma_wait3A_302, %dma_wait3A_303] : memref<3x80x128xf32, #tpu.memory_space<vmem>> -> memref<1x80x128xf32, #tpu.memory_space<vmem>>
          %dma_wait3A_305 = tpu.memref_squeeze %dma_wait3A_304 : memref<1x80x128xf32, #tpu.memory_space<vmem>> -> memref<80x128xf32, #tpu.memory_space<vmem>>
          %dma_wait3A_306 = arith.constant 0 : i32
          %dma_wait3A_307 = tpu.memref_slice %arg8[%dma_wait3A_301, %dma_wait3A_306] : memref<126x80xi32, #tpu.memory_space<vmem>> -> memref<1x80xi32, #tpu.memory_space<vmem>>
          %dma_wait3A_308 = tpu.memref_squeeze %dma_wait3A_307 : memref<1x80xi32, #tpu.memory_space<vmem>> -> memref<80xi32, #tpu.memory_space<vmem>>
          %dma_wait3A_309 = arith.constant 0 : i32
          %dma_wait3A_310 = arith.constant 0 : i32
          %dma_wait3A_311 = tpu.memref_slice %arg10[%dma_wait3A_309, %dma_wait3A_310] : memref<10240x128xf32, #tpu.memory_space<vmem_shared>> -> memref<10240x128xf32, #tpu.memory_space<vmem_shared>>
          tpu.wait_indirect_dma semaphore(%arg19 : memref<!tpu.dma_semaphore, #tpu.memory_space<semaphore_mem>>) src(%dma_wait3A_305 : memref<80x128xf32, #tpu.memory_space<vmem>>) dst(%dma_wait3A_311 : memref<10240x128xf32, #tpu.memory_space<vmem_shared>>)
        } else {
        }
        %dma_start3A_288 = arith.constant 2 : i32
        %dma_start3A_289 = arith.constant 2 : i32
        %dma_start3A_290 = arith.constant 0 : i32
        %dma_start3A_291 = arith.constant 0 : i32
        %dma_start3A_292 = tpu.memref_slice %arg9[%dma_start3A_289, %dma_start3A_290, %dma_start3A_291] : memref<3x80x128xf32, #tpu.memory_space<vmem>> -> memref<1x80x128xf32, #tpu.memory_space<vmem>>
        %dma_start3A_293 = tpu.memref_squeeze %dma_start3A_292 : memref<1x80x128xf32, #tpu.memory_space<vmem>> -> memref<80x128xf32, #tpu.memory_space<vmem>>
        %dma_start3A_294 = arith.constant 0 : i32
        %dma_start3A_295 = tpu.memref_slice %arg7[%dma_start3A_288, %dma_start3A_294] : memref<3x80xi32, #tpu.memory_space<vmem>> -> memref<1x80xi32, #tpu.memory_space<vmem>>
        %dma_start3A_296 = tpu.memref_squeeze %dma_start3A_295 : memref<1x80xi32, #tpu.memory_space<vmem>> -> memref<80xi32, #tpu.memory_space<vmem>>
        %dma_start3A_297 = arith.constant 0 : i32
        %dma_start3A_298 = arith.constant 0 : i32
        %dma_start3A_299 = tpu.memref_slice %arg2[%dma_start3A_297, %dma_start3A_298] : memref<10240x128xf32, #tpu.memory_space<hbm>> -> memref<10240x128xf32, #tpu.memory_space<hbm>>
        tpu.enqueue_indirect_dma source(%dma_start3A_299 : memref<10240x128xf32, #tpu.memory_space<hbm>>) target(%dma_start3A_293 : memref<80x128xf32, #tpu.memory_space<vmem>>) offsets(%dma_start3A_296 : memref<80xi32, #tpu.memory_space<vmem>>) semaphore(%arg13 : memref<!tpu.dma_semaphore, #tpu.memory_space<semaphore_mem>>)
      } else {
      }
      %add3A_174 = arith.constant 3 : i32
      %add3A_175 = arith.addi %add3A_145, %add3A_174 : i32
      %lt3A_176 = arith.constant 126 : i32
      %lt3A_177 = arith.cmpi slt, %add3A_175, %lt3A_176 : i32
      %convert_element_type3A_178 = arith.extui %lt3A_177 : i1 to i32
      %cond3A_179 = arith.constant 0 : i32
      %cond3A_180 = arith.cmpi ne, %convert_element_type3A_178, %cond3A_179 : i32
      scf.if %cond3A_180 {
        %add3A_267 = arith.constant 3 : i32
        %add3A_268 = arith.addi %add3A_145, %add3A_267 : i32
        %dma_start3A_269 = arith.constant 0 : i32
        %dma_start3A_270 = arith.constant 0 : i32
        %dma_start3A_271 = tpu.memref_slice %arg7[%dma_start3A_269, %dma_start3A_270] : memref<3x80xi32, #tpu.memory_space<vmem>> -> memref<1x80xi32, #tpu.memory_space<vmem>>
        %dma_start3A_272 = tpu.memref_squeeze %dma_start3A_271 : memref<1x80xi32, #tpu.memory_space<vmem>> -> memref<80xi32, #tpu.memory_space<vmem>>
        %dma_start3A_273 = arith.constant 0 : i32
        %dma_start3A_274 = tpu.memref_slice %arg3[%add3A, %add3A_268, %dma_start3A_273] : memref<32x126x80xi32, #tpu.memory_space<hbm>> -> memref<1x1x80xi32, #tpu.memory_space<hbm>>
        %dma_start3A_275 = tpu.memref_squeeze %dma_start3A_274 : memref<1x1x80xi32, #tpu.memory_space<hbm>> -> memref<80xi32, #tpu.memory_space<hbm>>
        %dma_start3A_276 = arith.constant 0 : i32
        %dma_start3A_277 = tpu.memref_slice %arg7[%dma_start3A_269, %dma_start3A_276] : memref<3x80xi32, #tpu.memory_space<vmem>> -> memref<1x80xi32, #tpu.memory_space<vmem>>
        %dma_start3A_278 = tpu.memref_squeeze %dma_start3A_277 : memref<1x80xi32, #tpu.memory_space<vmem>> -> memref<80xi32, #tpu.memory_space<vmem>>
        %dma_start3A_279 = arith.constant 0 : i32
        %dma_start3A_280 = tpu.memref_slice %arg3[%add3A, %add3A_268, %dma_start3A_279] : memref<32x126x80xi32, #tpu.memory_space<hbm>> -> memref<1x1x80xi32, #tpu.memory_space<hbm>>
        %dma_start3A_281 = tpu.memref_squeeze %dma_start3A_280 : memref<1x1x80xi32, #tpu.memory_space<hbm>> -> memref<80xi32, #tpu.memory_space<hbm>>
        tpu.enqueue_dma source(%dma_start3A_281 : memref<80xi32, #tpu.memory_space<hbm>>) target(%dma_start3A_278 : memref<80xi32, #tpu.memory_space<vmem>>) target_semaphore(%arg14 : memref<!tpu.dma_semaphore, #tpu.memory_space<semaphore_mem>>)
      } else {
      }
      %mul3A_181 = arith.constant 3 : i32
      %mul3A_182 = arith.muli %scan3A_141, %mul3A_181 : i32
      %add3A_183 = arith.constant 1 : i32
      %add3A_184 = arith.addi %mul3A_182, %add3A_183 : i32
      %dma_wait3A_185 = arith.constant 1 : i32
      %dma_wait3A_186 = arith.constant 1 : i32
      %dma_wait3A_187 = arith.constant 0 : i32
      %dma_wait3A_188 = arith.constant 0 : i32
      %dma_wait3A_189 = tpu.memref_slice %arg9[%dma_wait3A_186, %dma_wait3A_187, %dma_wait3A_188] : memref<3x80x128xf32, #tpu.memory_space<vmem>> -> memref<1x80x128xf32, #tpu.memory_space<vmem>>
      %dma_wait3A_190 = tpu.memref_squeeze %dma_wait3A_189 : memref<1x80x128xf32, #tpu.memory_space<vmem>> -> memref<80x128xf32, #tpu.memory_space<vmem>>
      %dma_wait3A_191 = arith.constant 0 : i32
      %dma_wait3A_192 = tpu.memref_slice %arg7[%dma_wait3A_185, %dma_wait3A_191] : memref<3x80xi32, #tpu.memory_space<vmem>> -> memref<1x80xi32, #tpu.memory_space<vmem>>
      %dma_wait3A_193 = tpu.memref_squeeze %dma_wait3A_192 : memref<1x80xi32, #tpu.memory_space<vmem>> -> memref<80xi32, #tpu.memory_space<vmem>>
      %dma_wait3A_194 = arith.constant 0 : i32
      %dma_wait3A_195 = arith.constant 0 : i32
      %dma_wait3A_196 = tpu.memref_slice %arg2[%dma_wait3A_194, %dma_wait3A_195] : memref<10240x128xf32, #tpu.memory_space<hbm>> -> memref<10240x128xf32, #tpu.memory_space<hbm>>
      tpu.wait_indirect_dma semaphore(%arg12 : memref<!tpu.dma_semaphore, #tpu.memory_space<semaphore_mem>>) src(%dma_wait3A_196 : memref<10240x128xf32, #tpu.memory_space<hbm>>) dst(%dma_wait3A_190 : memref<80x128xf32, #tpu.memory_space<vmem>>)
      %dma_start3A_197 = arith.constant 1 : i32
      %dma_start3A_198 = arith.constant 0 : i32
      %dma_start3A_199 = arith.constant 0 : i32
      %dma_start3A_200 = tpu.memref_slice %arg9[%dma_start3A_197, %dma_start3A_198, %dma_start3A_199] : memref<3x80x128xf32, #tpu.memory_space<vmem>> -> memref<1x80x128xf32, #tpu.memory_space<vmem>>
      %dma_start3A_201 = tpu.memref_squeeze %dma_start3A_200 : memref<1x80x128xf32, #tpu.memory_space<vmem>> -> memref<80x128xf32, #tpu.memory_space<vmem>>
      %dma_start3A_202 = arith.constant 0 : i32
      %dma_start3A_203 = tpu.memref_slice %arg8[%add3A_184, %dma_start3A_202] : memref<126x80xi32, #tpu.memory_space<vmem>> -> memref<1x80xi32, #tpu.memory_space<vmem>>
      %dma_start3A_204 = tpu.memref_squeeze %dma_start3A_203 : memref<1x80xi32, #tpu.memory_space<vmem>> -> memref<80xi32, #tpu.memory_space<vmem>>
      %dma_start3A_205 = arith.constant 0 : i32
      %dma_start3A_206 = arith.constant 0 : i32
      %dma_start3A_207 = tpu.memref_slice %arg10[%dma_start3A_205, %dma_start3A_206] : memref<10240x128xf32, #tpu.memory_space<vmem_shared>> -> memref<10240x128xf32, #tpu.memory_space<vmem_shared>>
      tpu.enqueue_indirect_dma source(%dma_start3A_201 : memref<80x128xf32, #tpu.memory_space<vmem>>) target(%dma_start3A_207 : memref<10240x128xf32, #tpu.memory_space<vmem_shared>>) offsets(%dma_start3A_204 : memref<80xi32, #tpu.memory_space<vmem>>) semaphore(%arg18 : memref<!tpu.dma_semaphore, #tpu.memory_space<semaphore_mem>>) {add = true}
      %add3A_208 = arith.constant 3 : i32
      %add3A_209 = arith.addi %add3A_184, %add3A_208 : i32
      %sub3A_210 = arith.constant 1 : i32
      %sub3A_211 = arith.subi %add3A_209, %sub3A_210 : i32
      %lt3A_212 = arith.constant 126 : i32
      %lt3A_213 = arith.cmpi slt, %sub3A_211, %lt3A_212 : i32
      %convert_element_type3A_214 = arith.extui %lt3A_213 : i1 to i32
      %cond3A_215 = arith.constant 0 : i32
      %cond3A_216 = arith.cmpi ne, %convert_element_type3A_214, %cond3A_215 : i32
      scf.if %cond3A_216 {
        %add3A_267 = arith.constant 3 : i32
        %add3A_268 = arith.addi %add3A_184, %add3A_267 : i32
        %sub3A_269 = arith.constant 1 : i32
        %sub3A_270 = arith.subi %add3A_268, %sub3A_269 : i32
        %dma_wait3A_271 = arith.constant 0 : i32
        %dma_wait3A_272 = arith.constant 0 : i32
        %dma_wait3A_273 = tpu.memref_slice %arg7[%dma_wait3A_271, %dma_wait3A_272] : memref<3x80xi32, #tpu.memory_space<vmem>> -> memref<1x80xi32, #tpu.memory_space<vmem>>
        %dma_wait3A_274 = tpu.memref_squeeze %dma_wait3A_273 : memref<1x80xi32, #tpu.memory_space<vmem>> -> memref<80xi32, #tpu.memory_space<vmem>>
        %dma_wait3A_275 = arith.constant 0 : i32
        %dma_wait3A_276 = tpu.memref_slice %arg3[%add3A, %sub3A_270, %dma_wait3A_275] : memref<32x126x80xi32, #tpu.memory_space<hbm>> -> memref<1x1x80xi32, #tpu.memory_space<hbm>>
        %dma_wait3A_277 = tpu.memref_squeeze %dma_wait3A_276 : memref<1x1x80xi32, #tpu.memory_space<hbm>> -> memref<80xi32, #tpu.memory_space<hbm>>
        %dma_wait3A_278 = arith.constant 0 : i32
        %dma_wait3A_279 = tpu.memref_slice %arg7[%dma_wait3A_271, %dma_wait3A_278] : memref<3x80xi32, #tpu.memory_space<vmem>> -> memref<1x80xi32, #tpu.memory_space<vmem>>
        %dma_wait3A_280 = tpu.memref_squeeze %dma_wait3A_279 : memref<1x80xi32, #tpu.memory_space<vmem>> -> memref<80xi32, #tpu.memory_space<vmem>>
        %dma_wait3A_281 = arith.constant 0 : i32
        %dma_wait3A_282 = tpu.memref_slice %arg3[%add3A, %sub3A_270, %dma_wait3A_281] : memref<32x126x80xi32, #tpu.memory_space<hbm>> -> memref<1x1x80xi32, #tpu.memory_space<hbm>>
        %dma_wait3A_283 = tpu.memref_squeeze %dma_wait3A_282 : memref<1x1x80xi32, #tpu.memory_space<hbm>> -> memref<80xi32, #tpu.memory_space<hbm>>
        tpu.wait_dma2 semaphore(%arg14 : memref<!tpu.dma_semaphore, #tpu.memory_space<semaphore_mem>>) src(%dma_wait3A_283 : memref<80xi32, #tpu.memory_space<hbm>>) dst(%dma_wait3A_280 : memref<80xi32, #tpu.memory_space<vmem>>)
        %ge3A = arith.constant 1 : i32
        %ge3A_284 = arith.cmpi sge, %add3A_184, %ge3A : i32
        %convert_element_type3A_285 = arith.extui %ge3A_284 : i1 to i32
        %cond3A_286 = arith.constant 0 : i32
        %cond3A_287 = arith.cmpi ne, %convert_element_type3A_285, %cond3A_286 : i32
        scf.if %cond3A_287 {
          %dma_wait3A_300 = arith.constant 0 : i32
          %dma_wait3A_301 = arith.constant 0 : i32
          %dma_wait3A_302 = arith.constant 0 : i32
          %dma_wait3A_303 = arith.constant 0 : i32
          %dma_wait3A_304 = tpu.memref_slice %arg9[%dma_wait3A_300, %dma_wait3A_302, %dma_wait3A_303] : memref<3x80x128xf32, #tpu.memory_space<vmem>> -> memref<1x80x128xf32, #tpu.memory_space<vmem>>
          %dma_wait3A_305 = tpu.memref_squeeze %dma_wait3A_304 : memref<1x80x128xf32, #tpu.memory_space<vmem>> -> memref<80x128xf32, #tpu.memory_space<vmem>>
          %dma_wait3A_306 = arith.constant 0 : i32
          %dma_wait3A_307 = tpu.memref_slice %arg8[%dma_wait3A_301, %dma_wait3A_306] : memref<126x80xi32, #tpu.memory_space<vmem>> -> memref<1x80xi32, #tpu.memory_space<vmem>>
          %dma_wait3A_308 = tpu.memref_squeeze %dma_wait3A_307 : memref<1x80xi32, #tpu.memory_space<vmem>> -> memref<80xi32, #tpu.memory_space<vmem>>
          %dma_wait3A_309 = arith.constant 0 : i32
          %dma_wait3A_310 = arith.constant 0 : i32
          %dma_wait3A_311 = tpu.memref_slice %arg10[%dma_wait3A_309, %dma_wait3A_310] : memref<10240x128xf32, #tpu.memory_space<vmem_shared>> -> memref<10240x128xf32, #tpu.memory_space<vmem_shared>>
          tpu.wait_indirect_dma semaphore(%arg17 : memref<!tpu.dma_semaphore, #tpu.memory_space<semaphore_mem>>) src(%dma_wait3A_305 : memref<80x128xf32, #tpu.memory_space<vmem>>) dst(%dma_wait3A_311 : memref<10240x128xf32, #tpu.memory_space<vmem_shared>>)
        } else {
        }
        %dma_start3A_288 = arith.constant 0 : i32
        %dma_start3A_289 = arith.constant 0 : i32
        %dma_start3A_290 = arith.constant 0 : i32
        %dma_start3A_291 = arith.constant 0 : i32
        %dma_start3A_292 = tpu.memref_slice %arg9[%dma_start3A_289, %dma_start3A_290, %dma_start3A_291] : memref<3x80x128xf32, #tpu.memory_space<vmem>> -> memref<1x80x128xf32, #tpu.memory_space<vmem>>
        %dma_start3A_293 = tpu.memref_squeeze %dma_start3A_292 : memref<1x80x128xf32, #tpu.memory_space<vmem>> -> memref<80x128xf32, #tpu.memory_space<vmem>>
        %dma_start3A_294 = arith.constant 0 : i32
        %dma_start3A_295 = tpu.memref_slice %arg7[%dma_start3A_288, %dma_start3A_294] : memref<3x80xi32, #tpu.memory_space<vmem>> -> memref<1x80xi32, #tpu.memory_space<vmem>>
        %dma_start3A_296 = tpu.memref_squeeze %dma_start3A_295 : memref<1x80xi32, #tpu.memory_space<vmem>> -> memref<80xi32, #tpu.memory_space<vmem>>
        %dma_start3A_297 = arith.constant 0 : i32
        %dma_start3A_298 = arith.constant 0 : i32
        %dma_start3A_299 = tpu.memref_slice %arg2[%dma_start3A_297, %dma_start3A_298] : memref<10240x128xf32, #tpu.memory_space<hbm>> -> memref<10240x128xf32, #tpu.memory_space<hbm>>
        tpu.enqueue_indirect_dma source(%dma_start3A_299 : memref<10240x128xf32, #tpu.memory_space<hbm>>) target(%dma_start3A_293 : memref<80x128xf32, #tpu.memory_space<vmem>>) offsets(%dma_start3A_296 : memref<80xi32, #tpu.memory_space<vmem>>) semaphore(%arg11 : memref<!tpu.dma_semaphore, #tpu.memory_space<semaphore_mem>>)
      } else {
      }
      %add3A_217 = arith.constant 3 : i32
      %add3A_218 = arith.addi %add3A_184, %add3A_217 : i32
      %lt3A_219 = arith.constant 126 : i32
      %lt3A_220 = arith.cmpi slt, %add3A_218, %lt3A_219 : i32
      %convert_element_type3A_221 = arith.extui %lt3A_220 : i1 to i32
      %cond3A_222 = arith.constant 0 : i32
      %cond3A_223 = arith.cmpi ne, %convert_element_type3A_221, %cond3A_222 : i32
      scf.if %cond3A_223 {
        %add3A_267 = arith.constant 3 : i32
        %add3A_268 = arith.addi %add3A_184, %add3A_267 : i32
        %dma_start3A_269 = arith.constant 1 : i32
        %dma_start3A_270 = arith.constant 0 : i32
        %dma_start3A_271 = tpu.memref_slice %arg7[%dma_start3A_269, %dma_start3A_270] : memref<3x80xi32, #tpu.memory_space<vmem>> -> memref<1x80xi32, #tpu.memory_space<vmem>>
        %dma_start3A_272 = tpu.memref_squeeze %dma_start3A_271 : memref<1x80xi32, #tpu.memory_space<vmem>> -> memref<80xi32, #tpu.memory_space<vmem>>
        %dma_start3A_273 = arith.constant 0 : i32
        %dma_start3A_274 = tpu.memref_slice %arg3[%add3A, %add3A_268, %dma_start3A_273] : memref<32x126x80xi32, #tpu.memory_space<hbm>> -> memref<1x1x80xi32, #tpu.memory_space<hbm>>
        %dma_start3A_275 = tpu.memref_squeeze %dma_start3A_274 : memref<1x1x80xi32, #tpu.memory_space<hbm>> -> memref<80xi32, #tpu.memory_space<hbm>>
        %dma_start3A_276 = arith.constant 0 : i32
        %dma_start3A_277 = tpu.memref_slice %arg7[%dma_start3A_269, %dma_start3A_276] : memref<3x80xi32, #tpu.memory_space<vmem>> -> memref<1x80xi32, #tpu.memory_space<vmem>>
        %dma_start3A_278 = tpu.memref_squeeze %dma_start3A_277 : memref<1x80xi32, #tpu.memory_space<vmem>> -> memref<80xi32, #tpu.memory_space<vmem>>
        %dma_start3A_279 = arith.constant 0 : i32
        %dma_start3A_280 = tpu.memref_slice %arg3[%add3A, %add3A_268, %dma_start3A_279] : memref<32x126x80xi32, #tpu.memory_space<hbm>> -> memref<1x1x80xi32, #tpu.memory_space<hbm>>
        %dma_start3A_281 = tpu.memref_squeeze %dma_start3A_280 : memref<1x1x80xi32, #tpu.memory_space<hbm>> -> memref<80xi32, #tpu.memory_space<hbm>>
        tpu.enqueue_dma source(%dma_start3A_281 : memref<80xi32, #tpu.memory_space<hbm>>) target(%dma_start3A_278 : memref<80xi32, #tpu.memory_space<vmem>>) target_semaphore(%arg15 : memref<!tpu.dma_semaphore, #tpu.memory_space<semaphore_mem>>)
      } else {
      }
      %mul3A_224 = arith.constant 3 : i32
      %mul3A_225 = arith.muli %scan3A_141, %mul3A_224 : i32
      %add3A_226 = arith.constant 2 : i32
      %add3A_227 = arith.addi %mul3A_225, %add3A_226 : i32
      %dma_wait3A_228 = arith.constant 2 : i32
      %dma_wait3A_229 = arith.constant 2 : i32
      %dma_wait3A_230 = arith.constant 0 : i32
      %dma_wait3A_231 = arith.constant 0 : i32
      %dma_wait3A_232 = tpu.memref_slice %arg9[%dma_wait3A_229, %dma_wait3A_230, %dma_wait3A_231] : memref<3x80x128xf32, #tpu.memory_space<vmem>> -> memref<1x80x128xf32, #tpu.memory_space<vmem>>
      %dma_wait3A_233 = tpu.memref_squeeze %dma_wait3A_232 : memref<1x80x128xf32, #tpu.memory_space<vmem>> -> memref<80x128xf32, #tpu.memory_space<vmem>>
      %dma_wait3A_234 = arith.constant 0 : i32
      %dma_wait3A_235 = tpu.memref_slice %arg7[%dma_wait3A_228, %dma_wait3A_234] : memref<3x80xi32, #tpu.memory_space<vmem>> -> memref<1x80xi32, #tpu.memory_space<vmem>>
      %dma_wait3A_236 = tpu.memref_squeeze %dma_wait3A_235 : memref<1x80xi32, #tpu.memory_space<vmem>> -> memref<80xi32, #tpu.memory_space<vmem>>
      %dma_wait3A_237 = arith.constant 0 : i32
      %dma_wait3A_238 = arith.constant 0 : i32
      %dma_wait3A_239 = tpu.memref_slice %arg2[%dma_wait3A_237, %dma_wait3A_238] : memref<10240x128xf32, #tpu.memory_space<hbm>> -> memref<10240x128xf32, #tpu.memory_space<hbm>>
      tpu.wait_indirect_dma semaphore(%arg13 : memref<!tpu.dma_semaphore, #tpu.memory_space<semaphore_mem>>) src(%dma_wait3A_239 : memref<10240x128xf32, #tpu.memory_space<hbm>>) dst(%dma_wait3A_233 : memref<80x128xf32, #tpu.memory_space<vmem>>)
      %dma_start3A_240 = arith.constant 2 : i32
      %dma_start3A_241 = arith.constant 0 : i32
      %dma_start3A_242 = arith.constant 0 : i32
      %dma_start3A_243 = tpu.memref_slice %arg9[%dma_start3A_240, %dma_start3A_241, %dma_start3A_242] : memref<3x80x128xf32, #tpu.memory_space<vmem>> -> memref<1x80x128xf32, #tpu.memory_space<vmem>>
      %dma_start3A_244 = tpu.memref_squeeze %dma_start3A_243 : memref<1x80x128xf32, #tpu.memory_space<vmem>> -> memref<80x128xf32, #tpu.memory_space<vmem>>
      %dma_start3A_245 = arith.constant 0 : i32
      %dma_start3A_246 = tpu.memref_slice %arg8[%add3A_227, %dma_start3A_245] : memref<126x80xi32, #tpu.memory_space<vmem>> -> memref<1x80xi32, #tpu.memory_space<vmem>>
      %dma_start3A_247 = tpu.memref_squeeze %dma_start3A_246 : memref<1x80xi32, #tpu.memory_space<vmem>> -> memref<80xi32, #tpu.memory_space<vmem>>
      %dma_start3A_248 = arith.constant 0 : i32
      %dma_start3A_249 = arith.constant 0 : i32
      %dma_start3A_250 = tpu.memref_slice %arg10[%dma_start3A_248, %dma_start3A_249] : memref<10240x128xf32, #tpu.memory_space<vmem_shared>> -> memref<10240x128xf32, #tpu.memory_space<vmem_shared>>
      tpu.enqueue_indirect_dma source(%dma_start3A_244 : memref<80x128xf32, #tpu.memory_space<vmem>>) target(%dma_start3A_250 : memref<10240x128xf32, #tpu.memory_space<vmem_shared>>) offsets(%dma_start3A_247 : memref<80xi32, #tpu.memory_space<vmem>>) semaphore(%arg19 : memref<!tpu.dma_semaphore, #tpu.memory_space<semaphore_mem>>) {add = true}
      %add3A_251 = arith.constant 3 : i32
      %add3A_252 = arith.addi %add3A_227, %add3A_251 : i32
      %sub3A_253 = arith.constant 1 : i32
      %sub3A_254 = arith.subi %add3A_252, %sub3A_253 : i32
      %lt3A_255 = arith.constant 126 : i32
      %lt3A_256 = arith.cmpi slt, %sub3A_254, %lt3A_255 : i32
      %convert_element_type3A_257 = arith.extui %lt3A_256 : i1 to i32
      %cond3A_258 = arith.constant 0 : i32
      %cond3A_259 = arith.cmpi ne, %convert_element_type3A_257, %cond3A_258 : i32
      scf.if %cond3A_259 {
        %add3A_267 = arith.constant 3 : i32
        %add3A_268 = arith.addi %add3A_227, %add3A_267 : i32
        %sub3A_269 = arith.constant 1 : i32
        %sub3A_270 = arith.subi %add3A_268, %sub3A_269 : i32
        %dma_wait3A_271 = arith.constant 1 : i32
        %dma_wait3A_272 = arith.constant 0 : i32
        %dma_wait3A_273 = tpu.memref_slice %arg7[%dma_wait3A_271, %dma_wait3A_272] : memref<3x80xi32, #tpu.memory_space<vmem>> -> memref<1x80xi32, #tpu.memory_space<vmem>>
        %dma_wait3A_274 = tpu.memref_squeeze %dma_wait3A_273 : memref<1x80xi32, #tpu.memory_space<vmem>> -> memref<80xi32, #tpu.memory_space<vmem>>
        %dma_wait3A_275 = arith.constant 0 : i32
        %dma_wait3A_276 = tpu.memref_slice %arg3[%add3A, %sub3A_270, %dma_wait3A_275] : memref<32x126x80xi32, #tpu.memory_space<hbm>> -> memref<1x1x80xi32, #tpu.memory_space<hbm>>
        %dma_wait3A_277 = tpu.memref_squeeze %dma_wait3A_276 : memref<1x1x80xi32, #tpu.memory_space<hbm>> -> memref<80xi32, #tpu.memory_space<hbm>>
        %dma_wait3A_278 = arith.constant 0 : i32
        %dma_wait3A_279 = tpu.memref_slice %arg7[%dma_wait3A_271, %dma_wait3A_278] : memref<3x80xi32, #tpu.memory_space<vmem>> -> memref<1x80xi32, #tpu.memory_space<vmem>>
        %dma_wait3A_280 = tpu.memref_squeeze %dma_wait3A_279 : memref<1x80xi32, #tpu.memory_space<vmem>> -> memref<80xi32, #tpu.memory_space<vmem>>
        %dma_wait3A_281 = arith.constant 0 : i32
        %dma_wait3A_282 = tpu.memref_slice %arg3[%add3A, %sub3A_270, %dma_wait3A_281] : memref<32x126x80xi32, #tpu.memory_space<hbm>> -> memref<1x1x80xi32, #tpu.memory_space<hbm>>
        %dma_wait3A_283 = tpu.memref_squeeze %dma_wait3A_282 : memref<1x1x80xi32, #tpu.memory_space<hbm>> -> memref<80xi32, #tpu.memory_space<hbm>>
        tpu.wait_dma2 semaphore(%arg15 : memref<!tpu.dma_semaphore, #tpu.memory_space<semaphore_mem>>) src(%dma_wait3A_283 : memref<80xi32, #tpu.memory_space<hbm>>) dst(%dma_wait3A_280 : memref<80xi32, #tpu.memory_space<vmem>>)
        %ge3A = arith.constant 1 : i32
        %ge3A_284 = arith.cmpi sge, %add3A_227, %ge3A : i32
        %convert_element_type3A_285 = arith.extui %ge3A_284 : i1 to i32
        %cond3A_286 = arith.constant 0 : i32
        %cond3A_287 = arith.cmpi ne, %convert_element_type3A_285, %cond3A_286 : i32
        scf.if %cond3A_287 {
          %dma_wait3A_300 = arith.constant 1 : i32
          %dma_wait3A_301 = arith.constant 1 : i32
          %dma_wait3A_302 = arith.constant 0 : i32
          %dma_wait3A_303 = arith.constant 0 : i32
          %dma_wait3A_304 = tpu.memref_slice %arg9[%dma_wait3A_300, %dma_wait3A_302, %dma_wait3A_303] : memref<3x80x128xf32, #tpu.memory_space<vmem>> -> memref<1x80x128xf32, #tpu.memory_space<vmem>>
          %dma_wait3A_305 = tpu.memref_squeeze %dma_wait3A_304 : memref<1x80x128xf32, #tpu.memory_space<vmem>> -> memref<80x128xf32, #tpu.memory_space<vmem>>
          %dma_wait3A_306 = arith.constant 0 : i32
          %dma_wait3A_307 = tpu.memref_slice %arg8[%dma_wait3A_301, %dma_wait3A_306] : memref<126x80xi32, #tpu.memory_space<vmem>> -> memref<1x80xi32, #tpu.memory_space<vmem>>
          %dma_wait3A_308 = tpu.memref_squeeze %dma_wait3A_307 : memref<1x80xi32, #tpu.memory_space<vmem>> -> memref<80xi32, #tpu.memory_space<vmem>>
          %dma_wait3A_309 = arith.constant 0 : i32
          %dma_wait3A_310 = arith.constant 0 : i32
          %dma_wait3A_311 = tpu.memref_slice %arg10[%dma_wait3A_309, %dma_wait3A_310] : memref<10240x128xf32, #tpu.memory_space<vmem_shared>> -> memref<10240x128xf32, #tpu.memory_space<vmem_shared>>
          tpu.wait_indirect_dma semaphore(%arg18 : memref<!tpu.dma_semaphore, #tpu.memory_space<semaphore_mem>>) src(%dma_wait3A_305 : memref<80x128xf32, #tpu.memory_space<vmem>>) dst(%dma_wait3A_311 : memref<10240x128xf32, #tpu.memory_space<vmem_shared>>)
        } else {
        }
        %dma_start3A_288 = arith.constant 1 : i32
        %dma_start3A_289 = arith.constant 1 : i32
        %dma_start3A_290 = arith.constant 0 : i32
        %dma_start3A_291 = arith.constant 0 : i32
        %dma_start3A_292 = tpu.memref_slice %arg9[%dma_start3A_289, %dma_start3A_290, %dma_start3A_291] : memref<3x80x128xf32, #tpu.memory_space<vmem>> -> memref<1x80x128xf32, #tpu.memory_space<vmem>>
        %dma_start3A_293 = tpu.memref_squeeze %dma_start3A_292 : memref<1x80x128xf32, #tpu.memory_space<vmem>> -> memref<80x128xf32, #tpu.memory_space<vmem>>
        %dma_start3A_294 = arith.constant 0 : i32
        %dma_start3A_295 = tpu.memref_slice %arg7[%dma_start3A_288, %dma_start3A_294] : memref<3x80xi32, #tpu.memory_space<vmem>> -> memref<1x80xi32, #tpu.memory_space<vmem>>
        %dma_start3A_296 = tpu.memref_squeeze %dma_start3A_295 : memref<1x80xi32, #tpu.memory_space<vmem>> -> memref<80xi32, #tpu.memory_space<vmem>>
        %dma_start3A_297 = arith.constant 0 : i32
        %dma_start3A_298 = arith.constant 0 : i32
        %dma_start3A_299 = tpu.memref_slice %arg2[%dma_start3A_297, %dma_start3A_298] : memref<10240x128xf32, #tpu.memory_space<hbm>> -> memref<10240x128xf32, #tpu.memory_space<hbm>>
        tpu.enqueue_indirect_dma source(%dma_start3A_299 : memref<10240x128xf32, #tpu.memory_space<hbm>>) target(%dma_start3A_293 : memref<80x128xf32, #tpu.memory_space<vmem>>) offsets(%dma_start3A_296 : memref<80xi32, #tpu.memory_space<vmem>>) semaphore(%arg12 : memref<!tpu.dma_semaphore, #tpu.memory_space<semaphore_mem>>)
      } else {
      }
      %add3A_260 = arith.constant 3 : i32
      %add3A_261 = arith.addi %add3A_227, %add3A_260 : i32
      %lt3A_262 = arith.constant 126 : i32
      %lt3A_263 = arith.cmpi slt, %add3A_261, %lt3A_262 : i32
      %convert_element_type3A_264 = arith.extui %lt3A_263 : i1 to i32
      %cond3A_265 = arith.constant 0 : i32
      %cond3A_266 = arith.cmpi ne, %convert_element_type3A_264, %cond3A_265 : i32
      scf.if %cond3A_266 {
        %add3A_267 = arith.constant 3 : i32
        %add3A_268 = arith.addi %add3A_227, %add3A_267 : i32
        %dma_start3A_269 = arith.constant 2 : i32
        %dma_start3A_270 = arith.constant 0 : i32
        %dma_start3A_271 = tpu.memref_slice %arg7[%dma_start3A_269, %dma_start3A_270] : memref<3x80xi32, #tpu.memory_space<vmem>> -> memref<1x80xi32, #tpu.memory_space<vmem>>
        %dma_start3A_272 = tpu.memref_squeeze %dma_start3A_271 : memref<1x80xi32, #tpu.memory_space<vmem>> -> memref<80xi32, #tpu.memory_space<vmem>>
        %dma_start3A_273 = arith.constant 0 : i32
        %dma_start3A_274 = tpu.memref_slice %arg3[%add3A, %add3A_268, %dma_start3A_273] : memref<32x126x80xi32, #tpu.memory_space<hbm>> -> memref<1x1x80xi32, #tpu.memory_space<hbm>>
        %dma_start3A_275 = tpu.memref_squeeze %dma_start3A_274 : memref<1x1x80xi32, #tpu.memory_space<hbm>> -> memref<80xi32, #tpu.memory_space<hbm>>
        %dma_start3A_276 = arith.constant 0 : i32
        %dma_start3A_277 = tpu.memref_slice %arg7[%dma_start3A_269, %dma_start3A_276] : memref<3x80xi32, #tpu.memory_space<vmem>> -> memref<1x80xi32, #tpu.memory_space<vmem>>
        %dma_start3A_278 = tpu.memref_squeeze %dma_start3A_277 : memref<1x80xi32, #tpu.memory_space<vmem>> -> memref<80xi32, #tpu.memory_space<vmem>>
        %dma_start3A_279 = arith.constant 0 : i32
        %dma_start3A_280 = tpu.memref_slice %arg3[%add3A, %add3A_268, %dma_start3A_279] : memref<32x126x80xi32, #tpu.memory_space<hbm>> -> memref<1x1x80xi32, #tpu.memory_space<hbm>>
        %dma_start3A_281 = tpu.memref_squeeze %dma_start3A_280 : memref<1x1x80xi32, #tpu.memory_space<hbm>> -> memref<80xi32, #tpu.memory_space<hbm>>
        tpu.enqueue_dma source(%dma_start3A_281 : memref<80xi32, #tpu.memory_space<hbm>>) target(%dma_start3A_278 : memref<80xi32, #tpu.memory_space<vmem>>) target_semaphore(%arg16 : memref<!tpu.dma_semaphore, #tpu.memory_space<semaphore_mem>>)
      } else {
      }
    }
    %scan3A_99 = arith.constant 42 : i32
    %dma_wait3A_100 = arith.constant 0 : i32
    %dma_wait3A_101 = arith.constant 0 : i32
    %dma_wait3A_102 = arith.constant 0 : i32
    %dma_wait3A_103 = arith.constant 0 : i32
    %dma_wait3A_104 = tpu.memref_slice %arg9[%dma_wait3A_100, %dma_wait3A_102, %dma_wait3A_103] : memref<3x80x128xf32, #tpu.memory_space<vmem>> -> memref<1x80x128xf32, #tpu.memory_space<vmem>>
    %dma_wait3A_105 = tpu.memref_squeeze %dma_wait3A_104 : memref<1x80x128xf32, #tpu.memory_space<vmem>> -> memref<80x128xf32, #tpu.memory_space<vmem>>
    %dma_wait3A_106 = arith.constant 0 : i32
    %dma_wait3A_107 = tpu.memref_slice %arg8[%dma_wait3A_101, %dma_wait3A_106] : memref<126x80xi32, #tpu.memory_space<vmem>> -> memref<1x80xi32, #tpu.memory_space<vmem>>
    %dma_wait3A_108 = tpu.memref_squeeze %dma_wait3A_107 : memref<1x80xi32, #tpu.memory_space<vmem>> -> memref<80xi32, #tpu.memory_space<vmem>>
    %dma_wait3A_109 = arith.constant 0 : i32
    %dma_wait3A_110 = arith.constant 0 : i32
    %dma_wait3A_111 = tpu.memref_slice %arg10[%dma_wait3A_109, %dma_wait3A_110] : memref<10240x128xf32, #tpu.memory_space<vmem_shared>> -> memref<10240x128xf32, #tpu.memory_space<vmem_shared>>
    tpu.wait_indirect_dma semaphore(%arg17 : memref<!tpu.dma_semaphore, #tpu.memory_space<semaphore_mem>>) src(%dma_wait3A_105 : memref<80x128xf32, #tpu.memory_space<vmem>>) dst(%dma_wait3A_111 : memref<10240x128xf32, #tpu.memory_space<vmem_shared>>)
    %dma_wait3A_112 = arith.constant 1 : i32
    %dma_wait3A_113 = arith.constant 1 : i32
    %dma_wait3A_114 = arith.constant 0 : i32
    %dma_wait3A_115 = arith.constant 0 : i32
    %dma_wait3A_116 = tpu.memref_slice %arg9[%dma_wait3A_112, %dma_wait3A_114, %dma_wait3A_115] : memref<3x80x128xf32, #tpu.memory_space<vmem>> -> memref<1x80x128xf32, #tpu.memory_space<vmem>>
    %dma_wait3A_117 = tpu.memref_squeeze %dma_wait3A_116 : memref<1x80x128xf32, #tpu.memory_space<vmem>> -> memref<80x128xf32, #tpu.memory_space<vmem>>
    %dma_wait3A_118 = arith.constant 0 : i32
    %dma_wait3A_119 = tpu.memref_slice %arg8[%dma_wait3A_113, %dma_wait3A_118] : memref<126x80xi32, #tpu.memory_space<vmem>> -> memref<1x80xi32, #tpu.memory_space<vmem>>
    %dma_wait3A_120 = tpu.memref_squeeze %dma_wait3A_119 : memref<1x80xi32, #tpu.memory_space<vmem>> -> memref<80xi32, #tpu.memory_space<vmem>>
    %dma_wait3A_121 = arith.constant 0 : i32
    %dma_wait3A_122 = arith.constant 0 : i32
    %dma_wait3A_123 = tpu.memref_slice %arg10[%dma_wait3A_121, %dma_wait3A_122] : memref<10240x128xf32, #tpu.memory_space<vmem_shared>> -> memref<10240x128xf32, #tpu.memory_space<vmem_shared>>
    tpu.wait_indirect_dma semaphore(%arg18 : memref<!tpu.dma_semaphore, #tpu.memory_space<semaphore_mem>>) src(%dma_wait3A_117 : memref<80x128xf32, #tpu.memory_space<vmem>>) dst(%dma_wait3A_123 : memref<10240x128xf32, #tpu.memory_space<vmem_shared>>)
    %dma_wait3A_124 = arith.constant 2 : i32
    %dma_wait3A_125 = arith.constant 2 : i32
    %dma_wait3A_126 = arith.constant 0 : i32
    %dma_wait3A_127 = arith.constant 0 : i32
    %dma_wait3A_128 = tpu.memref_slice %arg9[%dma_wait3A_124, %dma_wait3A_126, %dma_wait3A_127] : memref<3x80x128xf32, #tpu.memory_space<vmem>> -> memref<1x80x128xf32, #tpu.memory_space<vmem>>
    %dma_wait3A_129 = tpu.memref_squeeze %dma_wait3A_128 : memref<1x80x128xf32, #tpu.memory_space<vmem>> -> memref<80x128xf32, #tpu.memory_space<vmem>>
    %dma_wait3A_130 = arith.constant 0 : i32
    %dma_wait3A_131 = tpu.memref_slice %arg8[%dma_wait3A_125, %dma_wait3A_130] : memref<126x80xi32, #tpu.memory_space<vmem>> -> memref<1x80xi32, #tpu.memory_space<vmem>>
    %dma_wait3A_132 = tpu.memref_squeeze %dma_wait3A_131 : memref<1x80xi32, #tpu.memory_space<vmem>> -> memref<80xi32, #tpu.memory_space<vmem>>
    %dma_wait3A_133 = arith.constant 0 : i32
    %dma_wait3A_134 = arith.constant 0 : i32
    %dma_wait3A_135 = tpu.memref_slice %arg10[%dma_wait3A_133, %dma_wait3A_134] : memref<10240x128xf32, #tpu.memory_space<vmem_shared>> -> memref<10240x128xf32, #tpu.memory_space<vmem_shared>>
    tpu.wait_indirect_dma semaphore(%arg19 : memref<!tpu.dma_semaphore, #tpu.memory_space<semaphore_mem>>) src(%dma_wait3A_129 : memref<80x128xf32, #tpu.memory_space<vmem>>) dst(%dma_wait3A_135 : memref<10240x128xf32, #tpu.memory_space<vmem_shared>>)
    %barrier3A_136 = arith.constant 0 : index
    tpu.barrier barrier_id(%barrier3A_136)
    %mul3A_137 = arith.constant 640 : i32
    %mul3A_138 = arith.muli %arg1, %mul3A_137 : i32
    %mul3A_139 = arith.constant 640 : i32
    %mul3A_140 = arith.muli %arg1, %mul3A_139 : i32
    "tpu.region"() ({
      %run_scoped3A = tpu.sem_alloc : memref<!tpu.dma_semaphore, #tpu.memory_space<semaphore_mem>>
      %dma_start3A_141 = arith.constant 0 : i32
      %dma_start3A_142 = tpu.memref_slice %arg6[%arg0, %mul3A_140, %dma_start3A_141] : memref<2x10240x128xf32, #tpu.memory_space<hbm>> -> memref<1x640x128xf32, #tpu.memory_space<hbm>>
      %dma_start3A_143 = tpu.memref_squeeze %dma_start3A_142 : memref<1x640x128xf32, #tpu.memory_space<hbm>> -> memref<640x128xf32, #tpu.memory_space<hbm>>
      %dma_start3A_144 = arith.constant 0 : i32
      %dma_start3A_145 = tpu.memref_slice %arg10[%mul3A_138, %dma_start3A_144] : memref<10240x128xf32, #tpu.memory_space<vmem_shared>> -> memref<640x128xf32, #tpu.memory_space<vmem_shared>>
      tpu.enqueue_dma source(%dma_start3A_145 : memref<640x128xf32, #tpu.memory_space<vmem_shared>>) target(%dma_start3A_143 : memref<640x128xf32, #tpu.memory_space<hbm>>) target_semaphore(%run_scoped3A : memref<!tpu.dma_semaphore, #tpu.memory_space<semaphore_mem>>)
      %dma_wait3A_146 = arith.constant 0 : i32
      %dma_wait3A_147 = tpu.memref_slice %arg6[%arg0, %mul3A_140, %dma_wait3A_146] : memref<2x10240x128xf32, #tpu.memory_space<hbm>> -> memref<1x640x128xf32, #tpu.memory_space<hbm>>
      %dma_wait3A_148 = tpu.memref_squeeze %dma_wait3A_147 : memref<1x640x128xf32, #tpu.memory_space<hbm>> -> memref<640x128xf32, #tpu.memory_space<hbm>>
      %dma_wait3A_149 = arith.constant 0 : i32
      %dma_wait3A_150 = tpu.memref_slice %arg10[%mul3A_138, %dma_wait3A_149] : memref<10240x128xf32, #tpu.memory_space<vmem_shared>> -> memref<640x128xf32, #tpu.memory_space<vmem_shared>>
      tpu.wait_dma2 semaphore(%run_scoped3A : memref<!tpu.dma_semaphore, #tpu.memory_space<semaphore_mem>>) src(%dma_wait3A_150 : memref<640x128xf32, #tpu.memory_space<vmem_shared>>) dst(%dma_wait3A_148 : memref<640x128xf32, #tpu.memory_space<hbm>>)
      tpu.yield
    }) : () -> ()
    return
  }
}

module attributes {stable_mosaic.version = 14 : i64} {
  func.func @_tc_first_body(%arg0: i32, %arg1: memref<512x128xf32, #tpu.memory_space<vmem>>, %arg2: memref<128x128xf32, #tpu.memory_space<vmem>>, %arg3: memref<2x512x128xf32, #tpu.memory_space<vmem>>, %arg4: memref<512x128xf32, #tpu.memory_space<vmem>>) attributes {dimension_semantics = [#tpu.dimension_semantics<arbitrary>], iteration_bounds = array<i64: 20>, scalar_prefetch = 0 : i64, scratch_operands = 0 : i64, tpu.core_type = #tpu.core_type<tc>, window_params = [{transform_indices = @transform_0, window_bounds = array<i64: 512, 128>}, {pipeline_mode = #tpu.pipeline_mode<synchronous>, transform_indices = @transform_1, window_bounds = array<i64: 128, 128>}, {transform_indices = @transform_2, window_bounds = array<i64: 2, 512, 128>}, {transform_indices = @transform_3, window_bounds = array<i64: 512, 128>}]} {
    %get3A = arith.constant 0 : index
    %get3A_0 = arith.constant 0 : index
    %get3A_1 = arith.constant 0 : index
    %get3A_2 = vector.load %arg3[%get3A, %get3A_0, %get3A_1] : memref<2x512x128xf32, #tpu.memory_space<vmem>>, vector<2x512x128xf32>
    %slice3A = vector.extract_strided_slice %get3A_2 {offsets = [0, 0, 0], sizes = [1, 512, 1], strides = [1, 1, 1]} : vector<2x512x128xf32> to vector<1x512x1xf32>
    %squeeze3A = vector.shape_cast %slice3A : vector<1x512x1xf32> to vector<512x1xf32>
    %slice3A_3 = vector.extract_strided_slice %get3A_2 {offsets = [1, 0, 0], sizes = [1, 512, 1], strides = [1, 1, 1]} : vector<2x512x128xf32> to vector<1x512x1xf32>
    %squeeze3A_4 = vector.shape_cast %slice3A_3 : vector<1x512x1xf32> to vector<512x1xf32>
    %add3A = arith.addf %squeeze3A, %squeeze3A_4 : vector<512x1xf32>
    %add3A_5 = arith.constant 1.000000e+00 : f32
    %add3A_6 = vector.broadcast %add3A_5 : f32 to vector<512x1xf32>
    %add3A_7 = arith.addf %add3A, %add3A_6 : vector<512x1xf32>
    %rsqrt3A = math.rsqrt %add3A_7 : vector<512x1xf32>
    %get3A_8 = arith.constant 0 : index
    %get3A_9 = arith.constant 0 : index
    %get3A_10 = vector.load %arg1[%get3A_8, %get3A_9] : memref<512x128xf32, #tpu.memory_space<vmem>>, vector<512x128xf32>
    %get3A_11 = arith.constant 0 : index
    %get3A_12 = arith.constant 0 : index
    %get3A_13 = vector.load %arg2[%get3A_11, %get3A_12] : memref<128x128xf32, #tpu.memory_space<vmem>>, vector<128x128xf32>
    %dot_general3A = arith.constant dense<0.000000e+00> : vector<512x128xf32>
    %dot_general3A_14 = tpu.matmul %get3A_10, %get3A_13, %dot_general3A {dimension_numbers = #tpu.dot_dimension_numbers<[1], [0], [0], [1], [0, 0, 1, 1], [], []>, transpose_lhs_hint = false} : vector<512x128xf32>, vector<128x128xf32>, vector<512x128xf32> -> vector<512x128xf32>
    %mul3A = vector.broadcast %rsqrt3A : vector<512x1xf32> to vector<512x128xf32>
    %mul3A_15 = arith.mulf %dot_general3A_14, %mul3A : vector<512x128xf32>
    %swap3A = arith.constant 0 : index
    %swap3A_16 = arith.constant 0 : index
    %swap3A_17 = vector.load %arg4[%swap3A, %swap3A_16] : memref<512x128xf32, #tpu.memory_space<vmem>>, vector<512x128xf32>
    tpu.vector_store %arg4[%swap3A, %swap3A_16], %mul3A_15 {strides = array<i32>} : memref<512x128xf32, #tpu.memory_space<vmem>>, vector<512x128xf32>,
    return
  }
  func.func @transform_0(%arg0: i32) -> (i32, i32) {
    %c0_i32 = arith.constant 0 : i32
    %c0_i32_0 = arith.constant 0 : i32
    return %arg0, %c0_i32 : i32, i32
  }
  func.func @transform_1(%arg0: i32) -> (i32, i32) {
    %c0_i32 = arith.constant 0 : i32
    %c0_i32_0 = arith.constant 0 : i32
    %c0_i32_1 = arith.constant 0 : i32
    return %c0_i32, %c0_i32_0 : i32, i32
  }
  func.func @transform_2(%arg0: i32) -> (i32, i32, i32) {
    %c0_i32 = arith.constant 0 : i32
    %c0_i32_0 = arith.constant 0 : i32
    %c0_i32_1 = arith.constant 0 : i32
    return %c0_i32, %arg0, %c0_i32_0 : i32, i32, i32
  }
  func.func @transform_3(%arg0: i32) -> (i32, i32) {
    %c0_i32 = arith.constant 0 : i32
    %c0_i32_0 = arith.constant 0 : i32
    return %arg0, %c0_i32 : i32, i32
  }
}

module attributes {stable_mosaic.version = 14 : i64} {
  func.func @_tc_mid_body(%arg0: i32, %arg1: memref<2x512x128xf32, #tpu.memory_space<vmem>>, %arg2: memref<512x128xf32, #tpu.memory_space<vmem>>, %arg3: memref<2x512x128xf32, #tpu.memory_space<vmem>>, %arg4: memref<1x128xf32, #tpu.memory_space<vmem>>, %arg5: memref<128x128xf32, #tpu.memory_space<vmem>>, %arg6: memref<512x128xf32, #tpu.memory_space<vmem>>) attributes {dimension_semantics = [#tpu.dimension_semantics<arbitrary>], iteration_bounds = array<i64: 20>, scalar_prefetch = 0 : i64, scratch_operands = 0 : i64, tpu.core_type = #tpu.core_type<tc>, window_params = [{transform_indices = @transform_0, window_bounds = array<i64: 2, 512, 128>}, {transform_indices = @transform_1, window_bounds = array<i64: 512, 128>}, {transform_indices = @transform_2, window_bounds = array<i64: 2, 512, 128>}, {pipeline_mode = #tpu.pipeline_mode<synchronous>, transform_indices = @transform_3, window_bounds = array<i64: 1, 128>}, {pipeline_mode = #tpu.pipeline_mode<synchronous>, transform_indices = @transform_4, window_bounds = array<i64: 128, 128>}, {transform_indices = @transform_5, window_bounds = array<i64: 512, 128>}]} {
    %get3A = arith.constant 0 : index
    %get3A_0 = arith.constant 0 : index
    %get3A_1 = arith.constant 0 : index
    %get3A_2 = vector.load %arg3[%get3A, %get3A_0, %get3A_1] : memref<2x512x128xf32, #tpu.memory_space<vmem>>, vector<2x512x128xf32>
    %slice3A = vector.extract_strided_slice %get3A_2 {offsets = [0, 0, 0], sizes = [1, 512, 1], strides = [1, 1, 1]} : vector<2x512x128xf32> to vector<1x512x1xf32>
    %squeeze3A = vector.shape_cast %slice3A : vector<1x512x1xf32> to vector<512x1xf32>
    %slice3A_3 = vector.extract_strided_slice %get3A_2 {offsets = [1, 0, 0], sizes = [1, 512, 1], strides = [1, 1, 1]} : vector<2x512x128xf32> to vector<1x512x1xf32>
    %squeeze3A_4 = vector.shape_cast %slice3A_3 : vector<1x512x1xf32> to vector<512x1xf32>
    %add3A = arith.addf %squeeze3A, %squeeze3A_4 : vector<512x1xf32>
    %add3A_5 = arith.constant 1.000000e+00 : f32
    %add3A_6 = vector.broadcast %add3A_5 : f32 to vector<512x1xf32>
    %add3A_7 = arith.addf %add3A, %add3A_6 : vector<512x1xf32>
    %rsqrt3A = math.rsqrt %add3A_7 : vector<512x1xf32>
    %get3A_8 = arith.constant 0 : index
    %get3A_9 = arith.constant 0 : index
    %get3A_10 = arith.constant 0 : index
    %get3A_11 = vector.load %arg1[%get3A_8, %get3A_9, %get3A_10] : memref<2x512x128xf32, #tpu.memory_space<vmem>>, vector<2x512x128xf32>
    %slice3A_12 = vector.extract_strided_slice %get3A_11 {offsets = [0, 0, 0], sizes = [1, 512, 128], strides = [1, 1, 1]} : vector<2x512x128xf32> to vector<1x512x128xf32>
    %squeeze3A_13 = vector.shape_cast %slice3A_12 : vector<1x512x128xf32> to vector<512x128xf32>
    %slice3A_14 = vector.extract_strided_slice %get3A_11 {offsets = [1, 0, 0], sizes = [1, 512, 128], strides = [1, 1, 1]} : vector<2x512x128xf32> to vector<1x512x128xf32>
    %squeeze3A_15 = vector.shape_cast %slice3A_14 : vector<1x512x128xf32> to vector<512x128xf32>
    %add3A_16 = arith.addf %squeeze3A_13, %squeeze3A_15 : vector<512x128xf32>
    %get3A_17 = arith.constant 0 : index
    %get3A_18 = arith.constant 0 : index
    %get3A_19 = vector.load %arg2[%get3A_17, %get3A_18] : memref<512x128xf32, #tpu.memory_space<vmem>>, vector<512x128xf32>
    %add3A_20 = arith.addf %add3A_16, %get3A_19 : vector<512x128xf32>
    %mul3A = vector.broadcast %rsqrt3A : vector<512x1xf32> to vector<512x128xf32>
    %mul3A_21 = arith.mulf %add3A_20, %mul3A : vector<512x128xf32>
    %get3A_22 = arith.constant 0 : index
    %get3A_23 = arith.constant 0 : index
    %get3A_24 = vector.load %arg4[%get3A_22, %get3A_23] : memref<1x128xf32, #tpu.memory_space<vmem>>, vector<1x128xf32>
    %add3A_25 = vector.broadcast %get3A_24 : vector<1x128xf32> to vector<512x128xf32>
    %add3A_26 = arith.addf %mul3A_21, %add3A_25 : vector<512x128xf32>
    %tanh3A = math.tanh %add3A_26 : vector<512x128xf32>
    %get3A_27 = arith.constant 0 : index
    %get3A_28 = arith.constant 0 : index
    %get3A_29 = vector.load %arg5[%get3A_27, %get3A_28] : memref<128x128xf32, #tpu.memory_space<vmem>>, vector<128x128xf32>
    %dot_general3A = arith.constant dense<0.000000e+00> : vector<512x128xf32>
    %dot_general3A_30 = tpu.matmul %tanh3A, %get3A_29, %dot_general3A {dimension_numbers = #tpu.dot_dimension_numbers<[1], [0], [0], [1], [0, 0, 1, 1], [], []>, transpose_lhs_hint = false} : vector<512x128xf32>, vector<128x128xf32>, vector<512x128xf32> -> vector<512x128xf32>
    %mul3A_31 = vector.broadcast %rsqrt3A : vector<512x1xf32> to vector<512x128xf32>
    %mul3A_32 = arith.mulf %dot_general3A_30, %mul3A_31 : vector<512x128xf32>
    %swap3A = arith.constant 0 : index
    %swap3A_33 = arith.constant 0 : index
    %swap3A_34 = vector.load %arg6[%swap3A, %swap3A_33] : memref<512x128xf32, #tpu.memory_space<vmem>>, vector<512x128xf32>
    tpu.vector_store %arg6[%swap3A, %swap3A_33], %mul3A_32 {strides = array<i32>} : memref<512x128xf32, #tpu.memory_space<vmem>>, vector<512x128xf32>,
    return
  }
  func.func @transform_0(%arg0: i32) -> (i32, i32, i32) {
    %c0_i32 = arith.constant 0 : i32
    %c0_i32_0 = arith.constant 0 : i32
    %c0_i32_1 = arith.constant 0 : i32
    return %c0_i32, %arg0, %c0_i32_0 : i32, i32, i32
  }
  func.func @transform_1(%arg0: i32) -> (i32, i32) {
    %c0_i32 = arith.constant 0 : i32
    %c0_i32_0 = arith.constant 0 : i32
    return %arg0, %c0_i32 : i32, i32
  }
  func.func @transform_2(%arg0: i32) -> (i32, i32, i32) {
    %c0_i32 = arith.constant 0 : i32
    %c0_i32_0 = arith.constant 0 : i32
    %c0_i32_1 = arith.constant 0 : i32
    return %c0_i32, %arg0, %c0_i32_0 : i32, i32, i32
  }
  func.func @transform_3(%arg0: i32) -> (i32, i32) {
    %c0_i32 = arith.constant 0 : i32
    %c0_i32_0 = arith.constant 0 : i32
    %c0_i32_1 = arith.constant 0 : i32
    return %c0_i32, %c0_i32_0 : i32, i32
  }
  func.func @transform_4(%arg0: i32) -> (i32, i32) {
    %c0_i32 = arith.constant 0 : i32
    %c0_i32_0 = arith.constant 0 : i32
    %c0_i32_1 = arith.constant 0 : i32
    return %c0_i32, %c0_i32_0 : i32, i32
  }
  func.func @transform_5(%arg0: i32) -> (i32, i32) {
    %c0_i32 = arith.constant 0 : i32
    %c0_i32_0 = arith.constant 0 : i32
    return %arg0, %c0_i32 : i32, i32
  }
}

module attributes {stable_mosaic.version = 14 : i64} {
  func.func @_tc_last_body(%arg0: i32, %arg1: memref<2x512x128xf32, #tpu.memory_space<vmem>>, %arg2: memref<512x128xf32, #tpu.memory_space<vmem>>, %arg3: memref<2x512x128xf32, #tpu.memory_space<vmem>>, %arg4: memref<1x128xf32, #tpu.memory_space<vmem>>, %arg5: memref<512x128xf32, #tpu.memory_space<vmem>>) attributes {dimension_semantics = [#tpu.dimension_semantics<arbitrary>], iteration_bounds = array<i64: 20>, scalar_prefetch = 0 : i64, scratch_operands = 0 : i64, tpu.core_type = #tpu.core_type<tc>, window_params = [{transform_indices = @transform_0, window_bounds = array<i64: 2, 512, 128>}, {transform_indices = @transform_1, window_bounds = array<i64: 512, 128>}, {transform_indices = @transform_2, window_bounds = array<i64: 2, 512, 128>}, {pipeline_mode = #tpu.pipeline_mode<synchronous>, transform_indices = @transform_3, window_bounds = array<i64: 1, 128>}, {transform_indices = @transform_4, window_bounds = array<i64: 512, 128>}]} {
    %get3A = arith.constant 0 : index
    %get3A_0 = arith.constant 0 : index
    %get3A_1 = arith.constant 0 : index
    %get3A_2 = vector.load %arg3[%get3A, %get3A_0, %get3A_1] : memref<2x512x128xf32, #tpu.memory_space<vmem>>, vector<2x512x128xf32>
    %slice3A = vector.extract_strided_slice %get3A_2 {offsets = [0, 0, 0], sizes = [1, 512, 1], strides = [1, 1, 1]} : vector<2x512x128xf32> to vector<1x512x1xf32>
    %squeeze3A = vector.shape_cast %slice3A : vector<1x512x1xf32> to vector<512x1xf32>
    %slice3A_3 = vector.extract_strided_slice %get3A_2 {offsets = [1, 0, 0], sizes = [1, 512, 1], strides = [1, 1, 1]} : vector<2x512x128xf32> to vector<1x512x1xf32>
    %squeeze3A_4 = vector.shape_cast %slice3A_3 : vector<1x512x1xf32> to vector<512x1xf32>
    %add3A = arith.addf %squeeze3A, %squeeze3A_4 : vector<512x1xf32>
    %add3A_5 = arith.constant 1.000000e+00 : f32
    %add3A_6 = vector.broadcast %add3A_5 : f32 to vector<512x1xf32>
    %add3A_7 = arith.addf %add3A, %add3A_6 : vector<512x1xf32>
    %rsqrt3A = math.rsqrt %add3A_7 : vector<512x1xf32>
    %get3A_8 = arith.constant 0 : index
    %get3A_9 = arith.constant 0 : index
    %get3A_10 = arith.constant 0 : index
    %get3A_11 = vector.load %arg1[%get3A_8, %get3A_9, %get3A_10] : memref<2x512x128xf32, #tpu.memory_space<vmem>>, vector<2x512x128xf32>
    %slice3A_12 = vector.extract_strided_slice %get3A_11 {offsets = [0, 0, 0], sizes = [1, 512, 128], strides = [1, 1, 1]} : vector<2x512x128xf32> to vector<1x512x128xf32>
    %squeeze3A_13 = vector.shape_cast %slice3A_12 : vector<1x512x128xf32> to vector<512x128xf32>
    %slice3A_14 = vector.extract_strided_slice %get3A_11 {offsets = [1, 0, 0], sizes = [1, 512, 128], strides = [1, 1, 1]} : vector<2x512x128xf32> to vector<1x512x128xf32>
    %squeeze3A_15 = vector.shape_cast %slice3A_14 : vector<1x512x128xf32> to vector<512x128xf32>
    %add3A_16 = arith.addf %squeeze3A_13, %squeeze3A_15 : vector<512x128xf32>
    %get3A_17 = arith.constant 0 : index
    %get3A_18 = arith.constant 0 : index
    %get3A_19 = vector.load %arg2[%get3A_17, %get3A_18] : memref<512x128xf32, #tpu.memory_space<vmem>>, vector<512x128xf32>
    %add3A_20 = arith.addf %add3A_16, %get3A_19 : vector<512x128xf32>
    %mul3A = vector.broadcast %rsqrt3A : vector<512x1xf32> to vector<512x128xf32>
    %mul3A_21 = arith.mulf %add3A_20, %mul3A : vector<512x128xf32>
    %get3A_22 = arith.constant 0 : index
    %get3A_23 = arith.constant 0 : index
    %get3A_24 = vector.load %arg4[%get3A_22, %get3A_23] : memref<1x128xf32, #tpu.memory_space<vmem>>, vector<1x128xf32>
    %add3A_25 = vector.broadcast %get3A_24 : vector<1x128xf32> to vector<512x128xf32>
    %add3A_26 = arith.addf %mul3A_21, %add3A_25 : vector<512x128xf32>
    %swap3A = arith.constant 0 : index
    %swap3A_27 = arith.constant 0 : index
    %swap3A_28 = vector.load %arg5[%swap3A, %swap3A_27] : memref<512x128xf32, #tpu.memory_space<vmem>>, vector<512x128xf32>
    tpu.vector_store %arg5[%swap3A, %swap3A_27], %add3A_26 {strides = array<i32>} : memref<512x128xf32, #tpu.memory_space<vmem>>, vector<512x128xf32>,
    return
  }
  func.func @transform_0(%arg0: i32) -> (i32, i32, i32) {
    %c0_i32 = arith.constant 0 : i32
    %c0_i32_0 = arith.constant 0 : i32
    %c0_i32_1 = arith.constant 0 : i32
    return %c0_i32, %arg0, %c0_i32_0 : i32, i32, i32
  }
  func.func @transform_1(%arg0: i32) -> (i32, i32) {
    %c0_i32 = arith.constant 0 : i32
    %c0_i32_0 = arith.constant 0 : i32
    return %arg0, %c0_i32 : i32, i32
  }
  func.func @transform_2(%arg0: i32) -> (i32, i32, i32) {
    %c0_i32 = arith.constant 0 : i32
    %c0_i32_0 = arith.constant 0 : i32
    %c0_i32_1 = arith.constant 0 : i32
    return %c0_i32, %arg0, %c0_i32_0 : i32, i32, i32
  }
  func.func @transform_3(%arg0: i32) -> (i32, i32) {
    %c0_i32 = arith.constant 0 : i32
    %c0_i32_0 = arith.constant 0 : i32
    %c0_i32_1 = arith.constant 0 : i32
    return %c0_i32, %c0_i32_0 : i32, i32
  }
  func.func @transform_4(%arg0: i32) -> (i32, i32) {
    %c0_i32 = arith.constant 0 : i32
    %c0_i32_0 = arith.constant 0 : i32
    return %arg0, %c0_i32 : i32, i32
  }
}

</mosaic_0001>

<sc_bundles>
// kernel: kernel.10.cloned.1.call-start
scs
__scs_entry_jumppad:
0x0: {  	(pc) =	sbr.rel $0x88, $3  }
0x1: {  	(tag) =	ssettag $0x0;
	lr =	simm.s32 $0x1  }
0x2: {  	[smem:$0x3F99] =	sst lr;
	_ =	strace $0xD0000000  }
0x3: {  	_ = 	snop  }
0x4: {  	_ = 	snop  }
0x5: {  	_ = 	snop  }
0x6: {  	_ = 	snop  }
0x7: {  	_ = 	snop  }
__scs_overlays_trampoline_lowered:
0x8: {  	[smem:$0x3FA8] =	sst s0  }
0x9: {  	[smem:$0x3FA9] =	sst s1  }
0xa: {  	[smem:$0x3FAA] =	sst s2  }
0xb: {  	[smem:$0x3FAB] =	sst s3  }
0xc: {  	[smem:$0x3FAC] =	sst s4  }
0xd: {  	[smem:$0x3FAD] =	sst s5  }
0xe: {  	[smem:$0x3FAE] =	sst s6  }
0xf: {  	[smem:$0x3FAF] =	sst s7  }
0x10: {  	[smem:$0x3FB0] =	sst s8  }
0x11: {  	[smem:$0x3FB1] =	sst s9;
	s0 =	simm.s32 @!p0 $0x0  }
0x12: {  	s1 =	sld [smem:$0x3F97];
	s0 =	simm.s32 @p0 $0x1  }
0x13: {  	[smem:$0x3FB2] =	sst s0;
	s0 =	simm.s32 @!p1 $0x0  }
0x14: {  	s2 =	sld [smem:$0x3F96];
	s0 =	simm.s32 @p1 $0x1  }
0x15: {  	[smem:$0x3FB3] =	sst s0;
	s0 =	simm.s32 @!p2 $0x0  }
0x16: {  	s3 =	sld [smem:$0x3FDB];
	s0 =	simm.s32 @p2 $0x1  }
0x17: {  	s4 =	simm.s32 $0x1BF5;
	[smem:$0x3FB5] =	sst s0  }
0x18: {  	s0 =	sld [smem:$0x3F98];
	_ =	swait.ge [sflag:s4], $0x0  }
0x19: {  	s7 =	sld [smem:$0x3F99]  }
0x1a: {  	s8 =	sadd.s32 $0xFFFFE003, lr  }
0x1b: {  	s9 =	sadd.s32 $0xFFFFFEF7, lr;
	s5 =	simm.s32 $0xFFFFFFFF;
	p2 =	slt.u32 s8, $0xFFFFF086  }
0x1c: {  	p1 =	slt.u32 s9, $0xF7A;
	s5 =	simm.s32 @!p2 $0x0  }
0x1d: {  	s5 =	simm.s32 @p1 $0x1;
	p0 =	seq.s32 s7, s2  }
0x1e: {  	s7 =	smul.u32 @!p0 $0xF7A, s2;
	p2 =	seq.s32 @!p0 s5, $0x0  }
0x1f: {  	s9 =	smul.u32 $0xF7A, s1;
	s8 =	simm.s32 @!p0 $0x1BF5;
	p2 =	por !p2, p0  }
0x20: {  	[sflag:s8] =	ssyncset.s32 @!p0 $0xFFFFF086;
	s6 =	sadd.s32 @!p0 s3, s7;
	s7 =	simm.s32 @!p0 $0x108  }
0x21: {  	s3 =	sadd.s32 s3, s9;
	s6 =	sadd.s32 @!p0 $0x88, s6;
	s7 =	simm.s32 @p2 $0x1082  }
0x22: {  	[simem:s7], [sflag:s8] =	dma.local @!p0 [hbm:s6], $0xF7A  }
0x23: {  	s9 =	sor.u32 $0xD0000000, s2;
	s6 =	simm.s32 $0x108;
	_ =	swait.ge @!p0 [sflag:s8], $0x0  }
0x24: {  	s3 =	sadd.s32 $0x88, s3;
	s6 =	simm.s32 @!p1 $0x1082;
	[sflag:s4] =	ssyncset.s32 $0xFFFFF086  }
0x25: {  	[simem:s6], [sflag:s4] =	dma.local [hbm:s3], $0xF7A  }
0x26: {  	[smem:$0x3F99] =	sst s1;
	(tag) =	ssettag s2;
	_ =	strace s9  }
0x27: {  	s1 =	sld [smem:$0x3FA9]  }
0x28: {  	s2 =	sld [smem:$0x3FAA]  }
0x29: {  	s4 =	sld [smem:$0x3FAC]  }
0x2a: {  	p0 =	seq.s32 s5, $0x0;
	s5 =	sld [smem:$0x3FAD]  }
0x2b: {  	s6 =	sld [smem:$0x3FAE]  }
0x2c: {  	s7 =	sld [smem:$0x3FAF]  }
0x2d: {  	s3 =	simm.s32 $0x108;
	s8 =	sld [smem:$0x3FB0]  }
0x2e: {  	s3 =	simm.s32 @!p0 $0x1082;
	s9 =	sld [smem:$0x3FB1]  }
0x2f: {  	lr =	sadd.s32 s0, s3;
	s0 =	sld [smem:$0x3FA8]  }
0x30: {  	s3 =	sld [smem:$0x3FAB]  }
0x31: {  	[smem:$0x3FB4] =	sst s10  }
0x32: {  	s10 =	sld [smem:$0x3FB2];
	_ =	sdelay $0x3  }
0x33: {  	p0 =	seq.s32 s10, $0x1;
	s10 =	sld [smem:$0x3FB4];
	_ =	sdelay $0x3  }
0x34: {  	[smem:$0x3FB4] =	sst s10  }
0x35: {  	s10 =	sld [smem:$0x3FB3];
	_ =	sdelay $0x3  }
0x36: {  	p1 =	seq.s32 s10, $0x1;
	s10 =	sld [smem:$0x3FB4];
	_ =	sdelay $0x3  }
0x37: {  	[smem:$0x3FB4] =	sst s10  }
0x38: {  	s10 =	sld [smem:$0x3FB5]  }
0x39: {  	_ = 	snop;
	(pc) =	sbr.ind lr, $3  }
0x3a: {  	_ = 	snop  }
0x3b: {  	_ = 	snop  }
0x3c: {  	p2 =	seq.s32 s10, $0x1;
	s10 =	sld [smem:$0x3FB4]  }
0x3d: {  	_ =	shalt  }
0x3e: {  	_ =	shalt  }
0x3f: {  	_ =	shalt  }
0x40: {  	_ =	shalt  }
0x41: {  	_ =	shalt  }
0x42: {  	_ =	shalt  }
0x43: {  	_ =	shalt  }
0x44: {  	_ =	shalt  }
0x45: {  	_ =	shalt  }
0x46: {  	_ =	shalt  }
0x47: {  	_ =	shalt  }
0x48: {  	_ =	shalt  }
0x49: {  	_ =	shalt  }
0x4a: {  	_ =	shalt  }
0x4b: {  	_ =	shalt  }
0x4c: {  	_ =	shalt  }
0x4d: {  	_ =	shalt  }
0x4e: {  	_ =	shalt  }
0x4f: {  	_ =	shalt  }
0x50: {  	_ =	shalt  }
0x51: {  	_ =	shalt  }
0x52: {  	_ =	shalt  }
0x53: {  	_ =	shalt  }
0x54: {  	_ =	shalt  }
0x55: {  	_ =	shalt  }
0x56: {  	_ =	shalt  }
0x57: {  	_ =	shalt  }
0x58: {  	_ =	shalt  }
0x59: {  	_ =	shalt  }
0x5a: {  	_ =	shalt  }
0x5b: {  	_ =	shalt  }
0x5c: {  	_ =	shalt  }
0x5d: {  	_ =	shalt  }
0x5e: {  	_ =	shalt  }
0x5f: {  	_ =	shalt  }
0x60: {  	_ =	shalt  }
0x61: {  	_ =	shalt  }
0x62: {  	_ =	shalt  }
0x63: {  	_ =	shalt  }
0x64: {  	_ =	shalt  }
0x65: {  	_ =	shalt  }
0x66: {  	_ =	shalt  }
0x67: {  	_ =	shalt  }
0x68: {  	_ =	shalt  }
0x69: {  	_ =	shalt  }
0x6a: {  	_ =	shalt  }
0x6b: {  	_ =	shalt  }
0x6c: {  	_ =	shalt  }
0x6d: {  	_ =	shalt  }
0x6e: {  	_ =	shalt  }
0x6f: {  	_ =	shalt  }
0x70: {  	_ =	shalt  }
0x71: {  	_ =	shalt  }
0x72: {  	_ =	shalt  }
0x73: {  	_ =	shalt  }
0x74: {  	_ =	shalt  }
0x75: {  	_ =	shalt  }
0x76: {  	_ =	shalt  }
0x77: {  	_ =	shalt  }
0x78: {  	_ =	shalt  }
0x79: {  	_ =	shalt  }
0x7a: {  	_ =	shalt  }
0x7b: {  	_ =	shalt  }
0x7c: {  	_ =	shalt  }
0x7d: {  	_ =	shalt  }
0x7e: {  	_ =	shalt  }
0x7f: {  	_ =	shalt  }
0x80: {  	_ =	shalt  }
0x81: {  	_ =	shalt  }
0x82: {  	_ =	shalt  }
0x83: {  	_ =	shalt  }
0x84: {  	_ =	shalt  }
0x85: {  	_ =	shalt  }
0x86: {  	_ =	shalt  }
0x87: {  	_ =	shalt  }
.Lfunc_end0:
.L_simem_size_0:
called_computation_lowered:
.L_overlay_start_0:
0x88: {  	s2 =	sld [smem:$0x3FD9]  }
0x89: {  	s3 =	sld [smem:$0x3FFE];
	_ =	sdelay $0x1  }
0x8a: {  	s1 =	srdreg.scid  }
0x8b: {  	s0 =	sand.u32 $0x1, s1  }
0x8c: {  	s17 =	sshll.u32 s0, $0xA;
	s2 =	sadd.s32 s3, s2  }
0x8d: {  	s2 =	sadd.s32 s2, s17  }
0x8e: {  	[smem:$0x3FC0] =	sst s2  }
0x8f: {  	_ = 	snop  }
0x90: {  	s2 =	sld [smem:$0x3FD0];
	(tm) =	ssettm $0x1  }
0x91: {  	s18 =	sld [smem:$0x3FFB];
	_ =	sdelay $0x3  }
0x92: {  	_ =	strace s18  }
0x93: {  	s3 =	sld [smem:$0x3FFC];
	_ =	sdelay $0x3  }
0x94: {  	_ =	strace s3  }
0x95: {  	s3 =	sld [smem:$0x3FFD];
	_ =	sdelay $0x3  }
0x96: {  	_ =	strace s3  }
0x97: {  	_ =	strace $0x8FFFFFFF  }
0x98: {  	s19 =	sld [smem:$0x3FDB];
	_ =	sdelay $0x1  }
0x99: {  	s4 =	simm.s32 $_scs_section_size  }
0x9a: {  	s5 =	simm.s32 $_size__tile_overlayer_lowered;
	s6 =	simm.s32 $_tile_overlayer_lowered  }
0x9b: {  	s22 =	simm.s32 $0x1BFF;
	s21 =	sshll.u32 s6, $0x1;
	s3 =	sadd.s32 s4, s19  }
0x9c: {  	s7 =	simm.s32 $0x0;
	s20 =	sshll.u32 s5, $0x1;
	s5 =	sadd.s32 s21, s3  }
0x9d: {  	[timem:s7], [sflag:s22] =	dma.local [hbm:s5], s20  }
0x9e: {  	_ =	swait.ge [sflag:s22], s20  }
0x9f: {  	s4 =	ssub.s32 $0x0, s20;
	[sflag:s22] =	ssyncset.done $0x0  }
0xa0: {  	[sflag:s22] =	ssyncadd.s32 s4;
	_ =	sdelay $0x1  }
0xa1: {  	s23 =	simm.s32 $0x1B8B  }
0xa2: {  	_ =	swait.ge [sflag:s23], $0x1  }
0xa3: {  	[sflag:s23] =	ssyncset.done $0x0  }
0xa4: {  	s25 =	simm.s32 $0x1B8E;
	s24 =	sld [smem:$0x3FFE];
	[sflag:s23] =	ssyncadd.s32 $0xFFFFFFFF  }
0xa5: {  	s26 =	simm.s32 $execute0_lowered;
	[smem:$0x3FD2] =	sst s25  }
0xa6: {  	s5 =	sshll.u32 s26, $0x1;
	_ =	strace $0x80000046;
	[dreg:$0x1] =	wrdreg $0xFFFFFFFF  }
0xa7: {  	s28 =	simm.s32 $_size_execute0_lowered;
	s3 =	sadd.s32 s3, s5;
	[dreg:$0x0] =	wrdreg $0x0  }
0xa8: {  	s5 =	sshll.u32 s28, $0x1;
	[dreg:$0x2] =	wrdreg s3  }
0xa9: {  	[dreg:$0x3] =	wrdreg s5  }
0xaa: {  	[dreg:$0x4] =	wrdreg $0xC0  }
0xab: {  	_ =	task [dreg:s7], $0x5FFFF  }
0xac: {  	[dreg:$0x1] =	wrdreg $0xFFFFFFFF  }
0xad: {  	[dreg:$0x0] =	wrdreg $0x60  }
0xae: {  	[dreg:$0x2] =	wrdreg s2  }
0xaf: {  	[dreg:$0x3] =	wrdreg s24  }
0xb0: {  	[dreg:$0x4] =	wrdreg $0x68000  }
0xb1: {  	[dreg:$0x5] =	wrdreg $0x9  }
0xb2: {  	_ =	task.clear_ibuf [dreg:s7], $0x6FFFF;
	_ =	strace $0x90000046  }
0xb3: {  	s29 =	simm.s32 $0x9;
	_ =	strace $0x80000048  }
0xb4: {  	_ =	swait.ge [sflag:s29], $0x1  }
0xb5: {  	[sflag:s29] =	ssyncadd.s32 $0xFFFFFFFF  }
0xb6: {  	_ =	strace $0x90000048  }
0xb7: {  	_ =	sfence  }
0xb8: {  	s30 =	sld [smem:$0x0];
	_ =	sdelay $0x2  }
0xb9: {  	s31 =	sshll.u32 s1, $0xD;
	s1 =	sshrl.u32 s1, $0x2  }
0xba: {  	s3 =	sand.u32 $0x4000, s31;
	s1 =	sadd.s32 s1, s30  }
0xbb: {  	s0 =	sor.u32 s3, s0;
	s1 =	sshll.u32 s1, $0x11  }
0xbc: {  	s0 =	sor.u32 s1, s0  }
0xbd: {  	s0 =	sadd.s32 $0x8F2B, s0  }
0xbe: {  	[sflag:s0] =	ssyncadd.remote.s32 $0x1  }
0xbf: {  	_ =	sfence.sel $0xFFFF  }
0xc0: {  	[dreg:$0x0] =	wrdreg $0xFFFFFFFF;
	(pc) =	sbr.abs _section_cstart, $3  }
0xc1: {  	[dreg:$0x1] =	wrdreg $0xFFFFFFFF  }
0xc2: {  	_ =	task.clear_ibuf [dreg:s7], $0x2FFFF;
	_ =	strace $0x9FFFFFFF  }
0xc3: {  	(tm) =	ssettm $0x7FFFFFFF  }
tec
execute0_lowered:
.L_overlay_start_1:
0x0: {  	(tag) =	ssettag $0x1  }
0x1: {  	s6 =	rddreg [dreg:$0x0]  }
0x2: {  	s7 =	rddreg [dreg:$0x1];
	s0 =	srdreg.scid  }
0x3: {  	s2 =	rddreg [dreg:$0x2];
	s1 =	stileid.u32  }
0x4: {  	s3 =	simm.s32 $0x0;
	s13 =	simm.s32 $0x50;
	s14 =	simm.s32 $0x80  }
0x5: {  	s15 =	simm.s32 $0x100;
	s16 =	simm.s32 $0x1;
	s17 =	simm.s32 $0x2  }
0x6: {  	s18 =	simm.s32 $0x3;
	s8 =	sand.u32 $0x1, s0;
	s0 =	rddreg [dreg:$0x3]  }
0x7: {  	s19 =	simm.s32 $0x0;
	s9 =	smul.u32 $0x14000, s1;
	[smem:$0x7FF] =	sst s3  }
0x8: {  	s4 =	sadd.s32 $0x3600, s7;
	s11 =	smul.u32 $0x50000, s1;
	s30 =	sshll.u32 s1, $0xB  }
0x9: {  	s31 =	sshll.u32 s1, $0x6;
	s5 =	smul.u32 $0x140000, s8;
	_ =	strace $0x80000047  }
0xa: {  	s10 =	ssub.s32 $0x2, s8;
	s8 =	sshll.u32 s8, $0xF;
	s6 =	sadd.s32 s6, s30  }
0xb: {  	s28 =	sshrl.u32 s10, $0x1;
	s29 =	sshrl.u32 s11, $0x2;
	s6 =	sadd.s32 s8, s6  }
0xc: {  	s11 =	sor.u32 $0x1C04, s31;
	s5 =	sadd.s32 s9, s5;
	s12 =	sadd.s32 s29, s2  }
0xd: {  	s9 =	sshrl.u32 s5, $0x3;
	s5 =	sadd.s32 $0x3000, s7;
	s12 =	sshrl.u32 s12, $0x3  }
0xe: {  	s7 =	sadd.s32 s9, s7;
	s9 =	ssub.s32 s10, s28;
	s10 =	simm.s32 $0x4  }
0xf: {  	s7 =	sadd.s32 $0x5E00, s7;
	s8 =	smax.u32 s9, $0x1;
	s9 =	simm.s32 $0x4000  }
.LBB2_1:
0x10: {  	[tilespmem:s9], [sflag:$0x4] =	stream.linear.gather [hbm4b:s5+s3], $0x2800, $0x38;
	[tilespmem:$0x1A800] =	vst v63  }
0x11: {  	_ =	swait.ge [sflag:s10], $0x2800  }
0x12: {  	[sflag:s10] =	ssyncset.done $0x0  }
0x13: {  	[sflag:s10] =	ssyncadd.s32 $0xFFFFD800  }
0x14: {  	[spmem:s12], [sflag:s11] =	dma.local [hbm:s4], $0x2800  }
0x15: {  	_ =	swait.ge [sflag:s10], $0x2800  }
0x16: {  	[sflag:s10] =	ssyncset.done $0x0  }
0x17: {  	[sflag:s10] =	ssyncadd.s32 $0xFFFFD800  }
0x18: {  	[tilespmem:s3], [sflag:$0x4] =	stream.linear.gather [hbm4b:s6+s3], $0x3F00, $0x38;
	[tilespmem:$0x1A800] =	vst v63  }
0x19: {  	_ =	swait.ge [sflag:s10], $0x3F00  }
0x1a: {  	[sflag:s10] =	ssyncset.done $0x0  }
0x1b: {  	[sflag:s10] =	ssyncadd.s32 $0xFFFFC100  }
0x1c: {  	[bflag:$0x0] =	sbarrier.arrive $0xFFFF  }
0x1d: {  	[spmem:s2] =	stream.indirect.scatter.add.f32 [tilespmem:s9], [sflag:$0x1], $0x80, s3, s13, $0xb8;
	[tilespmem:$0x1A800] =	vst v63  }
0x1e: {  	_ = 	snop  }
0x1f: {  	[spmem:s2] =	stream.indirect.scatter.add.f32 [tilespmem:s9], [sflag:$0x2], $0x80, s14, s13, $0xb8;
	[tilespmem:$0x1A800] =	vst v63  }
0x20: {  	_ = 	snop  }
0x21: {  	[spmem:s2] =	stream.indirect.scatter.add.f32 [tilespmem:s9], [sflag:$0x3], $0x80, s15, s13, $0xb8;
	[tilespmem:$0x1A800] =	vst v63  }
0x22: {  	_ =	swait.ge [sflag:s16], $0x2800  }
0x23: {  	[sflag:s16] =	ssyncset.done $0x0  }
0x24: {  	s20 =	simm.s32 $0x180;
	[sflag:s16] =	ssyncadd.s32 $0xFFFFD800  }
0x25: {  	[spmem:s2] =	stream.indirect.scatter.add.f32 [tilespmem:s9], [sflag:$0x1], $0x80, s20, s13, $0xb8;
	[tilespmem:$0x1A800] =	vst v63  }
0x26: {  	_ =	swait.ge [sflag:s17], $0x2800  }
0x27: {  	[sflag:s17] =	ssyncset.done $0x0  }
0x28: {  	s31 =	simm.s32 $0x200;
	[sflag:s17] =	ssyncadd.s32 $0xFFFFD800  }
0x29: {  	[spmem:s2] =	stream.indirect.scatter.add.f32 [tilespmem:s9], [sflag:$0x2], $0x80, s31, s13, $0xb8;
	[tilespmem:$0x1A800] =	vst v63  }
0x2a: {  	_ =	swait.ge [sflag:s18], $0x2800  }
0x2b: {  	[sflag:s18] =	ssyncset.done $0x0  }
0x2c: {  	s21 =	simm.s32 $0x280;
	s20 =	simm.s32 $0xFFFF1000;
	[sflag:s18] =	ssyncadd.s32 $0xFFFFD800  }
.LBB2_2:
0x2d: {  	[spmem:s2] =	stream.indirect.scatter.add.f32 [tilespmem:s9], [sflag:$0x3], $0x80, s21, s13, $0xb8;
	[tilespmem:$0x1A800] =	vst v63  }
0x2e: {  	s21 =	smov.u32 s20  }
0x2f: {  	p0 =	sne.s32 s20, $0xFFFFFA00;
	s20 =	sadd.s32 $0x600, s20;
	_ =	swait.ge [sflag:s16], $0x2800  }
0x30: {  	s21 =	sshra.s32 s21, $0x2;
	[sflag:s16] =	ssyncset.done $0x0  }
0x31: {  	s22 =	sadd.s32 $0x3F00, s21;
	[sflag:s16] =	ssyncadd.s32 $0xFFFFD800  }
0x32: {  	[spmem:s2] =	stream.indirect.scatter.add.f32 [tilespmem:s9], [sflag:$0x1], $0x80, s22, s13, $0xb8;
	[tilespmem:$0x1A800] =	vst v63  }
0x33: {  	_ =	swait.ge [sflag:s17], $0x2800  }
0x34: {  	[sflag:s17] =	ssyncset.done $0x0  }
.Ltmp0:
0x35: {  	s22 =	sadd.s32 $0x3F80, s21;
	[sflag:s17] =	ssyncadd.s32 $0xFFFFD800;
	(pc) =	sbr.rel @p0 .LBB2_2-.Ltmp0, $4  }
0x36: {  	[spmem:s2] =	stream.indirect.scatter.add.f32 [tilespmem:s9], [sflag:$0x2], $0x80, s22, s13, $0xb8;
	[tilespmem:$0x1A800] =	vst v63  }
0x37: {  	_ =	swait.ge [sflag:s18], $0x2800  }
0x38: {  	[sflag:s18] =	ssyncset.done $0x0  }
0x39: {  	s21 =	sadd.s32 $0x4000, s21;
	[sflag:s18] =	ssyncadd.s32 $0xFFFFD800  }
0x3a: {  	[spmem:s2] =	stream.indirect.scatter.add.f32 [tilespmem:s9], [sflag:$0x3], $0x80, s21, s13, $0xb8;
	[tilespmem:$0x1A800] =	vst v63  }
0x3b: {  	_ =	swait.ge [sflag:s16], $0x2800  }
0x3c: {  	[sflag:s16] =	ssyncset.done $0x0  }
0x3d: {  	[sflag:s16] =	ssyncadd.s32 $0xFFFFD800  }
0x3e: {  	_ =	swait.ge [sflag:s17], $0x2800  }
0x3f: {  	[sflag:s17] =	ssyncset.done $0x0  }
0x40: {  	[sflag:s17] =	ssyncadd.s32 $0xFFFFD800  }
0x41: {  	_ =	swait.ge [sflag:s18], $0x2800  }
0x42: {  	s19 =	sadd.s32 $0x1, s19;
	[sflag:s18] =	ssyncset.done $0x0  }
0x43: {  	p0 =	sne.s32 s19, s8;
	[sflag:s18] =	ssyncadd.s32 $0xFFFFD800  }
.Ltmp1:
0x44: {  	[bflag:$0x0] =	sbarrier.arrive $0xFFFF;
	(pc) =	sbr.rel @p0 .LBB2_1-.Ltmp1, $4  }
0x45: {  	[hbm:s7], [sflag:s11] =	dma.local [spmem:s12], $0x2800  }
0x46: {  	_ =	swait.ge [sflag:s10], $0x2800  }
0x47: {  	[sflag:s10] =	ssyncset.done $0x0  }
0x48: {  	[sflag:s10] =	ssyncadd.s32 $0xFFFFD800  }
0x49: {  	_ =	sfence.sel $0x180000  }
0x4a: {  	[bflag:$0x0] =	sbarrier.arrive $0xFFFF  }
0x4b: {  	p0 =	sne.s32 s1, $0x0;
	_ =	strace $0x90000047  }
0x4c: {  	s0 =	sadd.s32 @!p0 $0x100000, s0;
	[bflag:$0x2] =	sbarrier.arrive $0xFFFF  }
0x4d: {  	[sflag:s0] =	ssyncadd.tile.s32 @!p0 $0x1;
	_ =	shalt  }
.Lfunc_end2:
_tile_overlayer_lowered:
.L_overlay_start_2:
0x4e: {  	(tag) =	ssettag $0x2  }
0x4f: {  	s0 =	rddreg [dreg:$0x0];
	s2 =	stileid.u32  }
0x50: {  	s1 =	rddreg [dreg:$0x1];
	p0 =	sne.s32 s2, $0x0  }
0x51: {  	s3 =	rddreg [dreg:$0x2];
	[bflag:$0x3] =	sbarrier.arrive $0xFFFF;
	s2 =	simm.s32 @!p0 $0x1C04  }
0x52: {  	[timem:s3], [sflag:s2] =	dma.local @!p0 [hbm:s0], s1  }
0x53: {  	s0 =	simm.s32 @!p0 $0x4  }
0x54: {  	_ =	swait.ge @!p0 [sflag:s0], s1  }
0x55: {  	s1 =	ssub.s32 @!p0 $0x0, s1;
	[sflag:s0] =	ssyncset.done @!p0 $0x0  }
0x56: {  	[sflag:s0] =	ssyncadd.s32 @!p0 s1  }
0x57: {  	[bflag:$0x3] =	sbarrier.arrive $0xFFFF  }
0x58: {  	_ =	shalt  }

// kernel: kernel.13.cloned.1.call-start
scs
__scs_entry_jumppad:
0x0: {  	(pc) =	sbr.rel $0x88, $3  }
0x1: {  	(tag) =	ssettag $0x0;
	lr =	simm.s32 $0x1  }
0x2: {  	[smem:$0x3F99] =	sst lr;
	_ =	strace $0xD0000000  }
0x3: {  	_ = 	snop  }
0x4: {  	_ = 	snop  }
0x5: {  	_ = 	snop  }
0x6: {  	_ = 	snop  }
0x7: {  	_ = 	snop  }
__scs_overlays_trampoline_lowered:
0x8: {  	[smem:$0x3FA8] =	sst s0  }
0x9: {  	[smem:$0x3FA9] =	sst s1  }
0xa: {  	[smem:$0x3FAA] =	sst s2  }
0xb: {  	[smem:$0x3FAB] =	sst s3  }
0xc: {  	[smem:$0x3FAC] =	sst s4  }
0xd: {  	[smem:$0x3FAD] =	sst s5  }
0xe: {  	[smem:$0x3FAE] =	sst s6  }
0xf: {  	[smem:$0x3FAF] =	sst s7  }
0x10: {  	[smem:$0x3FB0] =	sst s8  }
0x11: {  	[smem:$0x3FB1] =	sst s9;
	s0 =	simm.s32 @!p0 $0x0  }
0x12: {  	s1 =	sld [smem:$0x3F97];
	s0 =	simm.s32 @p0 $0x1  }
0x13: {  	[smem:$0x3FB2] =	sst s0;
	s0 =	simm.s32 @!p1 $0x0  }
0x14: {  	s2 =	sld [smem:$0x3F96];
	s0 =	simm.s32 @p1 $0x1  }
0x15: {  	[smem:$0x3FB3] =	sst s0;
	s0 =	simm.s32 @!p2 $0x0  }
0x16: {  	s3 =	sld [smem:$0x3FDB];
	s0 =	simm.s32 @p2 $0x1  }
0x17: {  	s4 =	simm.s32 $0x1BF5;
	[smem:$0x3FB5] =	sst s0  }
0x18: {  	s0 =	sld [smem:$0x3F98];
	_ =	swait.ge [sflag:s4], $0x0  }
0x19: {  	s7 =	sld [smem:$0x3F99]  }
0x1a: {  	s8 =	sadd.s32 $0xFFFFE003, lr  }
0x1b: {  	s9 =	sadd.s32 $0xFFFFFEF7, lr;
	s5 =	simm.s32 $0xFFFFFFFF;
	p2 =	slt.u32 s8, $0xFFFFF086  }
0x1c: {  	p1 =	slt.u32 s9, $0xF7A;
	s5 =	simm.s32 @!p2 $0x0  }
0x1d: {  	s5 =	simm.s32 @p1 $0x1;
	p0 =	seq.s32 s7, s2  }
0x1e: {  	s7 =	smul.u32 @!p0 $0xF7A, s2;
	p2 =	seq.s32 @!p0 s5, $0x0  }
0x1f: {  	s9 =	smul.u32 $0xF7A, s1;
	s8 =	simm.s32 @!p0 $0x1BF5;
	p2 =	por !p2, p0  }
0x20: {  	[sflag:s8] =	ssyncset.s32 @!p0 $0xFFFFF086;
	s6 =	sadd.s32 @!p0 s3, s7;
	s7 =	simm.s32 @!p0 $0x108  }
0x21: {  	s3 =	sadd.s32 s3, s9;
	s6 =	sadd.s32 @!p0 $0x88, s6;
	s7 =	simm.s32 @p2 $0x1082  }
0x22: {  	[simem:s7], [sflag:s8] =	dma.local @!p0 [hbm:s6], $0xF7A  }
0x23: {  	s9 =	sor.u32 $0xD0000000, s2;
	s6 =	simm.s32 $0x108;
	_ =	swait.ge @!p0 [sflag:s8], $0x0  }
0x24: {  	s3 =	sadd.s32 $0x88, s3;
	s6 =	simm.s32 @!p1 $0x1082;
	[sflag:s4] =	ssyncset.s32 $0xFFFFF086  }
0x25: {  	[simem:s6], [sflag:s4] =	dma.local [hbm:s3], $0xF7A  }
0x26: {  	[smem:$0x3F99] =	sst s1;
	(tag) =	ssettag s2;
	_ =	strace s9  }
0x27: {  	s1 =	sld [smem:$0x3FA9]  }
0x28: {  	s2 =	sld [smem:$0x3FAA]  }
0x29: {  	s4 =	sld [smem:$0x3FAC]  }
0x2a: {  	p0 =	seq.s32 s5, $0x0;
	s5 =	sld [smem:$0x3FAD]  }
0x2b: {  	s6 =	sld [smem:$0x3FAE]  }
0x2c: {  	s7 =	sld [smem:$0x3FAF]  }
0x2d: {  	s3 =	simm.s32 $0x108;
	s8 =	sld [smem:$0x3FB0]  }
0x2e: {  	s3 =	simm.s32 @!p0 $0x1082;
	s9 =	sld [smem:$0x3FB1]  }
0x2f: {  	lr =	sadd.s32 s0, s3;
	s0 =	sld [smem:$0x3FA8]  }
0x30: {  	s3 =	sld [smem:$0x3FAB]  }
0x31: {  	[smem:$0x3FB4] =	sst s10  }
0x32: {  	s10 =	sld [smem:$0x3FB2];
	_ =	sdelay $0x3  }
0x33: {  	p0 =	seq.s32 s10, $0x1;
	s10 =	sld [smem:$0x3FB4];
	_ =	sdelay $0x3  }
0x34: {  	[smem:$0x3FB4] =	sst s10  }
0x35: {  	s10 =	sld [smem:$0x3FB3];
	_ =	sdelay $0x3  }
0x36: {  	p1 =	seq.s32 s10, $0x1;
	s10 =	sld [smem:$0x3FB4];
	_ =	sdelay $0x3  }
0x37: {  	[smem:$0x3FB4] =	sst s10  }
0x38: {  	s10 =	sld [smem:$0x3FB5]  }
0x39: {  	_ = 	snop;
	(pc) =	sbr.ind lr, $3  }
0x3a: {  	_ = 	snop  }
0x3b: {  	_ = 	snop  }
0x3c: {  	p2 =	seq.s32 s10, $0x1;
	s10 =	sld [smem:$0x3FB4]  }
0x3d: {  	_ =	shalt  }
0x3e: {  	_ =	shalt  }
0x3f: {  	_ =	shalt  }
0x40: {  	_ =	shalt  }
0x41: {  	_ =	shalt  }
0x42: {  	_ =	shalt  }
0x43: {  	_ =	shalt  }
0x44: {  	_ =	shalt  }
0x45: {  	_ =	shalt  }
0x46: {  	_ =	shalt  }
0x47: {  	_ =	shalt  }
0x48: {  	_ =	shalt  }
0x49: {  	_ =	shalt  }
0x4a: {  	_ =	shalt  }
0x4b: {  	_ =	shalt  }
0x4c: {  	_ =	shalt  }
0x4d: {  	_ =	shalt  }
0x4e: {  	_ =	shalt  }
0x4f: {  	_ =	shalt  }
0x50: {  	_ =	shalt  }
0x51: {  	_ =	shalt  }
0x52: {  	_ =	shalt  }
0x53: {  	_ =	shalt  }
0x54: {  	_ =	shalt  }
0x55: {  	_ =	shalt  }
0x56: {  	_ =	shalt  }
0x57: {  	_ =	shalt  }
0x58: {  	_ =	shalt  }
0x59: {  	_ =	shalt  }
0x5a: {  	_ =	shalt  }
0x5b: {  	_ =	shalt  }
0x5c: {  	_ =	shalt  }
0x5d: {  	_ =	shalt  }
0x5e: {  	_ =	shalt  }
0x5f: {  	_ =	shalt  }
0x60: {  	_ =	shalt  }
0x61: {  	_ =	shalt  }
0x62: {  	_ =	shalt  }
0x63: {  	_ =	shalt  }
0x64: {  	_ =	shalt  }
0x65: {  	_ =	shalt  }
0x66: {  	_ =	shalt  }
0x67: {  	_ =	shalt  }
0x68: {  	_ =	shalt  }
0x69: {  	_ =	shalt  }
0x6a: {  	_ =	shalt  }
0x6b: {  	_ =	shalt  }
0x6c: {  	_ =	shalt  }
0x6d: {  	_ =	shalt  }
0x6e: {  	_ =	shalt  }
0x6f: {  	_ =	shalt  }
0x70: {  	_ =	shalt  }
0x71: {  	_ =	shalt  }
0x72: {  	_ =	shalt  }
0x73: {  	_ =	shalt  }
0x74: {  	_ =	shalt  }
0x75: {  	_ =	shalt  }
0x76: {  	_ =	shalt  }
0x77: {  	_ =	shalt  }
0x78: {  	_ =	shalt  }
0x79: {  	_ =	shalt  }
0x7a: {  	_ =	shalt  }
0x7b: {  	_ =	shalt  }
0x7c: {  	_ =	shalt  }
0x7d: {  	_ =	shalt  }
0x7e: {  	_ =	shalt  }
0x7f: {  	_ =	shalt  }
0x80: {  	_ =	shalt  }
0x81: {  	_ =	shalt  }
0x82: {  	_ =	shalt  }
0x83: {  	_ =	shalt  }
0x84: {  	_ =	shalt  }
0x85: {  	_ =	shalt  }
0x86: {  	_ =	shalt  }
0x87: {  	_ =	shalt  }
.Lfunc_end0:
.L_simem_size_0:
called_computation.1_lowered:
.L_overlay_start_0:
0x88: {  	s2 =	sld [smem:$0x3FD9]  }
0x89: {  	s3 =	sld [smem:$0x3FFE];
	_ =	sdelay $0x1  }
0x8a: {  	s1 =	srdreg.scid  }
0x8b: {  	s0 =	sand.u32 $0x1, s1  }
0x8c: {  	s17 =	sshll.u32 s0, $0xA;
	s2 =	sadd.s32 s3, s2  }
0x8d: {  	s2 =	sadd.s32 s2, s17  }
0x8e: {  	[smem:$0x3FC0] =	sst s2  }
0x8f: {  	_ = 	snop  }
0x90: {  	s2 =	sld [smem:$0x3FD0];
	(tm) =	ssettm $0x1  }
0x91: {  	s18 =	sld [smem:$0x3FFB];
	_ =	sdelay $0x3  }
0x92: {  	_ =	strace s18  }
0x93: {  	s3 =	sld [smem:$0x3FFC];
	_ =	sdelay $0x3  }
0x94: {  	_ =	strace s3  }
0x95: {  	s3 =	sld [smem:$0x3FFD];
	_ =	sdelay $0x3  }
0x96: {  	_ =	strace s3  }
0x97: {  	_ =	strace $0x8FFFFFFF  }
0x98: {  	s19 =	sld [smem:$0x3FDB];
	_ =	sdelay $0x1  }
0x99: {  	s4 =	simm.s32 $_scs_section_size  }
0x9a: {  	s5 =	simm.s32 $_size__tile_overlayer_lowered;
	s6 =	simm.s32 $_tile_overlayer_lowered  }
0x9b: {  	s22 =	simm.s32 $0x1BFF;
	s21 =	sshll.u32 s6, $0x1;
	s3 =	sadd.s32 s4, s19  }
0x9c: {  	s7 =	simm.s32 $0x0;
	s20 =	sshll.u32 s5, $0x1;
	s5 =	sadd.s32 s21, s3  }
0x9d: {  	[timem:s7], [sflag:s22] =	dma.local [hbm:s5], s20  }
0x9e: {  	_ =	swait.ge [sflag:s22], s20  }
0x9f: {  	s4 =	ssub.s32 $0x0, s20;
	[sflag:s22] =	ssyncset.done $0x0  }
0xa0: {  	[sflag:s22] =	ssyncadd.s32 s4;
	_ =	sdelay $0x1  }
0xa1: {  	s23 =	simm.s32 $0x1B8B  }
0xa2: {  	_ =	swait.ge [sflag:s23], $0x1  }
0xa3: {  	[sflag:s23] =	ssyncset.done $0x0  }
0xa4: {  	s25 =	simm.s32 $0x1B8E;
	s24 =	sld [smem:$0x3FFE];
	[sflag:s23] =	ssyncadd.s32 $0xFFFFFFFF  }
0xa5: {  	s26 =	simm.s32 $execute0_lowered;
	[smem:$0x3FD2] =	sst s25  }
0xa6: {  	s5 =	sshll.u32 s26, $0x1;
	_ =	strace $0x80000049;
	[dreg:$0x1] =	wrdreg $0xFFFFFFFF  }
0xa7: {  	s28 =	simm.s32 $_size_execute0_lowered;
	s3 =	sadd.s32 s3, s5;
	[dreg:$0x0] =	wrdreg $0x0  }
0xa8: {  	s5 =	sshll.u32 s28, $0x1;
	[dreg:$0x2] =	wrdreg s3  }
0xa9: {  	[dreg:$0x3] =	wrdreg s5  }
0xaa: {  	[dreg:$0x4] =	wrdreg $0xC0  }
0xab: {  	_ =	task [dreg:s7], $0x5FFFF  }
0xac: {  	[dreg:$0x1] =	wrdreg $0xFFFFFFFF  }
0xad: {  	[dreg:$0x0] =	wrdreg $0x60  }
0xae: {  	[dreg:$0x2] =	wrdreg s24  }
0xaf: {  	[dreg:$0x3] =	wrdreg s2  }
0xb0: {  	[dreg:$0x4] =	wrdreg $0xBA000  }
0xb1: {  	[dreg:$0x5] =	wrdreg $0x9  }
0xb2: {  	_ =	task.clear_ibuf [dreg:s7], $0x6FFFF;
	_ =	strace $0x90000049  }
0xb3: {  	s29 =	simm.s32 $0x9;
	_ =	strace $0x8000004B  }
0xb4: {  	_ =	swait.ge [sflag:s29], $0x1  }
0xb5: {  	[sflag:s29] =	ssyncadd.s32 $0xFFFFFFFF  }
0xb6: {  	_ =	strace $0x9000004B  }
0xb7: {  	_ =	sfence  }
0xb8: {  	s30 =	sld [smem:$0x0];
	_ =	sdelay $0x2  }
0xb9: {  	s31 =	sshll.u32 s1, $0xD;
	s1 =	sshrl.u32 s1, $0x2  }
0xba: {  	s3 =	sand.u32 $0x4000, s31;
	s1 =	sadd.s32 s1, s30  }
0xbb: {  	s0 =	sor.u32 s3, s0;
	s1 =	sshll.u32 s1, $0x11  }
0xbc: {  	s0 =	sor.u32 s1, s0  }
0xbd: {  	s0 =	sadd.s32 $0x8F2B, s0  }
0xbe: {  	[sflag:s0] =	ssyncadd.remote.s32 $0x1  }
0xbf: {  	_ =	sfence.sel $0xFFFF  }
0xc0: {  	[dreg:$0x0] =	wrdreg $0xFFFFFFFF;
	(pc) =	sbr.abs _section_cstart, $3  }
0xc1: {  	[dreg:$0x1] =	wrdreg $0xFFFFFFFF  }
0xc2: {  	_ =	task.clear_ibuf [dreg:s7], $0x2FFFF;
	_ =	strace $0x9FFFFFFF  }
0xc3: {  	(tm) =	ssettm $0x7FFFFFFF  }
tec
execute0_lowered:
.L_overlay_start_1:
0x0: {  	(tag) =	ssettag $0x1  }
0x1: {  	s0 =	rddreg [dreg:$0x0]  }
0x2: {  	s2 =	rddreg [dreg:$0x1]  }
0x3: {  	s1 =	rddreg [dreg:$0x2];
	s3 =	srdreg.scid  }
0x4: {  	s12 =	stileid.u32;
	s16 =	simm.s32 $0xA;
	s18 =	simm.s32 $0x80  }
0x5: {  	s19 =	simm.s32 $0x100;
	s28 =	simm.s32 $0x9200;
	s29 =	simm.s32 $0x2  }
0x6: {  	s30 =	simm.s32 $0x7;
	s31 =	simm.s32 $0x3;
	s17 =	simm.s32 $0x0  }
0x7: {  	s6 =	sand.u32 $0x1, s3;
	s3 =	simm.s32 $0x0;
	s8 =	smul.u32 $0x14000, s12  }
0x8: {  	s4 =	sadd.s32 $0x65E00, s0;
	s5 =	sadd.s32 $0x55E00, s0;
	s9 =	sadd.s32 $0x3600, s0  }
0x9: {  	s10 =	smul.u32 $0x50000, s12;
	s11 =	sshll.u32 s12, $0xE;
	s23 =	sshll.u32 s12, $0x6  }
0xa: {  	s7 =	smul.u32 $0x140000, s6;
	[smem:$0x7FF] =	sst s3;
	s20 =	ssub.s32 $0x2, s6  }
0xb: {  	s6 =	sshll.u32 s6, $0x12;
	_ =	strace $0x8000004A;
	[dreg:$0x4] =	wrdreg s9  }
0xc: {  	s21 =	sshrl.u32 s20, $0x1;
	s22 =	sshrl.u32 s10, $0x2;
	s7 =	sadd.s32 s8, s7  }
0xd: {  	s14 =	ssub.s32 s20, s21;
	s8 =	sor.u32 $0x1C0A, s23;
	s20 =	simm.s32 $0x4  }
0xe: {  	s21 =	simm.s32 $0x50;
	s23 =	simm.s32 $0x5;
	s7 =	sshrl.u32 s7, $0x3  }
0xf: {  	s14 =	smax.u32 s14, $0x1;
	s0 =	sadd.s32 s7, s0;
	s7 =	sor.u32 s11, s6  }
0x10: {  	s6 =	sadd.s32 s22, s1;
	s22 =	simm.s32 $0x4200;
	s24 =	sshrl.u32 s7, $0x3  }
0x11: {  	s0 =	sadd.s32 $0x8DE00, s0;
	s15 =	sshrl.u32 s6, $0x3;
	s9 =	sadd.s32 s5, s24  }
0x12: {  	s2 =	sadd.s32 s2, s24;
	[dreg:$0x8] =	wrdreg s0;
	s24 =	simm.s32 $0x6A00  }
0x13: {  	s0 =	simm.s32 $0x8;
	[dreg:$0x5] =	wrdreg s2;
	s25 =	sadd.s32 $0x10, s9  }
0x14: {  	s26 =	sadd.s32 $0x20, s9;
	s2 =	simm.s32 $0x9;
	[dreg:$0x6] =	wrdreg s25  }
0x15: {  	[dreg:$0x7] =	wrdreg s26;
	s25 =	simm.s32 $0x1;
	s26 =	simm.s32 $0x6  }
.LBB2_1:
0x16: {  	s6 =	rddreg [dreg:$0x4]  }
0x17: {  	[spmem:s15], [sflag:s8] =	dma.local [hbm:s6], $0x2800  }
0x18: {  	_ =	swait.ge [sflag:s16], $0x2800  }
0x19: {  	[sflag:s16] =	ssyncset.done $0x0  }
0x1a: {  	[sflag:s16] =	ssyncadd.s32 $0xFFFFD800  }
0x1b: {  	[bflag:$0x0] =	sbarrier.arrive $0xFFFF  }
0x1c: {  	s10 =	simm.s32 $0x200;
	s11 =	rddreg [dreg:$0x5]  }
0x1d: {  	[tilespmem:s10], [sflag:$0xA] =	stream.linear.gather [hbm4b:s11+s3], $0x3F00, $0x38;
	[tilespmem:$0x1FA00] =	vst v63  }
0x1e: {  	_ =	swait.ge [sflag:s16], $0x3F00  }
0x1f: {  	[sflag:s16] =	ssyncset.done $0x0  }
0x20: {  	[sflag:s16] =	ssyncadd.s32 $0xFFFFC100  }
0x21: {  	[tilespmem:s3], [sflag:$0x4] =	stream.linear.gather [hbm4b:s9+s3], $0x80, $0x38;
	[tilespmem:$0x1FA00] =	vst v63  }
0x22: {  	s12 =	rddreg [dreg:$0x6]  }
0x23: {  	[tilespmem:s18], [sflag:$0x5] =	stream.linear.gather [hbm4b:s12+s3], $0x80, $0x38;
	[tilespmem:$0x1FA00] =	vst v63  }
0x24: {  	s13 =	rddreg [dreg:$0x7]  }
0x25: {  	[tilespmem:s19], [sflag:$0x6] =	stream.linear.gather [hbm4b:s13+s3], $0x80, $0x38;
	[tilespmem:$0x1FA00] =	vst v63  }
0x26: {  	_ =	swait.ge [sflag:s20], $0x80  }
0x27: {  	[sflag:s20] =	ssyncset.done $0x0  }
0x28: {  	[sflag:s20] =	ssyncadd.s32 $0xFFFFFF80  }
0x29: {  	[tilespmem:s22], [sflag:$0x1] =	stream.indirect.gather [hbm4b:s4+s21], $0x80, s3, s21, $0xb8;
	[tilespmem:$0x1FA00] =	vst v63  }
.Ltmp0:
0x2a: {  	_ = 	snop;
	(pc) =	sbr.rel .LBB2_2-.Ltmp0, $4  }
0x2b: {  	_ =	swait.ge [sflag:s23], $0x80  }
0x2c: {  	s6 =	simm.s32 $0x300;
	[sflag:s23] =	ssyncset.done $0x0  }
0x2d: {  	s10 =	simm.s32 $0x29;
	s11 =	simm.s32 $0x280;
	[sflag:s23] =	ssyncadd.s32 $0xFFFFFF80  }
0x2e: {  	[tilespmem:s24], [sflag:$0x2] =	stream.indirect.gather [hbm4b:s4+s21], $0x80, s18, s21, $0xb8;
	[tilespmem:$0x1FA00] =	vst v63  }
.LBB2_3:
0x2f: {  	[tilespmem:s28], [sflag:$0x3] =	stream.indirect.gather [hbm4b:s4+s21], $0x80, s19, s21, $0xb8;
	[tilespmem:$0x1FA00] =	vst v63  }
.LBB2_5:
0x30: {  	s12 =	sadd.s32 $0xFFFFFF00, s11  }
0x31: {  	s13 =	sand.u32 $0xFC00, s12  }
0x32: {  	s12 =	sand.u32 $0x380, s12;
	s13 =	sadd.s32 s7, s13  }
0x33: {  	s12 =	sor.u32 s12, s13  }
0x34: {  	s12 =	sshrl.u32 s12, $0x3  }
0x35: {  	s12 =	sadd.s32 s5, s12  }
0x36: {  	[tilespmem:s3], [sflag:$0x4] =	stream.linear.gather [hbm4b:s12+s3], $0x80, $0x38;
	[tilespmem:$0x1FA00] =	vst v63  }
0x37: {  	_ =	swait.ge [sflag:s29], $0x2800  }
0x38: {  	[sflag:s29] =	ssyncset.done $0x0  }
0x39: {  	s13 =	sadd.s32 $0xFFFFFF80, s6;
	[sflag:s29] =	ssyncadd.s32 $0xFFFFD800  }
0x3a: {  	[spmem:s1] =	stream.indirect.scatter.add.f32 [tilespmem:s24], [sflag:$0x8], $0x80, s13, s21, $0xb8;
	[tilespmem:$0x1FA00] =	vst v63  }
0x3b: {  	_ =	swait.ge [sflag:s20], $0x80  }
0x3c: {  	s12 =	sadd.s32 $0xFFFFFF80, s11;
	[sflag:s20] =	ssyncset.done $0x0  }
0x3d: {  	s13 =	sand.u32 $0xFC00, s12;
	[sflag:s20] =	ssyncadd.s32 $0xFFFFFF80  }
0x3e: {  	s12 =	sand.u32 $0x380, s12;
	s13 =	sadd.s32 s7, s13;
	_ =	swait.ge [sflag:s30], $0x2800  }
0x3f: {  	s12 =	sor.u32 s12, s13;
	[sflag:s30] =	ssyncset.done $0x0  }
0x40: {  	s12 =	sshrl.u32 s12, $0x3;
	[sflag:s30] =	ssyncadd.s32 $0xFFFFD800  }
0x41: {  	[tilespmem:s22], [sflag:$0x1] =	stream.indirect.gather [hbm4b:s4+s21], $0x80, s3, s21, $0xb8;
	[tilespmem:$0x1FA00] =	vst v63  }
0x42: {  	s12 =	sadd.s32 s5, s12  }
0x43: {  	[tilespmem:s18], [sflag:$0x5] =	stream.linear.gather [hbm4b:s12+s3], $0x80, $0x38;
	[tilespmem:$0x1FA00] =	vst v63  }
0x44: {  	_ =	swait.ge [sflag:s31], $0x2800  }
0x45: {  	[sflag:s31] =	ssyncset.done $0x0  }
0x46: {  	[sflag:s31] =	ssyncadd.s32 $0xFFFFD800  }
0x47: {  	[spmem:s1] =	stream.indirect.scatter.add.f32 [tilespmem:s28], [sflag:$0x9], $0x80, s6, s21, $0xb8;
	[tilespmem:$0x1FA00] =	vst v63  }
0x48: {  	_ =	swait.ge [sflag:s23], $0x80  }
0x49: {  	[sflag:s23] =	ssyncset.done $0x0  }
0x4a: {  	s13 =	sand.u32 $0xFC00, s11;
	[sflag:s23] =	ssyncadd.s32 $0xFFFFFF80  }
0x4b: {  	s12 =	sadd.s32 s7, s13;
	s13 =	sand.u32 $0x380, s11;
	_ =	swait.ge [sflag:s0], $0x2800  }
0x4c: {  	s12 =	sor.u32 s13, s12;
	[sflag:s0] =	ssyncset.done $0x0  }
0x4d: {  	s10 =	sadd.s32 $0xFFFFFFFF, s10;
	s12 =	sshrl.u32 s12, $0x3;
	[sflag:s0] =	ssyncadd.s32 $0xFFFFD800  }
0x4e: {  	[tilespmem:s24], [sflag:$0x2] =	stream.indirect.gather [hbm4b:s4+s21], $0x80, s18, s21, $0xb8;
	[tilespmem:$0x1FA00] =	vst v63  }
0x4f: {  	s11 =	sadd.s32 $0x180, s11;
	s12 =	sadd.s32 s5, s12;
	s6 =	sadd.s32 $0x180, s6  }
0x50: {  	[tilespmem:s19], [sflag:$0x6] =	stream.linear.gather [hbm4b:s12+s3], $0x80, $0x38;
	[tilespmem:$0x1FA00] =	vst v63  }
.LBB2_2:
0x51: {  	_ =	swait.ge [sflag:s25], $0x2800  }
0x52: {  	p0 =	sne.s32 s10, $0x29;
	[sflag:s25] =	ssyncset.done $0x0  }
.Ltmp1:
0x53: {  	s12 =	sadd.s32 $0xFFFFFF00, s6;
	[sflag:s25] =	ssyncadd.s32 $0xFFFFD800;
	(pc) =	sbr.rel @!p0 .LBB2_3-.Ltmp1, $4  }
0x54: {  	[spmem:s1] =	stream.indirect.scatter.add.f32 [tilespmem:s22], [sflag:$0x7], $0x80, s12, s21, $0xb8;
	[tilespmem:$0x1FA00] =	vst v63  }
0x55: {  	_ =	swait.ge [sflag:s26], $0x80  }
0x56: {  	[sflag:s26] =	ssyncset.done $0x0  }
0x57: {  	[sflag:s26] =	ssyncadd.s32 $0xFFFFFF80  }
0x58: {  	p0 =	seq.s32 s10, $0x0  }
.Ltmp2:
0x59: {  	_ = 	snop;
	(pc) =	sbr.rel @!p0 .LBB2_5-.Ltmp2, $4  }
0x5a: {  	_ =	swait.ge [sflag:s2], $0x2800  }
0x5b: {  	[sflag:s2] =	ssyncset.done $0x0  }
0x5c: {  	[sflag:s2] =	ssyncadd.s32 $0xFFFFD800  }
0x5d: {  	[tilespmem:s28], [sflag:$0x3] =	stream.indirect.gather [hbm4b:s4+s21], $0x80, s19, s21, $0xb8;
	[tilespmem:$0x1FA00] =	vst v63  }
0x5e: {  	_ =	swait.ge [sflag:s29], $0x2800  }
0x5f: {  	[sflag:s29] =	ssyncset.done $0x0  }
0x60: {  	s10 =	sadd.s32 $0xFFFFFF80, s6;
	[sflag:s29] =	ssyncadd.s32 $0xFFFFD800  }
0x61: {  	[spmem:s1] =	stream.indirect.scatter.add.f32 [tilespmem:s24], [sflag:$0x8], $0x80, s10, s21, $0xb8;
	[tilespmem:$0x1FA00] =	vst v63  }
0x62: {  	_ =	swait.ge [sflag:s31], $0x2800  }
0x63: {  	[sflag:s31] =	ssyncset.done $0x0  }
0x64: {  	[sflag:s31] =	ssyncadd.s32 $0xFFFFD800  }
0x65: {  	[spmem:s1] =	stream.indirect.scatter.add.f32 [tilespmem:s28], [sflag:$0x9], $0x80, s6, s21, $0xb8;
	[tilespmem:$0x1FA00] =	vst v63  }
0x66: {  	_ =	swait.ge [sflag:s30], $0x2800  }
0x67: {  	[sflag:s30] =	ssyncset.done $0x0  }
0x68: {  	[sflag:s30] =	ssyncadd.s32 $0xFFFFD800  }
0x69: {  	_ =	swait.ge [sflag:s0], $0x2800  }
0x6a: {  	[sflag:s0] =	ssyncset.done $0x0  }
0x6b: {  	[sflag:s0] =	ssyncadd.s32 $0xFFFFD800  }
0x6c: {  	_ =	swait.ge [sflag:s2], $0x2800  }
0x6d: {  	[sflag:s2] =	ssyncset.done $0x0  }
0x6e: {  	s17 =	sadd.s32 $0x1, s17;
	[sflag:s2] =	ssyncadd.s32 $0xFFFFD800  }
0x6f: {  	p0 =	sne.s32 s17, s14;
	[bflag:$0x0] =	sbarrier.arrive $0xFFFF  }
.Ltmp3:
0x70: {  	s13 =	rddreg [dreg:$0x8];
	(pc) =	sbr.rel @p0 .LBB2_1-.Ltmp3, $4  }
0x71: {  	[hbm:s13], [sflag:s8] =	dma.local [spmem:s15], $0x2800  }
0x72: {  	_ =	swait.ge [sflag:s16], $0x2800  }
0x73: {  	[sflag:s16] =	ssyncset.done $0x0  }
0x74: {  	[sflag:s16] =	ssyncadd.s32 $0xFFFFD800  }
0x75: {  	_ =	sfence.sel $0x180000  }
0x76: {  	[bflag:$0x0] =	sbarrier.arrive $0xFFFF  }
0x77: {  	_ =	strace $0x9000004A  }
0x78: {  	s0 =	stileid.u32;
	[bflag:$0x2] =	sbarrier.arrive $0xFFFF  }
0x79: {  	p0 =	sne.s32 s0, $0x0;
	s0 =	rddreg [dreg:$0x3]  }
0x7a: {  	s0 =	sadd.s32 @!p0 $0x100000, s0  }
0x7b: {  	[sflag:s0] =	ssyncadd.tile.s32 @!p0 $0x1;
	_ =	shalt  }
.Lfunc_end2:
_tile_overlayer_lowered:
.L_overlay_start_2:
0x7c: {  	(tag) =	ssettag $0x2  }
0x7d: {  	s0 =	rddreg [dreg:$0x0];
	s2 =	stileid.u32  }
0x7e: {  	s1 =	rddreg [dreg:$0x1];
	p0 =	sne.s32 s2, $0x0  }
0x7f: {  	s3 =	rddreg [dreg:$0x2];
	[bflag:$0x3] =	sbarrier.arrive $0xFFFF;
	s2 =	simm.s32 @!p0 $0x1C0A  }
0x80: {  	[timem:s3], [sflag:s2] =	dma.local @!p0 [hbm:s0], s1  }
0x81: {  	s0 =	simm.s32 @!p0 $0xA  }
0x82: {  	_ =	swait.ge @!p0 [sflag:s0], s1  }
0x83: {  	s1 =	ssub.s32 @!p0 $0x0, s1;
	[sflag:s0] =	ssyncset.done @!p0 $0x0  }
0x84: {  	[sflag:s0] =	ssyncadd.s32 @!p0 s1  }
0x85: {  	[bflag:$0x3] =	sbarrier.arrive $0xFFFF  }
0x86: {  	_ =	shalt  }

// kernel: kernel.16.cloned.1.call-start
scs
__scs_entry_jumppad:
0x0: {  	(pc) =	sbr.rel $0x88, $3  }
0x1: {  	(tag) =	ssettag $0x0;
	lr =	simm.s32 $0x1  }
0x2: {  	[smem:$0x3F99] =	sst lr;
	_ =	strace $0xD0000000  }
0x3: {  	_ = 	snop  }
0x4: {  	_ = 	snop  }
0x5: {  	_ = 	snop  }
0x6: {  	_ = 	snop  }
0x7: {  	_ = 	snop  }
__scs_overlays_trampoline_lowered:
0x8: {  	[smem:$0x3FA8] =	sst s0  }
0x9: {  	[smem:$0x3FA9] =	sst s1  }
0xa: {  	[smem:$0x3FAA] =	sst s2  }
0xb: {  	[smem:$0x3FAB] =	sst s3  }
0xc: {  	[smem:$0x3FAC] =	sst s4  }
0xd: {  	[smem:$0x3FAD] =	sst s5  }
0xe: {  	[smem:$0x3FAE] =	sst s6  }
0xf: {  	[smem:$0x3FAF] =	sst s7  }
0x10: {  	[smem:$0x3FB0] =	sst s8  }
0x11: {  	[smem:$0x3FB1] =	sst s9;
	s0 =	simm.s32 @!p0 $0x0  }
0x12: {  	s1 =	sld [smem:$0x3F97];
	s0 =	simm.s32 @p0 $0x1  }
0x13: {  	[smem:$0x3FB2] =	sst s0;
	s0 =	simm.s32 @!p1 $0x0  }
0x14: {  	s2 =	sld [smem:$0x3F96];
	s0 =	simm.s32 @p1 $0x1  }
0x15: {  	[smem:$0x3FB3] =	sst s0;
	s0 =	simm.s32 @!p2 $0x0  }
0x16: {  	s3 =	sld [smem:$0x3FDB];
	s0 =	simm.s32 @p2 $0x1  }
0x17: {  	s4 =	simm.s32 $0x1BF5;
	[smem:$0x3FB5] =	sst s0  }
0x18: {  	s0 =	sld [smem:$0x3F98];
	_ =	swait.ge [sflag:s4], $0x0  }
0x19: {  	s7 =	sld [smem:$0x3F99]  }
0x1a: {  	s8 =	sadd.s32 $0xFFFFE003, lr  }
0x1b: {  	s9 =	sadd.s32 $0xFFFFFEF7, lr;
	s5 =	simm.s32 $0xFFFFFFFF;
	p2 =	slt.u32 s8, $0xFFFFF086  }
0x1c: {  	p1 =	slt.u32 s9, $0xF7A;
	s5 =	simm.s32 @!p2 $0x0  }
0x1d: {  	s5 =	simm.s32 @p1 $0x1;
	p0 =	seq.s32 s7, s2  }
0x1e: {  	s7 =	smul.u32 @!p0 $0xF7A, s2;
	p2 =	seq.s32 @!p0 s5, $0x0  }
0x1f: {  	s9 =	smul.u32 $0xF7A, s1;
	s8 =	simm.s32 @!p0 $0x1BF5;
	p2 =	por !p2, p0  }
0x20: {  	[sflag:s8] =	ssyncset.s32 @!p0 $0xFFFFF086;
	s6 =	sadd.s32 @!p0 s3, s7;
	s7 =	simm.s32 @!p0 $0x108  }
0x21: {  	s3 =	sadd.s32 s3, s9;
	s6 =	sadd.s32 @!p0 $0x88, s6;
	s7 =	simm.s32 @p2 $0x1082  }
0x22: {  	[simem:s7], [sflag:s8] =	dma.local @!p0 [hbm:s6], $0xF7A  }
0x23: {  	s9 =	sor.u32 $0xD0000000, s2;
	s6 =	simm.s32 $0x108;
	_ =	swait.ge @!p0 [sflag:s8], $0x0  }
0x24: {  	s3 =	sadd.s32 $0x88, s3;
	s6 =	simm.s32 @!p1 $0x1082;
	[sflag:s4] =	ssyncset.s32 $0xFFFFF086  }
0x25: {  	[simem:s6], [sflag:s4] =	dma.local [hbm:s3], $0xF7A  }
0x26: {  	[smem:$0x3F99] =	sst s1;
	(tag) =	ssettag s2;
	_ =	strace s9  }
0x27: {  	s1 =	sld [smem:$0x3FA9]  }
0x28: {  	s2 =	sld [smem:$0x3FAA]  }
0x29: {  	s4 =	sld [smem:$0x3FAC]  }
0x2a: {  	p0 =	seq.s32 s5, $0x0;
	s5 =	sld [smem:$0x3FAD]  }
0x2b: {  	s6 =	sld [smem:$0x3FAE]  }
0x2c: {  	s7 =	sld [smem:$0x3FAF]  }
0x2d: {  	s3 =	simm.s32 $0x108;
	s8 =	sld [smem:$0x3FB0]  }
0x2e: {  	s3 =	simm.s32 @!p0 $0x1082;
	s9 =	sld [smem:$0x3FB1]  }
0x2f: {  	lr =	sadd.s32 s0, s3;
	s0 =	sld [smem:$0x3FA8]  }
0x30: {  	s3 =	sld [smem:$0x3FAB]  }
0x31: {  	[smem:$0x3FB4] =	sst s10  }
0x32: {  	s10 =	sld [smem:$0x3FB2];
	_ =	sdelay $0x3  }
0x33: {  	p0 =	seq.s32 s10, $0x1;
	s10 =	sld [smem:$0x3FB4];
	_ =	sdelay $0x3  }
0x34: {  	[smem:$0x3FB4] =	sst s10  }
0x35: {  	s10 =	sld [smem:$0x3FB3];
	_ =	sdelay $0x3  }
0x36: {  	p1 =	seq.s32 s10, $0x1;
	s10 =	sld [smem:$0x3FB4];
	_ =	sdelay $0x3  }
0x37: {  	[smem:$0x3FB4] =	sst s10  }
0x38: {  	s10 =	sld [smem:$0x3FB5]  }
0x39: {  	_ = 	snop;
	(pc) =	sbr.ind lr, $3  }
0x3a: {  	_ = 	snop  }
0x3b: {  	_ = 	snop  }
0x3c: {  	p2 =	seq.s32 s10, $0x1;
	s10 =	sld [smem:$0x3FB4]  }
0x3d: {  	_ =	shalt  }
0x3e: {  	_ =	shalt  }
0x3f: {  	_ =	shalt  }
0x40: {  	_ =	shalt  }
0x41: {  	_ =	shalt  }
0x42: {  	_ =	shalt  }
0x43: {  	_ =	shalt  }
0x44: {  	_ =	shalt  }
0x45: {  	_ =	shalt  }
0x46: {  	_ =	shalt  }
0x47: {  	_ =	shalt  }
0x48: {  	_ =	shalt  }
0x49: {  	_ =	shalt  }
0x4a: {  	_ =	shalt  }
0x4b: {  	_ =	shalt  }
0x4c: {  	_ =	shalt  }
0x4d: {  	_ =	shalt  }
0x4e: {  	_ =	shalt  }
0x4f: {  	_ =	shalt  }
0x50: {  	_ =	shalt  }
0x51: {  	_ =	shalt  }
0x52: {  	_ =	shalt  }
0x53: {  	_ =	shalt  }
0x54: {  	_ =	shalt  }
0x55: {  	_ =	shalt  }
0x56: {  	_ =	shalt  }
0x57: {  	_ =	shalt  }
0x58: {  	_ =	shalt  }
0x59: {  	_ =	shalt  }
0x5a: {  	_ =	shalt  }
0x5b: {  	_ =	shalt  }
0x5c: {  	_ =	shalt  }
0x5d: {  	_ =	shalt  }
0x5e: {  	_ =	shalt  }
0x5f: {  	_ =	shalt  }
0x60: {  	_ =	shalt  }
0x61: {  	_ =	shalt  }
0x62: {  	_ =	shalt  }
0x63: {  	_ =	shalt  }
0x64: {  	_ =	shalt  }
0x65: {  	_ =	shalt  }
0x66: {  	_ =	shalt  }
0x67: {  	_ =	shalt  }
0x68: {  	_ =	shalt  }
0x69: {  	_ =	shalt  }
0x6a: {  	_ =	shalt  }
0x6b: {  	_ =	shalt  }
0x6c: {  	_ =	shalt  }
0x6d: {  	_ =	shalt  }
0x6e: {  	_ =	shalt  }
0x6f: {  	_ =	shalt  }
0x70: {  	_ =	shalt  }
0x71: {  	_ =	shalt  }
0x72: {  	_ =	shalt  }
0x73: {  	_ =	shalt  }
0x74: {  	_ =	shalt  }
0x75: {  	_ =	shalt  }
0x76: {  	_ =	shalt  }
0x77: {  	_ =	shalt  }
0x78: {  	_ =	shalt  }
0x79: {  	_ =	shalt  }
0x7a: {  	_ =	shalt  }
0x7b: {  	_ =	shalt  }
0x7c: {  	_ =	shalt  }
0x7d: {  	_ =	shalt  }
0x7e: {  	_ =	shalt  }
0x7f: {  	_ =	shalt  }
0x80: {  	_ =	shalt  }
0x81: {  	_ =	shalt  }
0x82: {  	_ =	shalt  }
0x83: {  	_ =	shalt  }
0x84: {  	_ =	shalt  }
0x85: {  	_ =	shalt  }
0x86: {  	_ =	shalt  }
0x87: {  	_ =	shalt  }
.Lfunc_end0:
.L_simem_size_0:
called_computation.2_lowered:
.L_overlay_start_0:
0x88: {  	s2 =	sld [smem:$0x3FD9]  }
0x89: {  	s3 =	sld [smem:$0x3FFE];
	_ =	sdelay $0x1  }
0x8a: {  	s1 =	srdreg.scid  }
0x8b: {  	s0 =	sand.u32 $0x1, s1  }
0x8c: {  	s17 =	sshll.u32 s0, $0xA;
	s2 =	sadd.s32 s3, s2  }
0x8d: {  	s2 =	sadd.s32 s2, s17  }
0x8e: {  	[smem:$0x3FC0] =	sst s2  }
0x8f: {  	_ = 	snop  }
0x90: {  	s2 =	sld [smem:$0x3FD0];
	(tm) =	ssettm $0x1  }
0x91: {  	s18 =	sld [smem:$0x3FFB];
	_ =	sdelay $0x3  }
0x92: {  	_ =	strace s18  }
0x93: {  	s3 =	sld [smem:$0x3FFC];
	_ =	sdelay $0x3  }
0x94: {  	_ =	strace s3  }
0x95: {  	s3 =	sld [smem:$0x3FFD];
	_ =	sdelay $0x3  }
0x96: {  	_ =	strace s3  }
0x97: {  	_ =	strace $0x8FFFFFFF  }
0x98: {  	s19 =	sld [smem:$0x3FDB];
	_ =	sdelay $0x1  }
0x99: {  	s4 =	simm.s32 $_scs_section_size  }
0x9a: {  	s5 =	simm.s32 $_size__tile_overlayer_lowered;
	s6 =	simm.s32 $_tile_overlayer_lowered  }
0x9b: {  	s22 =	simm.s32 $0x1BFF;
	s21 =	sshll.u32 s6, $0x1;
	s3 =	sadd.s32 s4, s19  }
0x9c: {  	s7 =	simm.s32 $0x0;
	s20 =	sshll.u32 s5, $0x1;
	s5 =	sadd.s32 s21, s3  }
0x9d: {  	[timem:s7], [sflag:s22] =	dma.local [hbm:s5], s20  }
0x9e: {  	_ =	swait.ge [sflag:s22], s20  }
0x9f: {  	s4 =	ssub.s32 $0x0, s20;
	[sflag:s22] =	ssyncset.done $0x0  }
0xa0: {  	[sflag:s22] =	ssyncadd.s32 s4;
	_ =	sdelay $0x1  }
0xa1: {  	s23 =	simm.s32 $0x1B8B  }
0xa2: {  	_ =	swait.ge [sflag:s23], $0x1  }
0xa3: {  	[sflag:s23] =	ssyncset.done $0x0  }
0xa4: {  	s25 =	simm.s32 $0x1B8E;
	s24 =	sld [smem:$0x3FFE];
	[sflag:s23] =	ssyncadd.s32 $0xFFFFFFFF  }
0xa5: {  	s26 =	simm.s32 $execute0_lowered;
	[smem:$0x3FD2] =	sst s25  }
0xa6: {  	s5 =	sshll.u32 s26, $0x1;
	_ =	strace $0x8000004C;
	[dreg:$0x1] =	wrdreg $0xFFFFFFFF  }
0xa7: {  	s28 =	simm.s32 $_size_execute0_lowered;
	s3 =	sadd.s32 s3, s5;
	[dreg:$0x0] =	wrdreg $0x0  }
0xa8: {  	s5 =	sshll.u32 s28, $0x1;
	[dreg:$0x2] =	wrdreg s3  }
0xa9: {  	[dreg:$0x3] =	wrdreg s5  }
0xaa: {  	[dreg:$0x4] =	wrdreg $0xC0  }
0xab: {  	_ =	task [dreg:s7], $0x5FFFF  }
0xac: {  	[dreg:$0x1] =	wrdreg $0xFFFFFFFF  }
0xad: {  	[dreg:$0x0] =	wrdreg $0x60  }
0xae: {  	[dreg:$0x2] =	wrdreg s24  }
0xaf: {  	[dreg:$0x3] =	wrdreg s2  }
0xb0: {  	[dreg:$0x4] =	wrdreg $0xBA000  }
0xb1: {  	[dreg:$0x5] =	wrdreg $0x9  }
0xb2: {  	_ =	task.clear_ibuf [dreg:s7], $0x6FFFF;
	_ =	strace $0x9000004C  }
0xb3: {  	s29 =	simm.s32 $0x9;
	_ =	strace $0x8000004E  }
0xb4: {  	_ =	swait.ge [sflag:s29], $0x1  }
0xb5: {  	[sflag:s29] =	ssyncadd.s32 $0xFFFFFFFF  }
0xb6: {  	_ =	strace $0x9000004E  }
0xb7: {  	_ =	sfence  }
0xb8: {  	s30 =	sld [smem:$0x0];
	_ =	sdelay $0x2  }
0xb9: {  	s31 =	sshll.u32 s1, $0xD;
	s1 =	sshrl.u32 s1, $0x2  }
0xba: {  	s3 =	sand.u32 $0x4000, s31;
	s1 =	sadd.s32 s1, s30  }
0xbb: {  	s0 =	sor.u32 s3, s0;
	s1 =	sshll.u32 s1, $0x11  }
0xbc: {  	s0 =	sor.u32 s1, s0  }
0xbd: {  	s0 =	sadd.s32 $0x8F2B, s0  }
0xbe: {  	[sflag:s0] =	ssyncadd.remote.s32 $0x1  }
0xbf: {  	_ =	sfence.sel $0xFFFF  }
0xc0: {  	[dreg:$0x0] =	wrdreg $0xFFFFFFFF;
	(pc) =	sbr.abs _section_cstart, $3  }
0xc1: {  	[dreg:$0x1] =	wrdreg $0xFFFFFFFF  }
0xc2: {  	_ =	task.clear_ibuf [dreg:s7], $0x2FFFF;
	_ =	strace $0x9FFFFFFF  }
0xc3: {  	(tm) =	ssettm $0x7FFFFFFF  }
tec
execute0_lowered:
.L_overlay_start_1:
0x0: {  	(tag) =	ssettag $0x1  }
0x1: {  	s0 =	rddreg [dreg:$0x0]  }
0x2: {  	s2 =	rddreg [dreg:$0x1]  }
0x3: {  	s1 =	rddreg [dreg:$0x2];
	s3 =	srdreg.scid  }
0x4: {  	s12 =	stileid.u32;
	s16 =	simm.s32 $0xA;
	s18 =	simm.s32 $0x80  }
0x5: {  	s19 =	simm.s32 $0x100;
	s28 =	simm.s32 $0x9200;
	s29 =	simm.s32 $0x2  }
0x6: {  	s30 =	simm.s32 $0x7;
	s31 =	simm.s32 $0x3;
	s17 =	simm.s32 $0x0  }
0x7: {  	s6 =	sand.u32 $0x1, s3;
	s3 =	simm.s32 $0x0;
	s8 =	smul.u32 $0x14000, s12  }
0x8: {  	s4 =	sadd.s32 $0x65E00, s0;
	s5 =	sadd.s32 $0x55E00, s0;
	s9 =	sadd.s32 $0x3600, s0  }
0x9: {  	s10 =	smul.u32 $0x50000, s12;
	s11 =	sshll.u32 s12, $0xE;
	s23 =	sshll.u32 s12, $0x6  }
0xa: {  	s7 =	smul.u32 $0x140000, s6;
	[smem:$0x7FF] =	sst s3;
	s20 =	ssub.s32 $0x2, s6  }
0xb: {  	s6 =	sshll.u32 s6, $0x12;
	_ =	strace $0x8000004D;
	[dreg:$0x4] =	wrdreg s9  }
0xc: {  	s21 =	sshrl.u32 s20, $0x1;
	s22 =	sshrl.u32 s10, $0x2;
	s7 =	sadd.s32 s8, s7  }
0xd: {  	s14 =	ssub.s32 s20, s21;
	s8 =	sor.u32 $0x1C0A, s23;
	s20 =	simm.s32 $0x4  }
0xe: {  	s21 =	simm.s32 $0x50;
	s23 =	simm.s32 $0x5;
	s7 =	sshrl.u32 s7, $0x3  }
0xf: {  	s14 =	smax.u32 s14, $0x1;
	s0 =	sadd.s32 s7, s0;
	s7 =	sor.u32 s11, s6  }
0x10: {  	s6 =	sadd.s32 s22, s1;
	s22 =	simm.s32 $0x4200;
	s24 =	sshrl.u32 s7, $0x3  }
0x11: {  	s0 =	sadd.s32 $0x8DE00, s0;
	s15 =	sshrl.u32 s6, $0x3;
	s9 =	sadd.s32 s5, s24  }
0x12: {  	s2 =	sadd.s32 s2, s24;
	[dreg:$0x8] =	wrdreg s0;
	s24 =	simm.s32 $0x6A00  }
0x13: {  	s0 =	simm.s32 $0x8;
	[dreg:$0x5] =	wrdreg s2;
	s25 =	sadd.s32 $0x10, s9  }
0x14: {  	s26 =	sadd.s32 $0x20, s9;
	s2 =	simm.s32 $0x9;
	[dreg:$0x6] =	wrdreg s25  }
0x15: {  	[dreg:$0x7] =	wrdreg s26;
	s25 =	simm.s32 $0x1;
	s26 =	simm.s32 $0x6  }
.LBB2_1:
0x16: {  	s6 =	rddreg [dreg:$0x4]  }
0x17: {  	[spmem:s15], [sflag:s8] =	dma.local [hbm:s6], $0x2800  }
0x18: {  	_ =	swait.ge [sflag:s16], $0x2800  }
0x19: {  	[sflag:s16] =	ssyncset.done $0x0  }
0x1a: {  	[sflag:s16] =	ssyncadd.s32 $0xFFFFD800  }
0x1b: {  	[bflag:$0x0] =	sbarrier.arrive $0xFFFF  }
0x1c: {  	s10 =	simm.s32 $0x200;
	s11 =	rddreg [dreg:$0x5]  }
0x1d: {  	[tilespmem:s10], [sflag:$0xA] =	stream.linear.gather [hbm4b:s11+s3], $0x3F00, $0x38;
	[tilespmem:$0x1FA00] =	vst v63  }
0x1e: {  	_ =	swait.ge [sflag:s16], $0x3F00  }
0x1f: {  	[sflag:s16] =	ssyncset.done $0x0  }
0x20: {  	[sflag:s16] =	ssyncadd.s32 $0xFFFFC100  }
0x21: {  	[tilespmem:s3], [sflag:$0x4] =	stream.linear.gather [hbm4b:s9+s3], $0x80, $0x38;
	[tilespmem:$0x1FA00] =	vst v63  }
0x22: {  	s12 =	rddreg [dreg:$0x6]  }
0x23: {  	[tilespmem:s18], [sflag:$0x5] =	stream.linear.gather [hbm4b:s12+s3], $0x80, $0x38;
	[tilespmem:$0x1FA00] =	vst v63  }
0x24: {  	s13 =	rddreg [dreg:$0x7]  }
0x25: {  	[tilespmem:s19], [sflag:$0x6] =	stream.linear.gather [hbm4b:s13+s3], $0x80, $0x38;
	[tilespmem:$0x1FA00] =	vst v63  }
0x26: {  	_ =	swait.ge [sflag:s20], $0x80  }
0x27: {  	[sflag:s20] =	ssyncset.done $0x0  }
0x28: {  	[sflag:s20] =	ssyncadd.s32 $0xFFFFFF80  }
0x29: {  	[tilespmem:s22], [sflag:$0x1] =	stream.indirect.gather [hbm4b:s4+s21], $0x80, s3, s21, $0xb8;
	[tilespmem:$0x1FA00] =	vst v63  }
.Ltmp0:
0x2a: {  	_ = 	snop;
	(pc) =	sbr.rel .LBB2_2-.Ltmp0, $4  }
0x2b: {  	_ =	swait.ge [sflag:s23], $0x80  }
0x2c: {  	s6 =	simm.s32 $0x300;
	[sflag:s23] =	ssyncset.done $0x0  }
0x2d: {  	s10 =	simm.s32 $0x29;
	s11 =	simm.s32 $0x280;
	[sflag:s23] =	ssyncadd.s32 $0xFFFFFF80  }
0x2e: {  	[tilespmem:s24], [sflag:$0x2] =	stream.indirect.gather [hbm4b:s4+s21], $0x80, s18, s21, $0xb8;
	[tilespmem:$0x1FA00] =	vst v63  }
.LBB2_3:
0x2f: {  	[tilespmem:s28], [sflag:$0x3] =	stream.indirect.gather [hbm4b:s4+s21], $0x80, s19, s21, $0xb8;
	[tilespmem:$0x1FA00] =	vst v63  }
.LBB2_5:
0x30: {  	s12 =	sadd.s32 $0xFFFFFF00, s11  }
0x31: {  	s13 =	sand.u32 $0xFC00, s12  }
0x32: {  	s12 =	sand.u32 $0x380, s12;
	s13 =	sadd.s32 s7, s13  }
0x33: {  	s12 =	sor.u32 s12, s13  }
0x34: {  	s12 =	sshrl.u32 s12, $0x3  }
0x35: {  	s12 =	sadd.s32 s5, s12  }
0x36: {  	[tilespmem:s3], [sflag:$0x4] =	stream.linear.gather [hbm4b:s12+s3], $0x80, $0x38;
	[tilespmem:$0x1FA00] =	vst v63  }
0x37: {  	_ =	swait.ge [sflag:s29], $0x2800  }
0x38: {  	[sflag:s29] =	ssyncset.done $0x0  }
0x39: {  	s13 =	sadd.s32 $0xFFFFFF80, s6;
	[sflag:s29] =	ssyncadd.s32 $0xFFFFD800  }
0x3a: {  	[spmem:s1] =	stream.indirect.scatter.add.f32 [tilespmem:s24], [sflag:$0x8], $0x80, s13, s21, $0xb8;
	[tilespmem:$0x1FA00] =	vst v63  }
0x3b: {  	_ =	swait.ge [sflag:s20], $0x80  }
0x3c: {  	s12 =	sadd.s32 $0xFFFFFF80, s11;
	[sflag:s20] =	ssyncset.done $0x0  }
0x3d: {  	s13 =	sand.u32 $0xFC00, s12;
	[sflag:s20] =	ssyncadd.s32 $0xFFFFFF80  }
0x3e: {  	s12 =	sand.u32 $0x380, s12;
	s13 =	sadd.s32 s7, s13;
	_ =	swait.ge [sflag:s30], $0x2800  }
0x3f: {  	s12 =	sor.u32 s12, s13;
	[sflag:s30] =	ssyncset.done $0x0  }
0x40: {  	s12 =	sshrl.u32 s12, $0x3;
	[sflag:s30] =	ssyncadd.s32 $0xFFFFD800  }
0x41: {  	[tilespmem:s22], [sflag:$0x1] =	stream.indirect.gather [hbm4b:s4+s21], $0x80, s3, s21, $0xb8;
	[tilespmem:$0x1FA00] =	vst v63  }
0x42: {  	s12 =	sadd.s32 s5, s12  }
0x43: {  	[tilespmem:s18], [sflag:$0x5] =	stream.linear.gather [hbm4b:s12+s3], $0x80, $0x38;
	[tilespmem:$0x1FA00] =	vst v63  }
0x44: {  	_ =	swait.ge [sflag:s31], $0x2800  }
0x45: {  	[sflag:s31] =	ssyncset.done $0x0  }
0x46: {  	[sflag:s31] =	ssyncadd.s32 $0xFFFFD800  }
0x47: {  	[spmem:s1] =	stream.indirect.scatter.add.f32 [tilespmem:s28], [sflag:$0x9], $0x80, s6, s21, $0xb8;
	[tilespmem:$0x1FA00] =	vst v63  }
0x48: {  	_ =	swait.ge [sflag:s23], $0x80  }
0x49: {  	[sflag:s23] =	ssyncset.done $0x0  }
0x4a: {  	s13 =	sand.u32 $0xFC00, s11;
	[sflag:s23] =	ssyncadd.s32 $0xFFFFFF80  }
0x4b: {  	s12 =	sadd.s32 s7, s13;
	s13 =	sand.u32 $0x380, s11;
	_ =	swait.ge [sflag:s0], $0x2800  }
0x4c: {  	s12 =	sor.u32 s13, s12;
	[sflag:s0] =	ssyncset.done $0x0  }
0x4d: {  	s10 =	sadd.s32 $0xFFFFFFFF, s10;
	s12 =	sshrl.u32 s12, $0x3;
	[sflag:s0] =	ssyncadd.s32 $0xFFFFD800  }
0x4e: {  	[tilespmem:s24], [sflag:$0x2] =	stream.indirect.gather [hbm4b:s4+s21], $0x80, s18, s21, $0xb8;
	[tilespmem:$0x1FA00] =	vst v63  }
0x4f: {  	s11 =	sadd.s32 $0x180, s11;
	s12 =	sadd.s32 s5, s12;
	s6 =	sadd.s32 $0x180, s6  }
0x50: {  	[tilespmem:s19], [sflag:$0x6] =	stream.linear.gather [hbm4b:s12+s3], $0x80, $0x38;
	[tilespmem:$0x1FA00] =	vst v63  }
.LBB2_2:
0x51: {  	_ =	swait.ge [sflag:s25], $0x2800  }
0x52: {  	p0 =	sne.s32 s10, $0x29;
	[sflag:s25] =	ssyncset.done $0x0  }
.Ltmp1:
0x53: {  	s12 =	sadd.s32 $0xFFFFFF00, s6;
	[sflag:s25] =	ssyncadd.s32 $0xFFFFD800;
	(pc) =	sbr.rel @!p0 .LBB2_3-.Ltmp1, $4  }
0x54: {  	[spmem:s1] =	stream.indirect.scatter.add.f32 [tilespmem:s22], [sflag:$0x7], $0x80, s12, s21, $0xb8;
	[tilespmem:$0x1FA00] =	vst v63  }
0x55: {  	_ =	swait.ge [sflag:s26], $0x80  }
0x56: {  	[sflag:s26] =	ssyncset.done $0x0  }
0x57: {  	[sflag:s26] =	ssyncadd.s32 $0xFFFFFF80  }
0x58: {  	p0 =	seq.s32 s10, $0x0  }
.Ltmp2:
0x59: {  	_ = 	snop;
	(pc) =	sbr.rel @!p0 .LBB2_5-.Ltmp2, $4  }
0x5a: {  	_ =	swait.ge [sflag:s2], $0x2800  }
0x5b: {  	[sflag:s2] =	ssyncset.done $0x0  }
0x5c: {  	[sflag:s2] =	ssyncadd.s32 $0xFFFFD800  }
0x5d: {  	[tilespmem:s28], [sflag:$0x3] =	stream.indirect.gather [hbm4b:s4+s21], $0x80, s19, s21, $0xb8;
	[tilespmem:$0x1FA00] =	vst v63  }
0x5e: {  	_ =	swait.ge [sflag:s29], $0x2800  }
0x5f: {  	[sflag:s29] =	ssyncset.done $0x0  }
0x60: {  	s10 =	sadd.s32 $0xFFFFFF80, s6;
	[sflag:s29] =	ssyncadd.s32 $0xFFFFD800  }
0x61: {  	[spmem:s1] =	stream.indirect.scatter.add.f32 [tilespmem:s24], [sflag:$0x8], $0x80, s10, s21, $0xb8;
	[tilespmem:$0x1FA00] =	vst v63  }
0x62: {  	_ =	swait.ge [sflag:s31], $0x2800  }
0x63: {  	[sflag:s31] =	ssyncset.done $0x0  }
0x64: {  	[sflag:s31] =	ssyncadd.s32 $0xFFFFD800  }
0x65: {  	[spmem:s1] =	stream.indirect.scatter.add.f32 [tilespmem:s28], [sflag:$0x9], $0x80, s6, s21, $0xb8;
	[tilespmem:$0x1FA00] =	vst v63  }
0x66: {  	_ =	swait.ge [sflag:s30], $0x2800  }
0x67: {  	[sflag:s30] =	ssyncset.done $0x0  }
0x68: {  	[sflag:s30] =	ssyncadd.s32 $0xFFFFD800  }
0x69: {  	_ =	swait.ge [sflag:s0], $0x2800  }
0x6a: {  	[sflag:s0] =	ssyncset.done $0x0  }
0x6b: {  	[sflag:s0] =	ssyncadd.s32 $0xFFFFD800  }
0x6c: {  	_ =	swait.ge [sflag:s2], $0x2800  }
0x6d: {  	[sflag:s2] =	ssyncset.done $0x0  }
0x6e: {  	s17 =	sadd.s32 $0x1, s17;
	[sflag:s2] =	ssyncadd.s32 $0xFFFFD800  }
0x6f: {  	p0 =	sne.s32 s17, s14;
	[bflag:$0x0] =	sbarrier.arrive $0xFFFF  }
.Ltmp3:
0x70: {  	s13 =	rddreg [dreg:$0x8];
	(pc) =	sbr.rel @p0 .LBB2_1-.Ltmp3, $4  }
0x71: {  	[hbm:s13], [sflag:s8] =	dma.local [spmem:s15], $0x2800  }
0x72: {  	_ =	swait.ge [sflag:s16], $0x2800  }
0x73: {  	[sflag:s16] =	ssyncset.done $0x0  }
0x74: {  	[sflag:s16] =	ssyncadd.s32 $0xFFFFD800  }
0x75: {  	_ =	sfence.sel $0x180000  }
0x76: {  	[bflag:$0x0] =	sbarrier.arrive $0xFFFF  }
0x77: {  	_ =	strace $0x9000004D  }
0x78: {  	s0 =	stileid.u32;
	[bflag:$0x2] =	sbarrier.arrive $0xFFFF  }
0x79: {  	p0 =	sne.s32 s0, $0x0;
	s0 =	rddreg [dreg:$0x3]  }
0x7a: {  	s0 =	sadd.s32 @!p0 $0x100000, s0  }
0x7b: {  	[sflag:s0] =	ssyncadd.tile.s32 @!p0 $0x1;
	_ =	shalt  }
.Lfunc_end2:
_tile_overlayer_lowered:
.L_overlay_start_2:
0x7c: {  	(tag) =	ssettag $0x2  }
0x7d: {  	s0 =	rddreg [dreg:$0x0];
	s2 =	stileid.u32  }
0x7e: {  	s1 =	rddreg [dreg:$0x1];
	p0 =	sne.s32 s2, $0x0  }
0x7f: {  	s3 =	rddreg [dreg:$0x2];
	[bflag:$0x3] =	sbarrier.arrive $0xFFFF;
	s2 =	simm.s32 @!p0 $0x1C0A  }
0x80: {  	[timem:s3], [sflag:s2] =	dma.local @!p0 [hbm:s0], s1  }
0x81: {  	s0 =	simm.s32 @!p0 $0xA  }
0x82: {  	_ =	swait.ge @!p0 [sflag:s0], s1  }
0x83: {  	s1 =	ssub.s32 @!p0 $0x0, s1;
	[sflag:s0] =	ssyncset.done @!p0 $0x0  }
0x84: {  	[sflag:s0] =	ssyncadd.s32 @!p0 s1  }
0x85: {  	[bflag:$0x3] =	sbarrier.arrive $0xFFFF  }
0x86: {  	_ =	shalt  }

// kernel: kernel.19.cloned.1.call-start
scs
__scs_entry_jumppad:
0x0: {  	(pc) =	sbr.rel $0x88, $3  }
0x1: {  	(tag) =	ssettag $0x0;
	lr =	simm.s32 $0x1  }
0x2: {  	[smem:$0x3F99] =	sst lr;
	_ =	strace $0xD0000000  }
0x3: {  	_ = 	snop  }
0x4: {  	_ = 	snop  }
0x5: {  	_ = 	snop  }
0x6: {  	_ = 	snop  }
0x7: {  	_ = 	snop  }
__scs_overlays_trampoline_lowered:
0x8: {  	[smem:$0x3FA8] =	sst s0  }
0x9: {  	[smem:$0x3FA9] =	sst s1  }
0xa: {  	[smem:$0x3FAA] =	sst s2  }
0xb: {  	[smem:$0x3FAB] =	sst s3  }
0xc: {  	[smem:$0x3FAC] =	sst s4  }
0xd: {  	[smem:$0x3FAD] =	sst s5  }
0xe: {  	[smem:$0x3FAE] =	sst s6  }
0xf: {  	[smem:$0x3FAF] =	sst s7  }
0x10: {  	[smem:$0x3FB0] =	sst s8  }
0x11: {  	[smem:$0x3FB1] =	sst s9;
	s0 =	simm.s32 @!p0 $0x0  }
0x12: {  	s1 =	sld [smem:$0x3F97];
	s0 =	simm.s32 @p0 $0x1  }
0x13: {  	[smem:$0x3FB2] =	sst s0;
	s0 =	simm.s32 @!p1 $0x0  }
0x14: {  	s2 =	sld [smem:$0x3F96];
	s0 =	simm.s32 @p1 $0x1  }
0x15: {  	[smem:$0x3FB3] =	sst s0;
	s0 =	simm.s32 @!p2 $0x0  }
0x16: {  	s3 =	sld [smem:$0x3FDB];
	s0 =	simm.s32 @p2 $0x1  }
0x17: {  	s4 =	simm.s32 $0x1BF5;
	[smem:$0x3FB5] =	sst s0  }
0x18: {  	s0 =	sld [smem:$0x3F98];
	_ =	swait.ge [sflag:s4], $0x0  }
0x19: {  	s7 =	sld [smem:$0x3F99]  }
0x1a: {  	s8 =	sadd.s32 $0xFFFFE003, lr  }
0x1b: {  	s9 =	sadd.s32 $0xFFFFFEF7, lr;
	s5 =	simm.s32 $0xFFFFFFFF;
	p2 =	slt.u32 s8, $0xFFFFF086  }
0x1c: {  	p1 =	slt.u32 s9, $0xF7A;
	s5 =	simm.s32 @!p2 $0x0  }
0x1d: {  	s5 =	simm.s32 @p1 $0x1;
	p0 =	seq.s32 s7, s2  }
0x1e: {  	s7 =	smul.u32 @!p0 $0xF7A, s2;
	p2 =	seq.s32 @!p0 s5, $0x0  }
0x1f: {  	s9 =	smul.u32 $0xF7A, s1;
	s8 =	simm.s32 @!p0 $0x1BF5;
	p2 =	por !p2, p0  }
0x20: {  	[sflag:s8] =	ssyncset.s32 @!p0 $0xFFFFF086;
	s6 =	sadd.s32 @!p0 s3, s7;
	s7 =	simm.s32 @!p0 $0x108  }
0x21: {  	s3 =	sadd.s32 s3, s9;
	s6 =	sadd.s32 @!p0 $0x88, s6;
	s7 =	simm.s32 @p2 $0x1082  }
0x22: {  	[simem:s7], [sflag:s8] =	dma.local @!p0 [hbm:s6], $0xF7A  }
0x23: {  	s9 =	sor.u32 $0xD0000000, s2;
	s6 =	simm.s32 $0x108;
	_ =	swait.ge @!p0 [sflag:s8], $0x0  }
0x24: {  	s3 =	sadd.s32 $0x88, s3;
	s6 =	simm.s32 @!p1 $0x1082;
	[sflag:s4] =	ssyncset.s32 $0xFFFFF086  }
0x25: {  	[simem:s6], [sflag:s4] =	dma.local [hbm:s3], $0xF7A  }
0x26: {  	[smem:$0x3F99] =	sst s1;
	(tag) =	ssettag s2;
	_ =	strace s9  }
0x27: {  	s1 =	sld [smem:$0x3FA9]  }
0x28: {  	s2 =	sld [smem:$0x3FAA]  }
0x29: {  	s4 =	sld [smem:$0x3FAC]  }
0x2a: {  	p0 =	seq.s32 s5, $0x0;
	s5 =	sld [smem:$0x3FAD]  }
0x2b: {  	s6 =	sld [smem:$0x3FAE]  }
0x2c: {  	s7 =	sld [smem:$0x3FAF]  }
0x2d: {  	s3 =	simm.s32 $0x108;
	s8 =	sld [smem:$0x3FB0]  }
0x2e: {  	s3 =	simm.s32 @!p0 $0x1082;
	s9 =	sld [smem:$0x3FB1]  }
0x2f: {  	lr =	sadd.s32 s0, s3;
	s0 =	sld [smem:$0x3FA8]  }
0x30: {  	s3 =	sld [smem:$0x3FAB]  }
0x31: {  	[smem:$0x3FB4] =	sst s10  }
0x32: {  	s10 =	sld [smem:$0x3FB2];
	_ =	sdelay $0x3  }
0x33: {  	p0 =	seq.s32 s10, $0x1;
	s10 =	sld [smem:$0x3FB4];
	_ =	sdelay $0x3  }
0x34: {  	[smem:$0x3FB4] =	sst s10  }
0x35: {  	s10 =	sld [smem:$0x3FB3];
	_ =	sdelay $0x3  }
0x36: {  	p1 =	seq.s32 s10, $0x1;
	s10 =	sld [smem:$0x3FB4];
	_ =	sdelay $0x3  }
0x37: {  	[smem:$0x3FB4] =	sst s10  }
0x38: {  	s10 =	sld [smem:$0x3FB5]  }
0x39: {  	_ = 	snop;
	(pc) =	sbr.ind lr, $3  }
0x3a: {  	_ = 	snop  }
0x3b: {  	_ = 	snop  }
0x3c: {  	p2 =	seq.s32 s10, $0x1;
	s10 =	sld [smem:$0x3FB4]  }
0x3d: {  	_ =	shalt  }
0x3e: {  	_ =	shalt  }
0x3f: {  	_ =	shalt  }
0x40: {  	_ =	shalt  }
0x41: {  	_ =	shalt  }
0x42: {  	_ =	shalt  }
0x43: {  	_ =	shalt  }
0x44: {  	_ =	shalt  }
0x45: {  	_ =	shalt  }
0x46: {  	_ =	shalt  }
0x47: {  	_ =	shalt  }
0x48: {  	_ =	shalt  }
0x49: {  	_ =	shalt  }
0x4a: {  	_ =	shalt  }
0x4b: {  	_ =	shalt  }
0x4c: {  	_ =	shalt  }
0x4d: {  	_ =	shalt  }
0x4e: {  	_ =	shalt  }
0x4f: {  	_ =	shalt  }
0x50: {  	_ =	shalt  }
0x51: {  	_ =	shalt  }
0x52: {  	_ =	shalt  }
0x53: {  	_ =	shalt  }
0x54: {  	_ =	shalt  }
0x55: {  	_ =	shalt  }
0x56: {  	_ =	shalt  }
0x57: {  	_ =	shalt  }
0x58: {  	_ =	shalt  }
0x59: {  	_ =	shalt  }
0x5a: {  	_ =	shalt  }
0x5b: {  	_ =	shalt  }
0x5c: {  	_ =	shalt  }
0x5d: {  	_ =	shalt  }
0x5e: {  	_ =	shalt  }
0x5f: {  	_ =	shalt  }
0x60: {  	_ =	shalt  }
0x61: {  	_ =	shalt  }
0x62: {  	_ =	shalt  }
0x63: {  	_ =	shalt  }
0x64: {  	_ =	shalt  }
0x65: {  	_ =	shalt  }
0x66: {  	_ =	shalt  }
0x67: {  	_ =	shalt  }
0x68: {  	_ =	shalt  }
0x69: {  	_ =	shalt  }
0x6a: {  	_ =	shalt  }
0x6b: {  	_ =	shalt  }
0x6c: {  	_ =	shalt  }
0x6d: {  	_ =	shalt  }
0x6e: {  	_ =	shalt  }
0x6f: {  	_ =	shalt  }
0x70: {  	_ =	shalt  }
0x71: {  	_ =	shalt  }
0x72: {  	_ =	shalt  }
0x73: {  	_ =	shalt  }
0x74: {  	_ =	shalt  }
0x75: {  	_ =	shalt  }
0x76: {  	_ =	shalt  }
0x77: {  	_ =	shalt  }
0x78: {  	_ =	shalt  }
0x79: {  	_ =	shalt  }
0x7a: {  	_ =	shalt  }
0x7b: {  	_ =	shalt  }
0x7c: {  	_ =	shalt  }
0x7d: {  	_ =	shalt  }
0x7e: {  	_ =	shalt  }
0x7f: {  	_ =	shalt  }
0x80: {  	_ =	shalt  }
0x81: {  	_ =	shalt  }
0x82: {  	_ =	shalt  }
0x83: {  	_ =	shalt  }
0x84: {  	_ =	shalt  }
0x85: {  	_ =	shalt  }
0x86: {  	_ =	shalt  }
0x87: {  	_ =	shalt  }
.Lfunc_end0:
.L_simem_size_0:
called_computation.3_lowered:
.L_overlay_start_0:
0x88: {  	s2 =	sld [smem:$0x3FD9]  }
0x89: {  	s3 =	sld [smem:$0x3FFE];
	_ =	sdelay $0x1  }
0x8a: {  	s1 =	srdreg.scid  }
0x8b: {  	s0 =	sand.u32 $0x1, s1  }
0x8c: {  	s17 =	sshll.u32 s0, $0xA;
	s2 =	sadd.s32 s3, s2  }
0x8d: {  	s2 =	sadd.s32 s2, s17  }
0x8e: {  	[smem:$0x3FC0] =	sst s2  }
0x8f: {  	_ = 	snop  }
0x90: {  	s2 =	sld [smem:$0x3FD0];
	(tm) =	ssettm $0x1  }
0x91: {  	s18 =	sld [smem:$0x3FFB];
	_ =	sdelay $0x3  }
0x92: {  	_ =	strace s18  }
0x93: {  	s3 =	sld [smem:$0x3FFC];
	_ =	sdelay $0x3  }
0x94: {  	_ =	strace s3  }
0x95: {  	s3 =	sld [smem:$0x3FFD];
	_ =	sdelay $0x3  }
0x96: {  	_ =	strace s3  }
0x97: {  	_ =	strace $0x8FFFFFFF  }
0x98: {  	s19 =	sld [smem:$0x3FDB];
	_ =	sdelay $0x1  }
0x99: {  	s4 =	simm.s32 $_scs_section_size  }
0x9a: {  	s5 =	simm.s32 $_size__tile_overlayer_lowered;
	s6 =	simm.s32 $_tile_overlayer_lowered  }
0x9b: {  	s22 =	simm.s32 $0x1BFF;
	s21 =	sshll.u32 s6, $0x1;
	s3 =	sadd.s32 s4, s19  }
0x9c: {  	s7 =	simm.s32 $0x0;
	s20 =	sshll.u32 s5, $0x1;
	s5 =	sadd.s32 s21, s3  }
0x9d: {  	[timem:s7], [sflag:s22] =	dma.local [hbm:s5], s20  }
0x9e: {  	_ =	swait.ge [sflag:s22], s20  }
0x9f: {  	s4 =	ssub.s32 $0x0, s20;
	[sflag:s22] =	ssyncset.done $0x0  }
0xa0: {  	[sflag:s22] =	ssyncadd.s32 s4;
	_ =	sdelay $0x1  }
0xa1: {  	s23 =	simm.s32 $0x1B8B  }
0xa2: {  	_ =	swait.ge [sflag:s23], $0x1  }
0xa3: {  	[sflag:s23] =	ssyncset.done $0x0  }
0xa4: {  	s25 =	simm.s32 $0x1B8E;
	s24 =	sld [smem:$0x3FFE];
	[sflag:s23] =	ssyncadd.s32 $0xFFFFFFFF  }
0xa5: {  	s26 =	simm.s32 $execute0_lowered;
	[smem:$0x3FD2] =	sst s25  }
0xa6: {  	s5 =	sshll.u32 s26, $0x1;
	_ =	strace $0x8000004F;
	[dreg:$0x1] =	wrdreg $0xFFFFFFFF  }
0xa7: {  	s28 =	simm.s32 $_size_execute0_lowered;
	s3 =	sadd.s32 s3, s5;
	[dreg:$0x0] =	wrdreg $0x0  }
0xa8: {  	s5 =	sshll.u32 s28, $0x1;
	[dreg:$0x2] =	wrdreg s3  }
0xa9: {  	[dreg:$0x3] =	wrdreg s5  }
0xaa: {  	[dreg:$0x4] =	wrdreg $0xC0  }
0xab: {  	_ =	task [dreg:s7], $0x5FFFF  }
0xac: {  	[dreg:$0x1] =	wrdreg $0xFFFFFFFF  }
0xad: {  	[dreg:$0x0] =	wrdreg $0x60  }
0xae: {  	[dreg:$0x2] =	wrdreg s24  }
0xaf: {  	[dreg:$0x3] =	wrdreg s2  }
0xb0: {  	[dreg:$0x4] =	wrdreg $0xBA000  }
0xb1: {  	[dreg:$0x5] =	wrdreg $0x9  }
0xb2: {  	_ =	task.clear_ibuf [dreg:s7], $0x6FFFF;
	_ =	strace $0x9000004F  }
0xb3: {  	s29 =	simm.s32 $0x9;
	_ =	strace $0x80000051  }
0xb4: {  	_ =	swait.ge [sflag:s29], $0x1  }
0xb5: {  	[sflag:s29] =	ssyncadd.s32 $0xFFFFFFFF  }
0xb6: {  	_ =	strace $0x90000051  }
0xb7: {  	_ =	sfence  }
0xb8: {  	s30 =	sld [smem:$0x0];
	_ =	sdelay $0x2  }
0xb9: {  	s31 =	sshll.u32 s1, $0xD;
	s1 =	sshrl.u32 s1, $0x2  }
0xba: {  	s3 =	sand.u32 $0x4000, s31;
	s1 =	sadd.s32 s1, s30  }
0xbb: {  	s0 =	sor.u32 s3, s0;
	s1 =	sshll.u32 s1, $0x11  }
0xbc: {  	s0 =	sor.u32 s1, s0  }
0xbd: {  	s0 =	sadd.s32 $0x8F2B, s0  }
0xbe: {  	[sflag:s0] =	ssyncadd.remote.s32 $0x1  }
0xbf: {  	_ =	sfence.sel $0xFFFF  }
0xc0: {  	[dreg:$0x0] =	wrdreg $0xFFFFFFFF;
	(pc) =	sbr.abs _section_cstart, $3  }
0xc1: {  	[dreg:$0x1] =	wrdreg $0xFFFFFFFF  }
0xc2: {  	_ =	task.clear_ibuf [dreg:s7], $0x2FFFF;
	_ =	strace $0x9FFFFFFF  }
0xc3: {  	(tm) =	ssettm $0x7FFFFFFF  }
tec
execute0_lowered:
.L_overlay_start_1:
0x0: {  	(tag) =	ssettag $0x1  }
0x1: {  	s0 =	rddreg [dreg:$0x0]  }
0x2: {  	s2 =	rddreg [dreg:$0x1]  }
0x3: {  	s1 =	rddreg [dreg:$0x2];
	s3 =	srdreg.scid  }
0x4: {  	s12 =	stileid.u32;
	s16 =	simm.s32 $0xA;
	s18 =	simm.s32 $0x80  }
0x5: {  	s19 =	simm.s32 $0x100;
	s28 =	simm.s32 $0x9200;
	s29 =	simm.s32 $0x2  }
0x6: {  	s30 =	simm.s32 $0x7;
	s31 =	simm.s32 $0x3;
	s17 =	simm.s32 $0x0  }
0x7: {  	s6 =	sand.u32 $0x1, s3;
	s3 =	simm.s32 $0x0;
	s8 =	smul.u32 $0x14000, s12  }
0x8: {  	s4 =	sadd.s32 $0x65E00, s0;
	s5 =	sadd.s32 $0x55E00, s0;
	s9 =	sadd.s32 $0x3600, s0  }
0x9: {  	s10 =	smul.u32 $0x50000, s12;
	s11 =	sshll.u32 s12, $0xE;
	s23 =	sshll.u32 s12, $0x6  }
0xa: {  	s7 =	smul.u32 $0x140000, s6;
	[smem:$0x7FF] =	sst s3;
	s20 =	ssub.s32 $0x2, s6  }
0xb: {  	s6 =	sshll.u32 s6, $0x12;
	_ =	strace $0x80000050;
	[dreg:$0x4] =	wrdreg s9  }
0xc: {  	s21 =	sshrl.u32 s20, $0x1;
	s22 =	sshrl.u32 s10, $0x2;
	s7 =	sadd.s32 s8, s7  }
0xd: {  	s14 =	ssub.s32 s20, s21;
	s8 =	sor.u32 $0x1C0A, s23;
	s20 =	simm.s32 $0x4  }
0xe: {  	s21 =	simm.s32 $0x50;
	s23 =	simm.s32 $0x5;
	s7 =	sshrl.u32 s7, $0x3  }
0xf: {  	s14 =	smax.u32 s14, $0x1;
	s0 =	sadd.s32 s7, s0;
	s7 =	sor.u32 s11, s6  }
0x10: {  	s6 =	sadd.s32 s22, s1;
	s22 =	simm.s32 $0x4200;
	s24 =	sshrl.u32 s7, $0x3  }
0x11: {  	s0 =	sadd.s32 $0x8DE00, s0;
	s15 =	sshrl.u32 s6, $0x3;
	s9 =	sadd.s32 s5, s24  }
0x12: {  	s2 =	sadd.s32 s2, s24;
	[dreg:$0x8] =	wrdreg s0;
	s24 =	simm.s32 $0x6A00  }
0x13: {  	s0 =	simm.s32 $0x8;
	[dreg:$0x5] =	wrdreg s2;
	s25 =	sadd.s32 $0x10, s9  }
0x14: {  	s26 =	sadd.s32 $0x20, s9;
	s2 =	simm.s32 $0x9;
	[dreg:$0x6] =	wrdreg s25  }
0x15: {  	[dreg:$0x7] =	wrdreg s26;
	s25 =	simm.s32 $0x1;
	s26 =	simm.s32 $0x6  }
.LBB2_1:
0x16: {  	s6 =	rddreg [dreg:$0x4]  }
0x17: {  	[spmem:s15], [sflag:s8] =	dma.local [hbm:s6], $0x2800  }
0x18: {  	_ =	swait.ge [sflag:s16], $0x2800  }
0x19: {  	[sflag:s16] =	ssyncset.done $0x0  }
0x1a: {  	[sflag:s16] =	ssyncadd.s32 $0xFFFFD800  }
0x1b: {  	[bflag:$0x0] =	sbarrier.arrive $0xFFFF  }
0x1c: {  	s10 =	simm.s32 $0x200;
	s11 =	rddreg [dreg:$0x5]  }
0x1d: {  	[tilespmem:s10], [sflag:$0xA] =	stream.linear.gather [hbm4b:s11+s3], $0x3F00, $0x38;
	[tilespmem:$0x1FA00] =	vst v63  }
0x1e: {  	_ =	swait.ge [sflag:s16], $0x3F00  }
0x1f: {  	[sflag:s16] =	ssyncset.done $0x0  }
0x20: {  	[sflag:s16] =	ssyncadd.s32 $0xFFFFC100  }
0x21: {  	[tilespmem:s3], [sflag:$0x4] =	stream.linear.gather [hbm4b:s9+s3], $0x80, $0x38;
	[tilespmem:$0x1FA00] =	vst v63  }
0x22: {  	s12 =	rddreg [dreg:$0x6]  }
0x23: {  	[tilespmem:s18], [sflag:$0x5] =	stream.linear.gather [hbm4b:s12+s3], $0x80, $0x38;
	[tilespmem:$0x1FA00] =	vst v63  }
0x24: {  	s13 =	rddreg [dreg:$0x7]  }
0x25: {  	[tilespmem:s19], [sflag:$0x6] =	stream.linear.gather [hbm4b:s13+s3], $0x80, $0x38;
	[tilespmem:$0x1FA00] =	vst v63  }
0x26: {  	_ =	swait.ge [sflag:s20], $0x80  }
0x27: {  	[sflag:s20] =	ssyncset.done $0x0  }
0x28: {  	[sflag:s20] =	ssyncadd.s32 $0xFFFFFF80  }
0x29: {  	[tilespmem:s22], [sflag:$0x1] =	stream.indirect.gather [hbm4b:s4+s21], $0x80, s3, s21, $0xb8;
	[tilespmem:$0x1FA00] =	vst v63  }
.Ltmp0:
0x2a: {  	_ = 	snop;
	(pc) =	sbr.rel .LBB2_2-.Ltmp0, $4  }
0x2b: {  	_ =	swait.ge [sflag:s23], $0x80  }
0x2c: {  	s6 =	simm.s32 $0x300;
	[sflag:s23] =	ssyncset.done $0x0  }
0x2d: {  	s10 =	simm.s32 $0x29;
	s11 =	simm.s32 $0x280;
	[sflag:s23] =	ssyncadd.s32 $0xFFFFFF80  }
0x2e: {  	[tilespmem:s24], [sflag:$0x2] =	stream.indirect.gather [hbm4b:s4+s21], $0x80, s18, s21, $0xb8;
	[tilespmem:$0x1FA00] =	vst v63  }
.LBB2_3:
0x2f: {  	[tilespmem:s28], [sflag:$0x3] =	stream.indirect.gather [hbm4b:s4+s21], $0x80, s19, s21, $0xb8;
	[tilespmem:$0x1FA00] =	vst v63  }
.LBB2_5:
0x30: {  	s12 =	sadd.s32 $0xFFFFFF00, s11  }
0x31: {  	s13 =	sand.u32 $0xFC00, s12  }
0x32: {  	s12 =	sand.u32 $0x380, s12;
	s13 =	sadd.s32 s7, s13  }
0x33: {  	s12 =	sor.u32 s12, s13  }
0x34: {  	s12 =	sshrl.u32 s12, $0x3  }
0x35: {  	s12 =	sadd.s32 s5, s12  }
0x36: {  	[tilespmem:s3], [sflag:$0x4] =	stream.linear.gather [hbm4b:s12+s3], $0x80, $0x38;
	[tilespmem:$0x1FA00] =	vst v63  }
0x37: {  	_ =	swait.ge [sflag:s29], $0x2800  }
0x38: {  	[sflag:s29] =	ssyncset.done $0x0  }
0x39: {  	s13 =	sadd.s32 $0xFFFFFF80, s6;
	[sflag:s29] =	ssyncadd.s32 $0xFFFFD800  }
0x3a: {  	[spmem:s1] =	stream.indirect.scatter.add.f32 [tilespmem:s24], [sflag:$0x8], $0x80, s13, s21, $0xb8;
	[tilespmem:$0x1FA00] =	vst v63  }
0x3b: {  	_ =	swait.ge [sflag:s20], $0x80  }
0x3c: {  	s12 =	sadd.s32 $0xFFFFFF80, s11;
	[sflag:s20] =	ssyncset.done $0x0  }
0x3d: {  	s13 =	sand.u32 $0xFC00, s12;
	[sflag:s20] =	ssyncadd.s32 $0xFFFFFF80  }
0x3e: {  	s12 =	sand.u32 $0x380, s12;
	s13 =	sadd.s32 s7, s13;
	_ =	swait.ge [sflag:s30], $0x2800  }
0x3f: {  	s12 =	sor.u32 s12, s13;
	[sflag:s30] =	ssyncset.done $0x0  }
0x40: {  	s12 =	sshrl.u32 s12, $0x3;
	[sflag:s30] =	ssyncadd.s32 $0xFFFFD800  }
0x41: {  	[tilespmem:s22], [sflag:$0x1] =	stream.indirect.gather [hbm4b:s4+s21], $0x80, s3, s21, $0xb8;
	[tilespmem:$0x1FA00] =	vst v63  }
0x42: {  	s12 =	sadd.s32 s5, s12  }
0x43: {  	[tilespmem:s18], [sflag:$0x5] =	stream.linear.gather [hbm4b:s12+s3], $0x80, $0x38;
	[tilespmem:$0x1FA00] =	vst v63  }
0x44: {  	_ =	swait.ge [sflag:s31], $0x2800  }
0x45: {  	[sflag:s31] =	ssyncset.done $0x0  }
0x46: {  	[sflag:s31] =	ssyncadd.s32 $0xFFFFD800  }
0x47: {  	[spmem:s1] =	stream.indirect.scatter.add.f32 [tilespmem:s28], [sflag:$0x9], $0x80, s6, s21, $0xb8;
	[tilespmem:$0x1FA00] =	vst v63  }
0x48: {  	_ =	swait.ge [sflag:s23], $0x80  }
0x49: {  	[sflag:s23] =	ssyncset.done $0x0  }
0x4a: {  	s13 =	sand.u32 $0xFC00, s11;
	[sflag:s23] =	ssyncadd.s32 $0xFFFFFF80  }
0x4b: {  	s12 =	sadd.s32 s7, s13;
	s13 =	sand.u32 $0x380, s11;
	_ =	swait.ge [sflag:s0], $0x2800  }
0x4c: {  	s12 =	sor.u32 s13, s12;
	[sflag:s0] =	ssyncset.done $0x0  }
0x4d: {  	s10 =	sadd.s32 $0xFFFFFFFF, s10;
	s12 =	sshrl.u32 s12, $0x3;
	[sflag:s0] =	ssyncadd.s32 $0xFFFFD800  }
0x4e: {  	[tilespmem:s24], [sflag:$0x2] =	stream.indirect.gather [hbm4b:s4+s21], $0x80, s18, s21, $0xb8;
	[tilespmem:$0x1FA00] =	vst v63  }
0x4f: {  	s11 =	sadd.s32 $0x180, s11;
	s12 =	sadd.s32 s5, s12;
	s6 =	sadd.s32 $0x180, s6  }
0x50: {  	[tilespmem:s19], [sflag:$0x6] =	stream.linear.gather [hbm4b:s12+s3], $0x80, $0x38;
	[tilespmem:$0x1FA00] =	vst v63  }
.LBB2_2:
0x51: {  	_ =	swait.ge [sflag:s25], $0x2800  }
0x52: {  	p0 =	sne.s32 s10, $0x29;
	[sflag:s25] =	ssyncset.done $0x0  }
.Ltmp1:
0x53: {  	s12 =	sadd.s32 $0xFFFFFF00, s6;
	[sflag:s25] =	ssyncadd.s32 $0xFFFFD800;
	(pc) =	sbr.rel @!p0 .LBB2_3-.Ltmp1, $4  }
0x54: {  	[spmem:s1] =	stream.indirect.scatter.add.f32 [tilespmem:s22], [sflag:$0x7], $0x80, s12, s21, $0xb8;
	[tilespmem:$0x1FA00] =	vst v63  }
0x55: {  	_ =	swait.ge [sflag:s26], $0x80  }
0x56: {  	[sflag:s26] =	ssyncset.done $0x0  }
0x57: {  	[sflag:s26] =	ssyncadd.s32 $0xFFFFFF80  }
0x58: {  	p0 =	seq.s32 s10, $0x0  }
.Ltmp2:
0x59: {  	_ = 	snop;
	(pc) =	sbr.rel @!p0 .LBB2_5-.Ltmp2, $4  }
0x5a: {  	_ =	swait.ge [sflag:s2], $0x2800  }
0x5b: {  	[sflag:s2] =	ssyncset.done $0x0  }
0x5c: {  	[sflag:s2] =	ssyncadd.s32 $0xFFFFD800  }
0x5d: {  	[tilespmem:s28], [sflag:$0x3] =	stream.indirect.gather [hbm4b:s4+s21], $0x80, s19, s21, $0xb8;
	[tilespmem:$0x1FA00] =	vst v63  }
0x5e: {  	_ =	swait.ge [sflag:s29], $0x2800  }
0x5f: {  	[sflag:s29] =	ssyncset.done $0x0  }
0x60: {  	s10 =	sadd.s32 $0xFFFFFF80, s6;
	[sflag:s29] =	ssyncadd.s32 $0xFFFFD800  }
0x61: {  	[spmem:s1] =	stream.indirect.scatter.add.f32 [tilespmem:s24], [sflag:$0x8], $0x80, s10, s21, $0xb8;
	[tilespmem:$0x1FA00] =	vst v63  }
0x62: {  	_ =	swait.ge [sflag:s31], $0x2800  }
0x63: {  	[sflag:s31] =	ssyncset.done $0x0  }
0x64: {  	[sflag:s31] =	ssyncadd.s32 $0xFFFFD800  }
0x65: {  	[spmem:s1] =	stream.indirect.scatter.add.f32 [tilespmem:s28], [sflag:$0x9], $0x80, s6, s21, $0xb8;
	[tilespmem:$0x1FA00] =	vst v63  }
0x66: {  	_ =	swait.ge [sflag:s30], $0x2800  }
0x67: {  	[sflag:s30] =	ssyncset.done $0x0  }
0x68: {  	[sflag:s30] =	ssyncadd.s32 $0xFFFFD800  }
0x69: {  	_ =	swait.ge [sflag:s0], $0x2800  }
0x6a: {  	[sflag:s0] =	ssyncset.done $0x0  }
0x6b: {  	[sflag:s0] =	ssyncadd.s32 $0xFFFFD800  }
0x6c: {  	_ =	swait.ge [sflag:s2], $0x2800  }
0x6d: {  	[sflag:s2] =	ssyncset.done $0x0  }
0x6e: {  	s17 =	sadd.s32 $0x1, s17;
	[sflag:s2] =	ssyncadd.s32 $0xFFFFD800  }
0x6f: {  	p0 =	sne.s32 s17, s14;
	[bflag:$0x0] =	sbarrier.arrive $0xFFFF  }
.Ltmp3:
0x70: {  	s13 =	rddreg [dreg:$0x8];
	(pc) =	sbr.rel @p0 .LBB2_1-.Ltmp3, $4  }
0x71: {  	[hbm:s13], [sflag:s8] =	dma.local [spmem:s15], $0x2800  }
0x72: {  	_ =	swait.ge [sflag:s16], $0x2800  }
0x73: {  	[sflag:s16] =	ssyncset.done $0x0  }
0x74: {  	[sflag:s16] =	ssyncadd.s32 $0xFFFFD800  }
0x75: {  	_ =	sfence.sel $0x180000  }
0x76: {  	[bflag:$0x0] =	sbarrier.arrive $0xFFFF  }
0x77: {  	_ =	strace $0x90000050  }
0x78: {  	s0 =	stileid.u32;
	[bflag:$0x2] =	sbarrier.arrive $0xFFFF  }
0x79: {  	p0 =	sne.s32 s0, $0x0;
	s0 =	rddreg [dreg:$0x3]  }
0x7a: {  	s0 =	sadd.s32 @!p0 $0x100000, s0  }
0x7b: {  	[sflag:s0] =	ssyncadd.tile.s32 @!p0 $0x1;
	_ =	shalt  }
.Lfunc_end2:
_tile_overlayer_lowered:
.L_overlay_start_2:
0x7c: {  	(tag) =	ssettag $0x2  }
0x7d: {  	s0 =	rddreg [dreg:$0x0];
	s2 =	stileid.u32  }
0x7e: {  	s1 =	rddreg [dreg:$0x1];
	p0 =	sne.s32 s2, $0x0  }
0x7f: {  	s3 =	rddreg [dreg:$0x2];
	[bflag:$0x3] =	sbarrier.arrive $0xFFFF;
	s2 =	simm.s32 @!p0 $0x1C0A  }
0x80: {  	[timem:s3], [sflag:s2] =	dma.local @!p0 [hbm:s0], s1  }
0x81: {  	s0 =	simm.s32 @!p0 $0xA  }
0x82: {  	_ =	swait.ge @!p0 [sflag:s0], s1  }
0x83: {  	s1 =	ssub.s32 @!p0 $0x0, s1;
	[sflag:s0] =	ssyncset.done @!p0 $0x0  }
0x84: {  	[sflag:s0] =	ssyncadd.s32 @!p0 s1  }
0x85: {  	[bflag:$0x3] =	sbarrier.arrive $0xFFFF  }
0x86: {  	_ =	shalt  }

</sc_bundles>
